<compile_context>
chip_gen: v7x
topology: tpu7x:2x2x1
jax: 0.10.2.dev20260603
libtpu: 0.0.44.dev20260713+nightly
codegen_flags: <defaults>
</compile_context>

<pallas_src>
import functools

import jax
import jax.numpy as jnp
from jax import lax
from jax.experimental import pallas as pl
from jax.experimental.pallas import tpu as pltpu
from jax.experimental.pallas import tpu_sc as plsc

N = 10000
D = 128
H = 128
E = 320000

NUM_CORES = 2
NUM_SUBCORES = 16
NUM_WORKERS = NUM_CORES * NUM_SUBCORES

N_PAD = 10240
RPS = N_PAD // NUM_SUBCORES
EB = 128
NB = 80
NBC = 40
CH = NBC * EB
EPW = E // NUM_WORKERS
PADW = NB * EB - EPW
DMAX = EB - EPW % EB
DEGL = EPW + DMAX
CHL = (CH + EB, CH - PADW + DMAX)

RT = 400
_G = N // RT



@functools.lru_cache(maxsize=1)
def _sc_kernels():
    mesh = plsc.VectorSubcoreMesh(core_axis_name="c", subcore_axis_name="s")

    @functools.partial(
        pl.kernel,
        mesh=mesh,
        out_type=jax.ShapeDtypeStruct((NUM_WORKERS, N_PAD), jnp.float32),
        compiler_params=pltpu.CompilerParams(needs_layout_passes=False),
        scratch_types=[
            pltpu.VMEM((1, 2, DEGL), jnp.int32),
            pltpu.VMEM((N_PAD,), jnp.float32),
            pltpu.SemaphoreType.DMA,
        ],
    )
    def _deg_kernel(ei_hbm, deg_hbm, idx_v, hist_v, dsem):
        cid = lax.axis_index("c")
        sid = lax.axis_index("s")
        wid = cid * NUM_SUBCORES + sid
        delta = lax.rem(wid * (EPW % EB), EB)
        astart = pl.multiple_of(wid * EPW - delta, EB)
        idx_cp = pltpu.async_copy(
            ei_hbm.at[:, pl.ds(astart, DEGL)], idx_v.at[0], dsem
        )
        z16 = jnp.zeros((16,), jnp.float32)

        def _zero(i, c):
            hist_v[pl.ds(i * 16, 16)] = z16
            return c

        lax.fori_loop(0, N_PAD // 16, _zero, 0)
        idx_cp.wait()

        ones = jnp.ones((16,), jnp.float32)

        def _grp(g, c):
            idx = idx_v[0, 1, pl.ds(delta + g * 16, 16)]
            plsc.addupdate_scatter(hist_v, [idx], ones)
            return c

        lax.fori_loop(0, EPW // 16, _grp, 0)
        pltpu.sync_copy(hist_v, deg_hbm.at[wid])

    @functools.partial(
        pl.kernel,
        mesh=mesh,
        out_type=jax.ShapeDtypeStruct((NUM_CORES, N, H), jnp.float32),
        scratch_types=[
            pltpu.VMEM((CH,), jnp.int32),
            pltpu.VMEM((CH,), jnp.int32),
            pltpu.VMEM((NBC, EB), jnp.int32),
            pltpu.VMEM((EB, H), jnp.float32),
            pltpu.VMEM((EB, H), jnp.float32),
            pltpu.VMEM_SHARED((N_PAD, H), jnp.float32),
            pltpu.SemaphoreType.DMA,
            pltpu.SemaphoreType.DMA,
        ],
    )
    def _spmm_kernel(xs_hbm, ei_hbm, p_hbm, src1d, dst1d, dst2d, rows0,
                     rows1, acc_sh, sem0, sem1):
        cid = lax.axis_index("c")
        sid = lax.axis_index("s")
        wid = cid * NUM_SUBCORES + sid

        def _load_chunk(chunk):
            nreal = CH if chunk == 0 else CH - PADW
            off = wid * EPW + chunk * CH
            pltpu.sync_copy(
                ei_hbm.at[pl.ds(off, nreal)], src1d.at[pl.ds(0, nreal)]
            )
            pltpu.sync_copy(
                ei_hbm.at[pl.ds(E + off, nreal)], dst1d.at[pl.ds(0, nreal)]
            )
            if chunk != 0:
                lane = lax.broadcasted_iota(jnp.int32, (16,), 0)
                for k in range(PADW // 16):
                    v = lane + (k * 16)
                    src1d[pl.ds(nreal + k * 16, 16)] = v
                    dst1d[pl.ds(nreal + k * 16, 16)] = N + v

        def _repack_dst(b, c):
            for j in range(EB // 16):
                dst2d[b, pl.ds(j * 16, 16)] = dst1d[pl.ds(b * EB + j * 16, 16)]
            return c

        _load_chunk(0)

        def _gather(b, buf, sem):
            return pltpu.async_copy(
                xs_hbm.at[src1d.at[pl.ds(b * EB, EB)]], buf, sem
            )

        _gather(0, rows0, sem0)
        lax.fori_loop(0, NBC, _repack_dst, 0)

        z16 = jnp.zeros((16,), jnp.float32)

        def _zero_row(r, c):
            for j in range(H // 16):
                rows1[r, pl.ds(j * 16, 16)] = z16
            return c

        lax.fori_loop(0, EB, _zero_row, 0)
        base = sid * RPS
        for k in range(RPS // EB):
            pltpu.sync_copy(rows1, acc_sh.at[pl.ds(base + k * EB, EB)])
        plsc.subcore_barrier()

        def _scatter(b, buf):
            pltpu.sync_copy(buf, acc_sh.at[dst2d.at[b]], add=True)

        def _pair(i, c):
            g = i * 2
            h1 = _gather(g + 1, rows1, sem1)
            pltpu.make_async_copy(
                xs_hbm.at[src1d.at[pl.ds(g * EB, EB)]], rows0, sem0
            ).wait()
            _scatter(g, rows0)

            @pl.when(g + 2 < NBC)
            def _():
                _gather(g + 2, rows0, sem0)

            h1.wait()
            _scatter(g + 1, rows1)
            return c

        for chunk in range(NB // NBC):
            if chunk > 0:
                _load_chunk(chunk)
                _gather(0, rows0, sem0)
                lax.fori_loop(0, NBC, _repack_dst, 0)
            lax.fori_loop(0, NBC // 2, _pair, 0)
        plsc.subcore_barrier()

        last = NUM_SUBCORES - 1

        @pl.when(sid < last)
        def _():
            pltpu.sync_copy(
                acc_sh.at[pl.ds(base, RPS)], p_hbm.at[cid, pl.ds(base, RPS)]
            )

        @pl.when(sid == last)
        def _():
            pltpu.sync_copy(
                acc_sh.at[pl.ds(last * RPS, N - last * RPS)],
                p_hbm.at[cid, pl.ds(last * RPS, N - last * RPS)],
            )

    return _deg_kernel, _spmm_kernel




def _tc1_body(x_ref, w1_ref, degp_ref, xs1_ref, dinv_ref):
    dinv = lax.rsqrt(1.0 + jnp.sum(degp_ref[...], axis=0))
    dinv_ref[...] = dinv[:, None]
    xs1_ref[...] = jnp.dot(
        x_ref[...], w1_ref[...], preferred_element_type=jnp.float32
    ) * dinv[:, None]


def _tc2_body(p_ref, xs1_ref, dinv_ref, w2_ref, b1_ref, x1_ref, xs2_ref):
    dinv = dinv_ref[...]
    agg = (p_ref[0] + p_ref[1] + xs1_ref[...]) * dinv + b1_ref[...]
    x1 = jax.nn.sigmoid(agg)
    x1_ref[...] = x1
    xs2_ref[...] = jnp.dot(
        x1, w2_ref[...], preferred_element_type=jnp.float32
    ) * dinv


def _tc3_body(q_ref, xs2_ref, dinv_ref, b2_ref, outbuf_ref, out_ref):
    del outbuf_ref
    dinv = dinv_ref[...]
    y = (q_ref[0] + q_ref[1] + xs2_ref[...]) * dinv + b2_ref[...]
    out_ref[...] = jnp.maximum(y, 0.0)


_tc1 = pl.pallas_call(
    _tc1_body,
    grid=(N_PAD // RPS,),
    in_specs=[
        pl.BlockSpec((RPS, D), lambda i: (i, 0)),
        pl.BlockSpec((D, H), lambda i: (0, 0)),
        pl.BlockSpec((NUM_WORKERS, RPS), lambda i: (0, i)),
    ],
    out_specs=[
        pl.BlockSpec((RPS, H), lambda i: (i, 0)),
        pl.BlockSpec((RPS, 1), lambda i: (i, 0)),
    ],
    out_shape=[
        jax.ShapeDtypeStruct((N_PAD, H), jnp.float32),
        jax.ShapeDtypeStruct((N_PAD, 1), jnp.float32),
    ],
)

_tc2 = pl.pallas_call(
    _tc2_body,
    grid=(_G,),
    in_specs=[
        pl.BlockSpec((NUM_CORES, RT, H), lambda i: (0, i, 0)),
        pl.BlockSpec((RT, H), lambda i: (i, 0)),
        pl.BlockSpec((RT, 1), lambda i: (i, 0)),
        pl.BlockSpec((H, D), lambda i: (0, 0)),
        pl.BlockSpec((1, H), lambda i: (0, 0)),
    ],
    out_specs=[
        pl.BlockSpec((RT, H), lambda i: (i, 0)),
        pl.BlockSpec((RT, D), lambda i: (i, 0)),
    ],
    out_shape=[
        jax.ShapeDtypeStruct((N, H + D), jnp.float32),
        jax.ShapeDtypeStruct((N, D), jnp.float32),
    ],
)

_tc3 = pl.pallas_call(
    _tc3_body,
    grid=(_G,),
    in_specs=[
        pl.BlockSpec((NUM_CORES, RT, D), lambda i: (0, i, 0)),
        pl.BlockSpec((RT, D), lambda i: (i, 0)),
        pl.BlockSpec((RT, 1), lambda i: (i, 0)),
        pl.BlockSpec((1, D), lambda i: (0, 0)),
        pl.BlockSpec(memory_space=pl.ANY),
    ],
    out_specs=pl.BlockSpec((RT, D), lambda i: (i, 1)),
    out_shape=jax.ShapeDtypeStruct((N, H + D), jnp.float32),
    input_output_aliases={4: 0},
)




def kernel(x, edge_index, W1, b1, W2, b2):
    b1r = b1.reshape(1, H)
    b2r = b2.reshape(1, D)
    x_pad = jnp.concatenate([x, jnp.zeros((N_PAD - N, D), jnp.float32)])

    _deg_kernel, _spmm_kernel = _sc_kernels()
    ei_flat = edge_index.reshape(2 * E)
    degp = _deg_kernel(edge_index)
    xs1, dinv = _tc1(x_pad, W1, degp)
    p = _spmm_kernel(xs1, ei_flat)
    outbuf, xs2 = _tc2(p, xs1, dinv, W2, b1r)
    q = _spmm_kernel(xs2, ei_flat)
    return _tc3(q, xs2, dinv, b2r, outbuf)

# --- scband reference (transcript-rebuilt; emitter-appended) ---
"""Pipeline reference for scband-net-7352984011134 (READ-ONLY COPY).

The authoritative reference and input builder live on the scoring server;
editing this copy changes nothing except your own understanding.
"""

import jax, jax.numpy as jnp
import numpy as np

N = 10000
E = 320000
D = 128
H = 128


def setup_inputs(seed: int = 0) -> dict:
    key = jax.random.key(seed)
    k1, k2, k3, k4, k5, k6 = jax.random.split(key, 6)
    x = jax.random.normal(k1, (N, D), dtype=jnp.float32)
    edge_index = jax.random.randint(k2, (2, E), 0, N, dtype=jnp.int32)
    W1 = jax.random.normal(k3, (D, H), dtype=jnp.float32) * 0.05
    b1 = jnp.zeros((H,), dtype=jnp.float32)
    W2 = jax.random.normal(k4, (H, D), dtype=jnp.float32) * 0.05
    b2 = jnp.zeros((D,), dtype=jnp.float32)
    return {"x": x, "edge_index": edge_index, "W1": W1, "b1": b1, "W2": W2, "b2": b2}


def reference(x, edge_index, W1, b1, W2, b2):
    # Net.encode: conv1 -> sigmoid -> dropout(eval: identity) -> conv2 -> cat(x, relu(y))
    n = x.shape[0]
    loop = jnp.arange(n, dtype=edge_index.dtype)
    src = jnp.concatenate([edge_index[0], loop])
    dst = jnp.concatenate([edge_index[1], loop])
    # symmetric normalization with self-loops (PyG GCNConv default)
    deg = jnp.zeros((n,), dtype=jnp.float32).at[dst].add(1.0)
    dinv = jnp.where(deg > 0, 1.0 / jnp.sqrt(deg), 0.0)
    norm = dinv[src] * dinv[dst]

    def gcn_conv(h, W, b):
        h = h @ W
        msg = h[src] * norm[:, None]
        agg = jnp.zeros((n, W.shape[1]), dtype=h.dtype).at[dst].add(msg)
        return agg + b

    x1 = jax.nn.sigmoid(gcn_conv(x, W1, b1))
    y = gcn_conv(x1, W2, b2)  # dropout is identity in eval mode
    return jnp.concatenate([x1, jax.nn.relu(y)], axis=1)

if __name__ == "__main__":
    import jax
    _d = setup_inputs()
    print(jax.jit(kernel)(*tuple(_d.values())))

</pallas_src>

<mosaic_0001>
#map = affine_map<(d0, d1) -> (0, 0)>
module attributes {stable_mosaic.version = 14 : i64} {
  func.func @_deg_kernel(%arg0: i32, %arg1: i32, %arg2: memref<2x320000xi32, #tpu.memory_space<hbm>>, %arg3: memref<32x10240xf32, #tpu.memory_space<hbm>>, %arg4: memref<1x2x10112xi32, #tpu.memory_space<vmem>>, %arg5: memref<10240xf32, #tpu.memory_space<vmem>>, %arg6: memref<!tpu.dma_semaphore, #tpu.memory_space<semaphore_mem>>) attributes {dimension_semantics = [#tpu.dimension_semantics<core_parallel>, #tpu.dimension_semantics<subcore_parallel>], iteration_bounds = array<i64: 2, 16>, scalar_prefetch = 0 : i64, scratch_operands = 3 : i64, tpu.core_type = #tpu.core_type<sc_vector_subcore>, window_params = [{transform_indices = #map}, {transform_indices = #map}]} {
    %mul3A = arith.constant 16 : i32
    %mul3A_0 = arith.muli %arg0, %mul3A : i32
    %add3A = arith.addi %mul3A_0, %arg1 : i32
    %mul3A_1 = arith.constant 16 : i32
    %mul3A_2 = arith.muli %add3A, %mul3A_1 : i32
    %rem3A = arith.constant 128 : i32
    %rem3A_3 = arith.remsi %mul3A_2, %rem3A : i32
    %mul3A_4 = arith.constant 10000 : i32
    %mul3A_5 = arith.muli %add3A, %mul3A_4 : i32
    %sub3A = arith.subi %mul3A_5, %rem3A_3 : i32
    %multiple_of3A = tpu.assume_multiple %sub3A, 128 : i32
    %dma_start3A = arith.constant 0 : i32
    %dma_start3A_6 = arith.constant 0 : i32
    %dma_start3A_7 = arith.constant 0 : i32
    %dma_start3A_8 = tpu.memref_slice %arg4[%dma_start3A, %dma_start3A_6, %dma_start3A_7] : memref<1x2x10112xi32, #tpu.memory_space<vmem>> -> memref<1x2x10112xi32, #tpu.memory_space<vmem>>
    %dma_start3A_9 = tpu.memref_squeeze %dma_start3A_8 : memref<1x2x10112xi32, #tpu.memory_space<vmem>> -> memref<2x10112xi32, #tpu.memory_space<vmem>>
    %dma_start3A_10 = arith.constant 0 : i32
    %dma_start3A_11 = tpu.memref_slice %arg2[%dma_start3A_10, %multiple_of3A] : memref<2x320000xi32, #tpu.memory_space<hbm>> -> memref<2x10112xi32, #tpu.memory_space<hbm>>
    %dma_start3A_12 = arith.constant 0 : i32
    %dma_start3A_13 = arith.constant 0 : i32
    %dma_start3A_14 = tpu.memref_slice %arg4[%dma_start3A, %dma_start3A_12, %dma_start3A_13] : memref<1x2x10112xi32, #tpu.memory_space<vmem>> -> memref<1x2x10112xi32, #tpu.memory_space<vmem>>
    %dma_start3A_15 = tpu.memref_squeeze %dma_start3A_14 : memref<1x2x10112xi32, #tpu.memory_space<vmem>> -> memref<2x10112xi32, #tpu.memory_space<vmem>>
    %dma_start3A_16 = arith.constant 0 : i32
    %dma_start3A_17 = tpu.memref_slice %arg2[%dma_start3A_16, %multiple_of3A] : memref<2x320000xi32, #tpu.memory_space<hbm>> -> memref<2x10112xi32, #tpu.memory_space<hbm>>
    tpu.enqueue_dma source(%dma_start3A_17 : memref<2x10112xi32, #tpu.memory_space<hbm>>) target(%dma_start3A_15 : memref<2x10112xi32, #tpu.memory_space<vmem>>) target_semaphore(%arg6 : memref<!tpu.dma_semaphore, #tpu.memory_space<semaphore_mem>>)
    %broadcast_in_dim3A = arith.constant 0.000000e+00 : f32
    %broadcast_in_dim3A_18 = vector.broadcast %broadcast_in_dim3A : f32 to vector<16xf32>
    %scan3A = arith.constant 0 : i32
    %scan3A_19 = arith.constant 0 : i32
    %scan3A_20 = arith.constant 640 : i32
    %scan3A_21 = arith.addi %scan3A_19, %scan3A_20 : i32
    %scan3A_22 = arith.constant 1 : i32
    scf.for %scan3A_44 = %scan3A_19 to %scan3A_21 step %scan3A_22  : i32 {
      %mul3A_45 = arith.constant 16 : i32
      %mul3A_46 = arith.muli %scan3A_44, %mul3A_45 : i32
      %swap3A = arith.index_cast %mul3A_46 : i32 to index
      %swap3A_47 = tpu.vector_load %arg5[%swap3A] {strides = array<i32>} : memref<10240xf32, #tpu.memory_space<vmem>>, vector<16xf32>,
      tpu.vector_store %arg5[%swap3A], %broadcast_in_dim3A_18 {strides = array<i32>} : memref<10240xf32, #tpu.memory_space<vmem>>, vector<16xf32>,
    }
    %scan3A_23 = arith.constant 640 : i32
    %dma_wait3A = arith.constant 0 : i32
    %dma_wait3A_24 = arith.constant 0 : i32
    %dma_wait3A_25 = arith.constant 0 : i32
    %dma_wait3A_26 = tpu.memref_slice %arg4[%dma_wait3A, %dma_wait3A_24, %dma_wait3A_25] : memref<1x2x10112xi32, #tpu.memory_space<vmem>> -> memref<1x2x10112xi32, #tpu.memory_space<vmem>>
    %dma_wait3A_27 = tpu.memref_squeeze %dma_wait3A_26 : memref<1x2x10112xi32, #tpu.memory_space<vmem>> -> memref<2x10112xi32, #tpu.memory_space<vmem>>
    %dma_wait3A_28 = arith.constant 0 : i32
    %dma_wait3A_29 = tpu.memref_slice %arg2[%dma_wait3A_28, %multiple_of3A] : memref<2x320000xi32, #tpu.memory_space<hbm>> -> memref<2x10112xi32, #tpu.memory_space<hbm>>
    %dma_wait3A_30 = arith.constant 0 : i32
    %dma_wait3A_31 = arith.constant 0 : i32
    %dma_wait3A_32 = tpu.memref_slice %arg4[%dma_wait3A, %dma_wait3A_30, %dma_wait3A_31] : memref<1x2x10112xi32, #tpu.memory_space<vmem>> -> memref<1x2x10112xi32, #tpu.memory_space<vmem>>
    %dma_wait3A_33 = tpu.memref_squeeze %dma_wait3A_32 : memref<1x2x10112xi32, #tpu.memory_space<vmem>> -> memref<2x10112xi32, #tpu.memory_space<vmem>>
    %dma_wait3A_34 = arith.constant 0 : i32
    %dma_wait3A_35 = tpu.memref_slice %arg2[%dma_wait3A_34, %multiple_of3A] : memref<2x320000xi32, #tpu.memory_space<hbm>> -> memref<2x10112xi32, #tpu.memory_space<hbm>>
    tpu.wait_dma2 semaphore(%arg6 : memref<!tpu.dma_semaphore, #tpu.memory_space<semaphore_mem>>) src(%dma_wait3A_35 : memref<2x10112xi32, #tpu.memory_space<hbm>>) dst(%dma_wait3A_33 : memref<2x10112xi32, #tpu.memory_space<vmem>>)
    %broadcast_in_dim3A_36 = arith.constant 1.000000e+00 : f32
    %broadcast_in_dim3A_37 = vector.broadcast %broadcast_in_dim3A_36 : f32 to vector<16xf32>
    %scan3A_38 = arith.constant 0 : i32
    %scan3A_39 = arith.constant 0 : i32
    %scan3A_40 = arith.constant 625 : i32
    %scan3A_41 = arith.addi %scan3A_39, %scan3A_40 : i32
    %scan3A_42 = arith.constant 1 : i32
    scf.for %scan3A_44 = %scan3A_39 to %scan3A_41 step %scan3A_42  : i32 {
      %mul3A_45 = arith.constant 16 : i32
      %mul3A_46 = arith.muli %scan3A_44, %mul3A_45 : i32
      %add3A_47 = arith.addi %rem3A_3, %mul3A_46 : i32
      %get3A = arith.constant 0 : i32
      %get3A_48 = arith.constant 1 : i32
      %get3A_49 = arith.index_cast %get3A : i32 to index
      %get3A_50 = arith.index_cast %get3A_48 : i32 to index
      %get3A_51 = arith.index_cast %add3A_47 : i32 to index
      %get3A_52 = tpu.vector_load %arg4[%get3A_49, %get3A_50, %get3A_51] {strides = array<i32>} : memref<1x2x10112xi32, #tpu.memory_space<vmem>>, vector<16xi32>,
      tpu.vector_store_idx %arg5[%get3A_52], %broadcast_in_dim3A_37 {add = true} : memref<10240xf32, #tpu.memory_space<vmem>>[vector<16xi32>], vector<16xf32>,
    }
    %scan3A_43 = arith.constant 625 : i32
    "tpu.region"() ({
      %run_scoped3A = tpu.sem_alloc : memref<!tpu.dma_semaphore, #tpu.memory_space<semaphore_mem>>
      %dma_start3A_44 = arith.constant 0 : i32
      %dma_start3A_45 = tpu.memref_slice %arg3[%add3A, %dma_start3A_44] : memref<32x10240xf32, #tpu.memory_space<hbm>> -> memref<1x10240xf32, #tpu.memory_space<hbm>>
      %dma_start3A_46 = tpu.memref_squeeze %dma_start3A_45 : memref<1x10240xf32, #tpu.memory_space<hbm>> -> memref<10240xf32, #tpu.memory_space<hbm>>
      %dma_start3A_47 = arith.constant 0 : i32
      %dma_start3A_48 = tpu.memref_slice %arg3[%add3A, %dma_start3A_47] : memref<32x10240xf32, #tpu.memory_space<hbm>> -> memref<1x10240xf32, #tpu.memory_space<hbm>>
      %dma_start3A_49 = tpu.memref_squeeze %dma_start3A_48 : memref<1x10240xf32, #tpu.memory_space<hbm>> -> memref<10240xf32, #tpu.memory_space<hbm>>
      tpu.enqueue_dma source(%arg5 : memref<10240xf32, #tpu.memory_space<vmem>>) target(%dma_start3A_49 : memref<10240xf32, #tpu.memory_space<hbm>>) target_semaphore(%run_scoped3A : memref<!tpu.dma_semaphore, #tpu.memory_space<semaphore_mem>>)
      %dma_wait3A_50 = arith.constant 0 : i32
      %dma_wait3A_51 = tpu.memref_slice %arg3[%add3A, %dma_wait3A_50] : memref<32x10240xf32, #tpu.memory_space<hbm>> -> memref<1x10240xf32, #tpu.memory_space<hbm>>
      %dma_wait3A_52 = tpu.memref_squeeze %dma_wait3A_51 : memref<1x10240xf32, #tpu.memory_space<hbm>> -> memref<10240xf32, #tpu.memory_space<hbm>>
      %dma_wait3A_53 = arith.constant 0 : i32
      %dma_wait3A_54 = tpu.memref_slice %arg3[%add3A, %dma_wait3A_53] : memref<32x10240xf32, #tpu.memory_space<hbm>> -> memref<1x10240xf32, #tpu.memory_space<hbm>>
      %dma_wait3A_55 = tpu.memref_squeeze %dma_wait3A_54 : memref<1x10240xf32, #tpu.memory_space<hbm>> -> memref<10240xf32, #tpu.memory_space<hbm>>
      tpu.wait_dma2 semaphore(%run_scoped3A : memref<!tpu.dma_semaphore, #tpu.memory_space<semaphore_mem>>) src(%arg5 : memref<10240xf32, #tpu.memory_space<vmem>>) dst(%dma_wait3A_55 : memref<10240xf32, #tpu.memory_space<hbm>>)
      tpu.yield
    }) : () -> ()
    return
  }
}

#map = affine_map<(d0, d1) -> (0, 0)>
#map1 = affine_map<(d0, d1) -> (0)>
#map2 = affine_map<(d0, d1) -> (0, 0, 0)>
module attributes {stable_mosaic.version = 14 : i64} {
  func.func @_spmm_kernel(%arg0: i32, %arg1: i32, %arg2: memref<10240x128xf32, #tpu.memory_space<hbm>>, %arg3: memref<640000xi32, #tpu.memory_space<hbm>>, %arg4: memref<2x10000x128xf32, #tpu.memory_space<hbm>>, %arg5: memref<5120xi32, #tpu.memory_space<vmem>>, %arg6: memref<5120xi32, #tpu.memory_space<vmem>>, %arg7: memref<40x128xi32, #tpu.memory_space<vmem>>, %arg8: memref<128x128xf32, #tpu.memory_space<vmem>>, %arg9: memref<128x128xf32, #tpu.memory_space<vmem>>, %arg10: memref<10240x128xf32, #tpu.memory_space<vmem_shared>>, %arg11: memref<!tpu.dma_semaphore, #tpu.memory_space<semaphore_mem>>, %arg12: memref<!tpu.dma_semaphore, #tpu.memory_space<semaphore_mem>>) attributes {dimension_semantics = [#tpu.dimension_semantics<core_parallel>, #tpu.dimension_semantics<subcore_parallel>], iteration_bounds = array<i64: 2, 16>, scalar_prefetch = 0 : i64, scratch_operands = 8 : i64, tpu.core_type = #tpu.core_type<sc_vector_subcore>, window_params = [{transform_indices = #map}, {transform_indices = #map1}, {transform_indices = #map2}]} {
    %mul3A = arith.constant 16 : i32
    %mul3A_0 = arith.muli %arg0, %mul3A : i32
    %add3A = arith.addi %mul3A_0, %arg1 : i32
    %mul3A_1 = arith.constant 10000 : i32
    %mul3A_2 = arith.muli %add3A, %mul3A_1 : i32
    %add3A_3 = arith.constant 0 : i32
    %add3A_4 = arith.addi %mul3A_2, %add3A_3 : i32
    "tpu.region"() ({
      %run_scoped3A = tpu.sem_alloc : memref<!tpu.dma_semaphore, #tpu.memory_space<semaphore_mem>>
      %dma_start3A_280 = arith.constant 0 : i32
      %dma_start3A_281 = tpu.memref_slice %arg5[%dma_start3A_280] : memref<5120xi32, #tpu.memory_space<vmem>> -> memref<5120xi32, #tpu.memory_space<vmem>>
      %dma_start3A_282 = tpu.memref_slice %arg3[%add3A_4] : memref<640000xi32, #tpu.memory_space<hbm>> -> memref<5120xi32, #tpu.memory_space<hbm>>
      %dma_start3A_283 = arith.constant 0 : i32
      %dma_start3A_284 = tpu.memref_slice %arg5[%dma_start3A_283] : memref<5120xi32, #tpu.memory_space<vmem>> -> memref<5120xi32, #tpu.memory_space<vmem>>
      %dma_start3A_285 = tpu.memref_slice %arg3[%add3A_4] : memref<640000xi32, #tpu.memory_space<hbm>> -> memref<5120xi32, #tpu.memory_space<hbm>>
      tpu.enqueue_dma source(%dma_start3A_285 : memref<5120xi32, #tpu.memory_space<hbm>>) target(%dma_start3A_284 : memref<5120xi32, #tpu.memory_space<vmem>>) target_semaphore(%run_scoped3A : memref<!tpu.dma_semaphore, #tpu.memory_space<semaphore_mem>>)
      %dma_wait3A = arith.constant 0 : i32
      %dma_wait3A_286 = tpu.memref_slice %arg5[%dma_wait3A] : memref<5120xi32, #tpu.memory_space<vmem>> -> memref<5120xi32, #tpu.memory_space<vmem>>
      %dma_wait3A_287 = tpu.memref_slice %arg3[%add3A_4] : memref<640000xi32, #tpu.memory_space<hbm>> -> memref<5120xi32, #tpu.memory_space<hbm>>
      %dma_wait3A_288 = arith.constant 0 : i32
      %dma_wait3A_289 = tpu.memref_slice %arg5[%dma_wait3A_288] : memref<5120xi32, #tpu.memory_space<vmem>> -> memref<5120xi32, #tpu.memory_space<vmem>>
      %dma_wait3A_290 = tpu.memref_slice %arg3[%add3A_4] : memref<640000xi32, #tpu.memory_space<hbm>> -> memref<5120xi32, #tpu.memory_space<hbm>>
      tpu.wait_dma2 semaphore(%run_scoped3A : memref<!tpu.dma_semaphore, #tpu.memory_space<semaphore_mem>>) src(%dma_wait3A_290 : memref<5120xi32, #tpu.memory_space<hbm>>) dst(%dma_wait3A_289 : memref<5120xi32, #tpu.memory_space<vmem>>)
      tpu.yield
    }) : () -> ()
    %add3A_5 = arith.constant 320000 : i32
    %add3A_6 = arith.addi %add3A_5, %add3A_4 : i32
    "tpu.region"() ({
      %run_scoped3A = tpu.sem_alloc : memref<!tpu.dma_semaphore, #tpu.memory_space<semaphore_mem>>
      %dma_start3A_280 = arith.constant 0 : i32
      %dma_start3A_281 = tpu.memref_slice %arg6[%dma_start3A_280] : memref<5120xi32, #tpu.memory_space<vmem>> -> memref<5120xi32, #tpu.memory_space<vmem>>
      %dma_start3A_282 = tpu.memref_slice %arg3[%add3A_6] : memref<640000xi32, #tpu.memory_space<hbm>> -> memref<5120xi32, #tpu.memory_space<hbm>>
      %dma_start3A_283 = arith.constant 0 : i32
      %dma_start3A_284 = tpu.memref_slice %arg6[%dma_start3A_283] : memref<5120xi32, #tpu.memory_space<vmem>> -> memref<5120xi32, #tpu.memory_space<vmem>>
      %dma_start3A_285 = tpu.memref_slice %arg3[%add3A_6] : memref<640000xi32, #tpu.memory_space<hbm>> -> memref<5120xi32, #tpu.memory_space<hbm>>
      tpu.enqueue_dma source(%dma_start3A_285 : memref<5120xi32, #tpu.memory_space<hbm>>) target(%dma_start3A_284 : memref<5120xi32, #tpu.memory_space<vmem>>) target_semaphore(%run_scoped3A : memref<!tpu.dma_semaphore, #tpu.memory_space<semaphore_mem>>)
      %dma_wait3A = arith.constant 0 : i32
      %dma_wait3A_286 = tpu.memref_slice %arg6[%dma_wait3A] : memref<5120xi32, #tpu.memory_space<vmem>> -> memref<5120xi32, #tpu.memory_space<vmem>>
      %dma_wait3A_287 = tpu.memref_slice %arg3[%add3A_6] : memref<640000xi32, #tpu.memory_space<hbm>> -> memref<5120xi32, #tpu.memory_space<hbm>>
      %dma_wait3A_288 = arith.constant 0 : i32
      %dma_wait3A_289 = tpu.memref_slice %arg6[%dma_wait3A_288] : memref<5120xi32, #tpu.memory_space<vmem>> -> memref<5120xi32, #tpu.memory_space<vmem>>
      %dma_wait3A_290 = tpu.memref_slice %arg3[%add3A_6] : memref<640000xi32, #tpu.memory_space<hbm>> -> memref<5120xi32, #tpu.memory_space<hbm>>
      tpu.wait_dma2 semaphore(%run_scoped3A : memref<!tpu.dma_semaphore, #tpu.memory_space<semaphore_mem>>) src(%dma_wait3A_290 : memref<5120xi32, #tpu.memory_space<hbm>>) dst(%dma_wait3A_289 : memref<5120xi32, #tpu.memory_space<vmem>>)
      tpu.yield
    }) : () -> ()
    %dma_start3A = arith.constant 0 : i32
    %dma_start3A_7 = tpu.memref_slice %arg5[%dma_start3A] : memref<5120xi32, #tpu.memory_space<vmem>> -> memref<128xi32, #tpu.memory_space<vmem>>
    %dma_start3A_8 = arith.constant 0 : i32
    %dma_start3A_9 = arith.constant 0 : i32
    %dma_start3A_10 = tpu.memref_slice %arg2[%dma_start3A_8, %dma_start3A_9] : memref<10240x128xf32, #tpu.memory_space<hbm>> -> memref<10240x128xf32, #tpu.memory_space<hbm>>
    tpu.enqueue_indirect_dma source(%dma_start3A_10 : memref<10240x128xf32, #tpu.memory_space<hbm>>) target(%arg8 : memref<128x128xf32, #tpu.memory_space<vmem>>) offsets(%dma_start3A_7 : memref<128xi32, #tpu.memory_space<vmem>>) semaphore(%arg11 : memref<!tpu.dma_semaphore, #tpu.memory_space<semaphore_mem>>)
    %scan3A = arith.constant 0 : i32
    %scan3A_11 = arith.constant 0 : i32
    %scan3A_12 = arith.constant 40 : i32
    %scan3A_13 = arith.addi %scan3A_11, %scan3A_12 : i32
    %scan3A_14 = arith.constant 1 : i32
    scf.for %scan3A_280 = %scan3A_11 to %scan3A_13 step %scan3A_14  : i32 {
      %mul3A_281 = arith.constant 128 : i32
      %mul3A_282 = arith.muli %scan3A_280, %mul3A_281 : i32
      %add3A_283 = arith.constant 0 : i32
      %add3A_284 = arith.addi %mul3A_282, %add3A_283 : i32
      %get3A = arith.index_cast %add3A_284 : i32 to index
      %get3A_285 = tpu.vector_load %arg6[%get3A] {strides = array<i32>} : memref<5120xi32, #tpu.memory_space<vmem>>, vector<16xi32>,
      %get3A_286 = vector.shape_cast %get3A_285 : vector<16xi32> to vector<16xi32>
      %swap3A_287 = arith.index_cast %scan3A_280 : i32 to index
      %swap3A_288 = arith.constant 0 : index
      %swap3A_289 = tpu.vector_load %arg7[%swap3A_287, %swap3A_288] {strides = array<i32>} : memref<40x128xi32, #tpu.memory_space<vmem>>, vector<1x16xi32>,
      %swap3A_290 = vector.shape_cast %swap3A_289 : vector<1x16xi32> to vector<16xi32>
      %swap3A_291 = vector.shape_cast %get3A_286 : vector<16xi32> to vector<1x16xi32>
      tpu.vector_store %arg7[%swap3A_287, %swap3A_288], %swap3A_291 {strides = array<i32>} : memref<40x128xi32, #tpu.memory_space<vmem>>, vector<1x16xi32>,
      %mul3A_292 = arith.constant 128 : i32
      %mul3A_293 = arith.muli %scan3A_280, %mul3A_292 : i32
      %add3A_294 = arith.constant 16 : i32
      %add3A_295 = arith.addi %mul3A_293, %add3A_294 : i32
      %get3A_296 = arith.index_cast %add3A_295 : i32 to index
      %get3A_297 = tpu.vector_load %arg6[%get3A_296] {strides = array<i32>} : memref<5120xi32, #tpu.memory_space<vmem>>, vector<16xi32>,
      %get3A_298 = vector.shape_cast %get3A_297 : vector<16xi32> to vector<16xi32>
      %swap3A_299 = arith.index_cast %scan3A_280 : i32 to index
      %swap3A_300 = arith.constant 16 : index
      %swap3A_301 = tpu.vector_load %arg7[%swap3A_299, %swap3A_300] {strides = array<i32>} : memref<40x128xi32, #tpu.memory_space<vmem>>, vector<1x16xi32>,
      %swap3A_302 = vector.shape_cast %swap3A_301 : vector<1x16xi32> to vector<16xi32>
      %swap3A_303 = vector.shape_cast %get3A_298 : vector<16xi32> to vector<1x16xi32>
      tpu.vector_store %arg7[%swap3A_299, %swap3A_300], %swap3A_303 {strides = array<i32>} : memref<40x128xi32, #tpu.memory_space<vmem>>, vector<1x16xi32>,
      %mul3A_304 = arith.constant 128 : i32
      %mul3A_305 = arith.muli %scan3A_280, %mul3A_304 : i32
      %add3A_306 = arith.constant 32 : i32
      %add3A_307 = arith.addi %mul3A_305, %add3A_306 : i32
      %get3A_308 = arith.index_cast %add3A_307 : i32 to index
      %get3A_309 = tpu.vector_load %arg6[%get3A_308] {strides = array<i32>} : memref<5120xi32, #tpu.memory_space<vmem>>, vector<16xi32>,
      %get3A_310 = vector.shape_cast %get3A_309 : vector<16xi32> to vector<16xi32>
      %swap3A_311 = arith.index_cast %scan3A_280 : i32 to index
      %swap3A_312 = arith.constant 32 : index
      %swap3A_313 = tpu.vector_load %arg7[%swap3A_311, %swap3A_312] {strides = array<i32>} : memref<40x128xi32, #tpu.memory_space<vmem>>, vector<1x16xi32>,
      %swap3A_314 = vector.shape_cast %swap3A_313 : vector<1x16xi32> to vector<16xi32>
      %swap3A_315 = vector.shape_cast %get3A_310 : vector<16xi32> to vector<1x16xi32>
      tpu.vector_store %arg7[%swap3A_311, %swap3A_312], %swap3A_315 {strides = array<i32>} : memref<40x128xi32, #tpu.memory_space<vmem>>, vector<1x16xi32>,
      %mul3A_316 = arith.constant 128 : i32
      %mul3A_317 = arith.muli %scan3A_280, %mul3A_316 : i32
      %add3A_318 = arith.constant 48 : i32
      %add3A_319 = arith.addi %mul3A_317, %add3A_318 : i32
      %get3A_320 = arith.index_cast %add3A_319 : i32 to index
      %get3A_321 = tpu.vector_load %arg6[%get3A_320] {strides = array<i32>} : memref<5120xi32, #tpu.memory_space<vmem>>, vector<16xi32>,
      %get3A_322 = vector.shape_cast %get3A_321 : vector<16xi32> to vector<16xi32>
      %swap3A_323 = arith.index_cast %scan3A_280 : i32 to index
      %swap3A_324 = arith.constant 48 : index
      %swap3A_325 = tpu.vector_load %arg7[%swap3A_323, %swap3A_324] {strides = array<i32>} : memref<40x128xi32, #tpu.memory_space<vmem>>, vector<1x16xi32>,
      %swap3A_326 = vector.shape_cast %swap3A_325 : vector<1x16xi32> to vector<16xi32>
      %swap3A_327 = vector.shape_cast %get3A_322 : vector<16xi32> to vector<1x16xi32>
      tpu.vector_store %arg7[%swap3A_323, %swap3A_324], %swap3A_327 {strides = array<i32>} : memref<40x128xi32, #tpu.memory_space<vmem>>, vector<1x16xi32>,
      %mul3A_328 = arith.constant 128 : i32
      %mul3A_329 = arith.muli %scan3A_280, %mul3A_328 : i32
      %add3A_330 = arith.constant 64 : i32
      %add3A_331 = arith.addi %mul3A_329, %add3A_330 : i32
      %get3A_332 = arith.index_cast %add3A_331 : i32 to index
      %get3A_333 = tpu.vector_load %arg6[%get3A_332] {strides = array<i32>} : memref<5120xi32, #tpu.memory_space<vmem>>, vector<16xi32>,
      %get3A_334 = vector.shape_cast %get3A_333 : vector<16xi32> to vector<16xi32>
      %swap3A_335 = arith.index_cast %scan3A_280 : i32 to index
      %swap3A_336 = arith.constant 64 : index
      %swap3A_337 = tpu.vector_load %arg7[%swap3A_335, %swap3A_336] {strides = array<i32>} : memref<40x128xi32, #tpu.memory_space<vmem>>, vector<1x16xi32>,
      %swap3A_338 = vector.shape_cast %swap3A_337 : vector<1x16xi32> to vector<16xi32>
      %swap3A_339 = vector.shape_cast %get3A_334 : vector<16xi32> to vector<1x16xi32>
      tpu.vector_store %arg7[%swap3A_335, %swap3A_336], %swap3A_339 {strides = array<i32>} : memref<40x128xi32, #tpu.memory_space<vmem>>, vector<1x16xi32>,
      %mul3A_340 = arith.constant 128 : i32
      %mul3A_341 = arith.muli %scan3A_280, %mul3A_340 : i32
      %add3A_342 = arith.constant 80 : i32
      %add3A_343 = arith.addi %mul3A_341, %add3A_342 : i32
      %get3A_344 = arith.index_cast %add3A_343 : i32 to index
      %get3A_345 = tpu.vector_load %arg6[%get3A_344] {strides = array<i32>} : memref<5120xi32, #tpu.memory_space<vmem>>, vector<16xi32>,
      %get3A_346 = vector.shape_cast %get3A_345 : vector<16xi32> to vector<16xi32>
      %swap3A_347 = arith.index_cast %scan3A_280 : i32 to index
      %swap3A_348 = arith.constant 80 : index
      %swap3A_349 = tpu.vector_load %arg7[%swap3A_347, %swap3A_348] {strides = array<i32>} : memref<40x128xi32, #tpu.memory_space<vmem>>, vector<1x16xi32>,
      %swap3A_350 = vector.shape_cast %swap3A_349 : vector<1x16xi32> to vector<16xi32>
      %swap3A_351 = vector.shape_cast %get3A_346 : vector<16xi32> to vector<1x16xi32>
      tpu.vector_store %arg7[%swap3A_347, %swap3A_348], %swap3A_351 {strides = array<i32>} : memref<40x128xi32, #tpu.memory_space<vmem>>, vector<1x16xi32>,
      %mul3A_352 = arith.constant 128 : i32
      %mul3A_353 = arith.muli %scan3A_280, %mul3A_352 : i32
      %add3A_354 = arith.constant 96 : i32
      %add3A_355 = arith.addi %mul3A_353, %add3A_354 : i32
      %get3A_356 = arith.index_cast %add3A_355 : i32 to index
      %get3A_357 = tpu.vector_load %arg6[%get3A_356] {strides = array<i32>} : memref<5120xi32, #tpu.memory_space<vmem>>, vector<16xi32>,
      %get3A_358 = vector.shape_cast %get3A_357 : vector<16xi32> to vector<16xi32>
      %swap3A_359 = arith.index_cast %scan3A_280 : i32 to index
      %swap3A_360 = arith.constant 96 : index
      %swap3A_361 = tpu.vector_load %arg7[%swap3A_359, %swap3A_360] {strides = array<i32>} : memref<40x128xi32, #tpu.memory_space<vmem>>, vector<1x16xi32>,
      %swap3A_362 = vector.shape_cast %swap3A_361 : vector<1x16xi32> to vector<16xi32>
      %swap3A_363 = vector.shape_cast %get3A_358 : vector<16xi32> to vector<1x16xi32>
      tpu.vector_store %arg7[%swap3A_359, %swap3A_360], %swap3A_363 {strides = array<i32>} : memref<40x128xi32, #tpu.memory_space<vmem>>, vector<1x16xi32>,
      %mul3A_364 = arith.constant 128 : i32
      %mul3A_365 = arith.muli %scan3A_280, %mul3A_364 : i32
      %add3A_366 = arith.constant 112 : i32
      %add3A_367 = arith.addi %mul3A_365, %add3A_366 : i32
      %get3A_368 = arith.index_cast %add3A_367 : i32 to index
      %get3A_369 = tpu.vector_load %arg6[%get3A_368] {strides = array<i32>} : memref<5120xi32, #tpu.memory_space<vmem>>, vector<16xi32>,
      %get3A_370 = vector.shape_cast %get3A_369 : vector<16xi32> to vector<16xi32>
      %swap3A_371 = arith.index_cast %scan3A_280 : i32 to index
      %swap3A_372 = arith.constant 112 : index
      %swap3A_373 = tpu.vector_load %arg7[%swap3A_371, %swap3A_372] {strides = array<i32>} : memref<40x128xi32, #tpu.memory_space<vmem>>, vector<1x16xi32>,
      %swap3A_374 = vector.shape_cast %swap3A_373 : vector<1x16xi32> to vector<16xi32>
      %swap3A_375 = vector.shape_cast %get3A_370 : vector<16xi32> to vector<1x16xi32>
      tpu.vector_store %arg7[%swap3A_371, %swap3A_372], %swap3A_375 {strides = array<i32>} : memref<40x128xi32, #tpu.memory_space<vmem>>, vector<1x16xi32>,
    }
    %scan3A_15 = arith.constant 40 : i32
    %broadcast_in_dim3A = arith.constant 0.000000e+00 : f32
    %broadcast_in_dim3A_16 = vector.broadcast %broadcast_in_dim3A : f32 to vector<16xf32>
    %scan3A_17 = arith.constant 0 : i32
    %scan3A_18 = arith.constant 0 : i32
    %scan3A_19 = arith.constant 128 : i32
    %scan3A_20 = arith.addi %scan3A_18, %scan3A_19 : i32
    %scan3A_21 = arith.constant 1 : i32
    scf.for %scan3A_280 = %scan3A_18 to %scan3A_20 step %scan3A_21  : i32 {
      %swap3A_281 = arith.index_cast %scan3A_280 : i32 to index
      %swap3A_282 = arith.constant 0 : index
      %swap3A_283 = tpu.vector_load %arg9[%swap3A_281, %swap3A_282] {strides = array<i32>} : memref<128x128xf32, #tpu.memory_space<vmem>>, vector<1x16xf32>,
      %swap3A_284 = vector.shape_cast %swap3A_283 : vector<1x16xf32> to vector<16xf32>
      %swap3A_285 = vector.shape_cast %broadcast_in_dim3A_16 : vector<16xf32> to vector<1x16xf32>
      tpu.vector_store %arg9[%swap3A_281, %swap3A_282], %swap3A_285 {strides = array<i32>} : memref<128x128xf32, #tpu.memory_space<vmem>>, vector<1x16xf32>,
      %swap3A_286 = arith.index_cast %scan3A_280 : i32 to index
      %swap3A_287 = arith.constant 16 : index
      %swap3A_288 = tpu.vector_load %arg9[%swap3A_286, %swap3A_287] {strides = array<i32>} : memref<128x128xf32, #tpu.memory_space<vmem>>, vector<1x16xf32>,
      %swap3A_289 = vector.shape_cast %swap3A_288 : vector<1x16xf32> to vector<16xf32>
      %swap3A_290 = vector.shape_cast %broadcast_in_dim3A_16 : vector<16xf32> to vector<1x16xf32>
      tpu.vector_store %arg9[%swap3A_286, %swap3A_287], %swap3A_290 {strides = array<i32>} : memref<128x128xf32, #tpu.memory_space<vmem>>, vector<1x16xf32>,
      %swap3A_291 = arith.index_cast %scan3A_280 : i32 to index
      %swap3A_292 = arith.constant 32 : index
      %swap3A_293 = tpu.vector_load %arg9[%swap3A_291, %swap3A_292] {strides = array<i32>} : memref<128x128xf32, #tpu.memory_space<vmem>>, vector<1x16xf32>,
      %swap3A_294 = vector.shape_cast %swap3A_293 : vector<1x16xf32> to vector<16xf32>
      %swap3A_295 = vector.shape_cast %broadcast_in_dim3A_16 : vector<16xf32> to vector<1x16xf32>
      tpu.vector_store %arg9[%swap3A_291, %swap3A_292], %swap3A_295 {strides = array<i32>} : memref<128x128xf32, #tpu.memory_space<vmem>>, vector<1x16xf32>,
      %swap3A_296 = arith.index_cast %scan3A_280 : i32 to index
      %swap3A_297 = arith.constant 48 : index
      %swap3A_298 = tpu.vector_load %arg9[%swap3A_296, %swap3A_297] {strides = array<i32>} : memref<128x128xf32, #tpu.memory_space<vmem>>, vector<1x16xf32>,
      %swap3A_299 = vector.shape_cast %swap3A_298 : vector<1x16xf32> to vector<16xf32>
      %swap3A_300 = vector.shape_cast %broadcast_in_dim3A_16 : vector<16xf32> to vector<1x16xf32>
      tpu.vector_store %arg9[%swap3A_296, %swap3A_297], %swap3A_300 {strides = array<i32>} : memref<128x128xf32, #tpu.memory_space<vmem>>, vector<1x16xf32>,
      %swap3A_301 = arith.index_cast %scan3A_280 : i32 to index
      %swap3A_302 = arith.constant 64 : index
      %swap3A_303 = tpu.vector_load %arg9[%swap3A_301, %swap3A_302] {strides = array<i32>} : memref<128x128xf32, #tpu.memory_space<vmem>>, vector<1x16xf32>,
      %swap3A_304 = vector.shape_cast %swap3A_303 : vector<1x16xf32> to vector<16xf32>
      %swap3A_305 = vector.shape_cast %broadcast_in_dim3A_16 : vector<16xf32> to vector<1x16xf32>
      tpu.vector_store %arg9[%swap3A_301, %swap3A_302], %swap3A_305 {strides = array<i32>} : memref<128x128xf32, #tpu.memory_space<vmem>>, vector<1x16xf32>,
      %swap3A_306 = arith.index_cast %scan3A_280 : i32 to index
      %swap3A_307 = arith.constant 80 : index
      %swap3A_308 = tpu.vector_load %arg9[%swap3A_306, %swap3A_307] {strides = array<i32>} : memref<128x128xf32, #tpu.memory_space<vmem>>, vector<1x16xf32>,
      %swap3A_309 = vector.shape_cast %swap3A_308 : vector<1x16xf32> to vector<16xf32>
      %swap3A_310 = vector.shape_cast %broadcast_in_dim3A_16 : vector<16xf32> to vector<1x16xf32>
      tpu.vector_store %arg9[%swap3A_306, %swap3A_307], %swap3A_310 {strides = array<i32>} : memref<128x128xf32, #tpu.memory_space<vmem>>, vector<1x16xf32>,
      %swap3A_311 = arith.index_cast %scan3A_280 : i32 to index
      %swap3A_312 = arith.constant 96 : index
      %swap3A_313 = tpu.vector_load %arg9[%swap3A_311, %swap3A_312] {strides = array<i32>} : memref<128x128xf32, #tpu.memory_space<vmem>>, vector<1x16xf32>,
      %swap3A_314 = vector.shape_cast %swap3A_313 : vector<1x16xf32> to vector<16xf32>
      %swap3A_315 = vector.shape_cast %broadcast_in_dim3A_16 : vector<16xf32> to vector<1x16xf32>
      tpu.vector_store %arg9[%swap3A_311, %swap3A_312], %swap3A_315 {strides = array<i32>} : memref<128x128xf32, #tpu.memory_space<vmem>>, vector<1x16xf32>,
      %swap3A_316 = arith.index_cast %scan3A_280 : i32 to index
      %swap3A_317 = arith.constant 112 : index
      %swap3A_318 = tpu.vector_load %arg9[%swap3A_316, %swap3A_317] {strides = array<i32>} : memref<128x128xf32, #tpu.memory_space<vmem>>, vector<1x16xf32>,
      %swap3A_319 = vector.shape_cast %swap3A_318 : vector<1x16xf32> to vector<16xf32>
      %swap3A_320 = vector.shape_cast %broadcast_in_dim3A_16 : vector<16xf32> to vector<1x16xf32>
      tpu.vector_store %arg9[%swap3A_316, %swap3A_317], %swap3A_320 {strides = array<i32>} : memref<128x128xf32, #tpu.memory_space<vmem>>, vector<1x16xf32>,
    }
    %scan3A_22 = arith.constant 128 : i32
    %mul3A_23 = arith.constant 640 : i32
    %mul3A_24 = arith.muli %arg1, %mul3A_23 : i32
    %add3A_25 = arith.constant 0 : i32
    %add3A_26 = arith.addi %mul3A_24, %add3A_25 : i32
    "tpu.region"() ({
      %run_scoped3A = tpu.sem_alloc : memref<!tpu.dma_semaphore, #tpu.memory_space<semaphore_mem>>
      %dma_start3A_280 = arith.constant 0 : i32
      %dma_start3A_281 = tpu.memref_slice %arg10[%add3A_26, %dma_start3A_280] : memref<10240x128xf32, #tpu.memory_space<vmem_shared>> -> memref<128x128xf32, #tpu.memory_space<vmem_shared>>
      %dma_start3A_282 = arith.constant 0 : i32
      %dma_start3A_283 = tpu.memref_slice %arg10[%add3A_26, %dma_start3A_282] : memref<10240x128xf32, #tpu.memory_space<vmem_shared>> -> memref<128x128xf32, #tpu.memory_space<vmem_shared>>
      tpu.enqueue_dma source(%arg9 : memref<128x128xf32, #tpu.memory_space<vmem>>) target(%dma_start3A_283 : memref<128x128xf32, #tpu.memory_space<vmem_shared>>) target_semaphore(%run_scoped3A : memref<!tpu.dma_semaphore, #tpu.memory_space<semaphore_mem>>)
      %dma_wait3A = arith.constant 0 : i32
      %dma_wait3A_284 = tpu.memref_slice %arg10[%add3A_26, %dma_wait3A] : memref<10240x128xf32, #tpu.memory_space<vmem_shared>> -> memref<128x128xf32, #tpu.memory_space<vmem_shared>>
      %dma_wait3A_285 = arith.constant 0 : i32
      %dma_wait3A_286 = tpu.memref_slice %arg10[%add3A_26, %dma_wait3A_285] : memref<10240x128xf32, #tpu.memory_space<vmem_shared>> -> memref<128x128xf32, #tpu.memory_space<vmem_shared>>
      tpu.wait_dma2 semaphore(%run_scoped3A : memref<!tpu.dma_semaphore, #tpu.memory_space<semaphore_mem>>) src(%arg9 : memref<128x128xf32, #tpu.memory_space<vmem>>) dst(%dma_wait3A_286 : memref<128x128xf32, #tpu.memory_space<vmem_shared>>)
      tpu.yield
    }) : () -> ()
    %add3A_27 = arith.constant 128 : i32
    %add3A_28 = arith.addi %mul3A_24, %add3A_27 : i32
    "tpu.region"() ({
      %run_scoped3A = tpu.sem_alloc : memref<!tpu.dma_semaphore, #tpu.memory_space<semaphore_mem>>
      %dma_start3A_280 = arith.constant 0 : i32
      %dma_start3A_281 = tpu.memref_slice %arg10[%add3A_28, %dma_start3A_280] : memref<10240x128xf32, #tpu.memory_space<vmem_shared>> -> memref<128x128xf32, #tpu.memory_space<vmem_shared>>
      %dma_start3A_282 = arith.constant 0 : i32
      %dma_start3A_283 = tpu.memref_slice %arg10[%add3A_28, %dma_start3A_282] : memref<10240x128xf32, #tpu.memory_space<vmem_shared>> -> memref<128x128xf32, #tpu.memory_space<vmem_shared>>
      tpu.enqueue_dma source(%arg9 : memref<128x128xf32, #tpu.memory_space<vmem>>) target(%dma_start3A_283 : memref<128x128xf32, #tpu.memory_space<vmem_shared>>) target_semaphore(%run_scoped3A : memref<!tpu.dma_semaphore, #tpu.memory_space<semaphore_mem>>)
      %dma_wait3A = arith.constant 0 : i32
      %dma_wait3A_284 = tpu.memref_slice %arg10[%add3A_28, %dma_wait3A] : memref<10240x128xf32, #tpu.memory_space<vmem_shared>> -> memref<128x128xf32, #tpu.memory_space<vmem_shared>>
      %dma_wait3A_285 = arith.constant 0 : i32
      %dma_wait3A_286 = tpu.memref_slice %arg10[%add3A_28, %dma_wait3A_285] : memref<10240x128xf32, #tpu.memory_space<vmem_shared>> -> memref<128x128xf32, #tpu.memory_space<vmem_shared>>
      tpu.wait_dma2 semaphore(%run_scoped3A : memref<!tpu.dma_semaphore, #tpu.memory_space<semaphore_mem>>) src(%arg9 : memref<128x128xf32, #tpu.memory_space<vmem>>) dst(%dma_wait3A_286 : memref<128x128xf32, #tpu.memory_space<vmem_shared>>)
      tpu.yield
    }) : () -> ()
    %add3A_29 = arith.constant 256 : i32
    %add3A_30 = arith.addi %mul3A_24, %add3A_29 : i32
    "tpu.region"() ({
      %run_scoped3A = tpu.sem_alloc : memref<!tpu.dma_semaphore, #tpu.memory_space<semaphore_mem>>
      %dma_start3A_280 = arith.constant 0 : i32
      %dma_start3A_281 = tpu.memref_slice %arg10[%add3A_30, %dma_start3A_280] : memref<10240x128xf32, #tpu.memory_space<vmem_shared>> -> memref<128x128xf32, #tpu.memory_space<vmem_shared>>
      %dma_start3A_282 = arith.constant 0 : i32
      %dma_start3A_283 = tpu.memref_slice %arg10[%add3A_30, %dma_start3A_282] : memref<10240x128xf32, #tpu.memory_space<vmem_shared>> -> memref<128x128xf32, #tpu.memory_space<vmem_shared>>
      tpu.enqueue_dma source(%arg9 : memref<128x128xf32, #tpu.memory_space<vmem>>) target(%dma_start3A_283 : memref<128x128xf32, #tpu.memory_space<vmem_shared>>) target_semaphore(%run_scoped3A : memref<!tpu.dma_semaphore, #tpu.memory_space<semaphore_mem>>)
      %dma_wait3A = arith.constant 0 : i32
      %dma_wait3A_284 = tpu.memref_slice %arg10[%add3A_30, %dma_wait3A] : memref<10240x128xf32, #tpu.memory_space<vmem_shared>> -> memref<128x128xf32, #tpu.memory_space<vmem_shared>>
      %dma_wait3A_285 = arith.constant 0 : i32
      %dma_wait3A_286 = tpu.memref_slice %arg10[%add3A_30, %dma_wait3A_285] : memref<10240x128xf32, #tpu.memory_space<vmem_shared>> -> memref<128x128xf32, #tpu.memory_space<vmem_shared>>
      tpu.wait_dma2 semaphore(%run_scoped3A : memref<!tpu.dma_semaphore, #tpu.memory_space<semaphore_mem>>) src(%arg9 : memref<128x128xf32, #tpu.memory_space<vmem>>) dst(%dma_wait3A_286 : memref<128x128xf32, #tpu.memory_space<vmem_shared>>)
      tpu.yield
    }) : () -> ()
    %add3A_31 = arith.constant 384 : i32
    %add3A_32 = arith.addi %mul3A_24, %add3A_31 : i32
    "tpu.region"() ({
      %run_scoped3A = tpu.sem_alloc : memref<!tpu.dma_semaphore, #tpu.memory_space<semaphore_mem>>
      %dma_start3A_280 = arith.constant 0 : i32
      %dma_start3A_281 = tpu.memref_slice %arg10[%add3A_32, %dma_start3A_280] : memref<10240x128xf32, #tpu.memory_space<vmem_shared>> -> memref<128x128xf32, #tpu.memory_space<vmem_shared>>
      %dma_start3A_282 = arith.constant 0 : i32
      %dma_start3A_283 = tpu.memref_slice %arg10[%add3A_32, %dma_start3A_282] : memref<10240x128xf32, #tpu.memory_space<vmem_shared>> -> memref<128x128xf32, #tpu.memory_space<vmem_shared>>
      tpu.enqueue_dma source(%arg9 : memref<128x128xf32, #tpu.memory_space<vmem>>) target(%dma_start3A_283 : memref<128x128xf32, #tpu.memory_space<vmem_shared>>) target_semaphore(%run_scoped3A : memref<!tpu.dma_semaphore, #tpu.memory_space<semaphore_mem>>)
      %dma_wait3A = arith.constant 0 : i32
      %dma_wait3A_284 = tpu.memref_slice %arg10[%add3A_32, %dma_wait3A] : memref<10240x128xf32, #tpu.memory_space<vmem_shared>> -> memref<128x128xf32, #tpu.memory_space<vmem_shared>>
      %dma_wait3A_285 = arith.constant 0 : i32
      %dma_wait3A_286 = tpu.memref_slice %arg10[%add3A_32, %dma_wait3A_285] : memref<10240x128xf32, #tpu.memory_space<vmem_shared>> -> memref<128x128xf32, #tpu.memory_space<vmem_shared>>
      tpu.wait_dma2 semaphore(%run_scoped3A : memref<!tpu.dma_semaphore, #tpu.memory_space<semaphore_mem>>) src(%arg9 : memref<128x128xf32, #tpu.memory_space<vmem>>) dst(%dma_wait3A_286 : memref<128x128xf32, #tpu.memory_space<vmem_shared>>)
      tpu.yield
    }) : () -> ()
    %add3A_33 = arith.constant 512 : i32
    %add3A_34 = arith.addi %mul3A_24, %add3A_33 : i32
    "tpu.region"() ({
      %run_scoped3A = tpu.sem_alloc : memref<!tpu.dma_semaphore, #tpu.memory_space<semaphore_mem>>
      %dma_start3A_280 = arith.constant 0 : i32
      %dma_start3A_281 = tpu.memref_slice %arg10[%add3A_34, %dma_start3A_280] : memref<10240x128xf32, #tpu.memory_space<vmem_shared>> -> memref<128x128xf32, #tpu.memory_space<vmem_shared>>
      %dma_start3A_282 = arith.constant 0 : i32
      %dma_start3A_283 = tpu.memref_slice %arg10[%add3A_34, %dma_start3A_282] : memref<10240x128xf32, #tpu.memory_space<vmem_shared>> -> memref<128x128xf32, #tpu.memory_space<vmem_shared>>
      tpu.enqueue_dma source(%arg9 : memref<128x128xf32, #tpu.memory_space<vmem>>) target(%dma_start3A_283 : memref<128x128xf32, #tpu.memory_space<vmem_shared>>) target_semaphore(%run_scoped3A : memref<!tpu.dma_semaphore, #tpu.memory_space<semaphore_mem>>)
      %dma_wait3A = arith.constant 0 : i32
      %dma_wait3A_284 = tpu.memref_slice %arg10[%add3A_34, %dma_wait3A] : memref<10240x128xf32, #tpu.memory_space<vmem_shared>> -> memref<128x128xf32, #tpu.memory_space<vmem_shared>>
      %dma_wait3A_285 = arith.constant 0 : i32
      %dma_wait3A_286 = tpu.memref_slice %arg10[%add3A_34, %dma_wait3A_285] : memref<10240x128xf32, #tpu.memory_space<vmem_shared>> -> memref<128x128xf32, #tpu.memory_space<vmem_shared>>
      tpu.wait_dma2 semaphore(%run_scoped3A : memref<!tpu.dma_semaphore, #tpu.memory_space<semaphore_mem>>) src(%arg9 : memref<128x128xf32, #tpu.memory_space<vmem>>) dst(%dma_wait3A_286 : memref<128x128xf32, #tpu.memory_space<vmem_shared>>)
      tpu.yield
    }) : () -> ()
    %barrier3A = arith.constant 0 : index
    tpu.barrier barrier_id(%barrier3A)
    %scan3A_35 = arith.constant 0 : i32
    %scan3A_36 = arith.constant 0 : i32
    %scan3A_37 = arith.constant 20 : i32
    %scan3A_38 = arith.addi %scan3A_36, %scan3A_37 : i32
    %scan3A_39 = arith.constant 1 : i32
    scf.for %scan3A_280 = %scan3A_36 to %scan3A_38 step %scan3A_39  : i32 {
      %mul3A_281 = arith.constant 2 : i32
      %mul3A_282 = arith.muli %scan3A_280, %mul3A_281 : i32
      %add3A_283 = arith.constant 1 : i32
      %add3A_284 = arith.addi %mul3A_282, %add3A_283 : i32
      %mul3A_285 = arith.constant 128 : i32
      %mul3A_286 = arith.muli %add3A_284, %mul3A_285 : i32
      %dma_start3A_287 = tpu.memref_slice %arg5[%mul3A_286] : memref<5120xi32, #tpu.memory_space<vmem>> -> memref<128xi32, #tpu.memory_space<vmem>>
      %dma_start3A_288 = arith.constant 0 : i32
      %dma_start3A_289 = arith.constant 0 : i32
      %dma_start3A_290 = tpu.memref_slice %arg2[%dma_start3A_288, %dma_start3A_289] : memref<10240x128xf32, #tpu.memory_space<hbm>> -> memref<10240x128xf32, #tpu.memory_space<hbm>>
      tpu.enqueue_indirect_dma source(%dma_start3A_290 : memref<10240x128xf32, #tpu.memory_space<hbm>>) target(%arg9 : memref<128x128xf32, #tpu.memory_space<vmem>>) offsets(%dma_start3A_287 : memref<128xi32, #tpu.memory_space<vmem>>) semaphore(%arg12 : memref<!tpu.dma_semaphore, #tpu.memory_space<semaphore_mem>>)
      %mul3A_291 = arith.constant 128 : i32
      %mul3A_292 = arith.muli %mul3A_282, %mul3A_291 : i32
      %dma_wait3A = tpu.memref_slice %arg5[%mul3A_292] : memref<5120xi32, #tpu.memory_space<vmem>> -> memref<128xi32, #tpu.memory_space<vmem>>
      %dma_wait3A_293 = arith.constant 0 : i32
      %dma_wait3A_294 = arith.constant 0 : i32
      %dma_wait3A_295 = tpu.memref_slice %arg2[%dma_wait3A_293, %dma_wait3A_294] : memref<10240x128xf32, #tpu.memory_space<hbm>> -> memref<10240x128xf32, #tpu.memory_space<hbm>>
      tpu.wait_indirect_dma semaphore(%arg11 : memref<!tpu.dma_semaphore, #tpu.memory_space<semaphore_mem>>) src(%dma_wait3A_295 : memref<10240x128xf32, #tpu.memory_space<hbm>>) dst(%arg8 : memref<128x128xf32, #tpu.memory_space<vmem>>)
      "tpu.region"() ({
        %run_scoped3A = tpu.sem_alloc : memref<!tpu.dma_semaphore, #tpu.memory_space<semaphore_mem>>
        %dma_start3A_309 = arith.constant 0 : i32
        %dma_start3A_310 = tpu.memref_slice %arg7[%mul3A_282, %dma_start3A_309] : memref<40x128xi32, #tpu.memory_space<vmem>> -> memref<1x128xi32, #tpu.memory_space<vmem>>
        %dma_start3A_311 = tpu.memref_squeeze %dma_start3A_310 : memref<1x128xi32, #tpu.memory_space<vmem>> -> memref<128xi32, #tpu.memory_space<vmem>>
        %dma_start3A_312 = arith.constant 0 : i32
        %dma_start3A_313 = arith.constant 0 : i32
        %dma_start3A_314 = tpu.memref_slice %arg10[%dma_start3A_312, %dma_start3A_313] : memref<10240x128xf32, #tpu.memory_space<vmem_shared>> -> memref<10240x128xf32, #tpu.memory_space<vmem_shared>>
        tpu.enqueue_indirect_dma source(%arg8 : memref<128x128xf32, #tpu.memory_space<vmem>>) target(%dma_start3A_314 : memref<10240x128xf32, #tpu.memory_space<vmem_shared>>) offsets(%dma_start3A_311 : memref<128xi32, #tpu.memory_space<vmem>>) semaphore(%run_scoped3A : memref<!tpu.dma_semaphore, #tpu.memory_space<semaphore_mem>>) {add = true}
        %dma_wait3A_315 = arith.constant 0 : i32
        %dma_wait3A_316 = tpu.memref_slice %arg7[%mul3A_282, %dma_wait3A_315] : memref<40x128xi32, #tpu.memory_space<vmem>> -> memref<1x128xi32, #tpu.memory_space<vmem>>
        %dma_wait3A_317 = tpu.memref_squeeze %dma_wait3A_316 : memref<1x128xi32, #tpu.memory_space<vmem>> -> memref<128xi32, #tpu.memory_space<vmem>>
        %dma_wait3A_318 = arith.constant 0 : i32
        %dma_wait3A_319 = arith.constant 0 : i32
        %dma_wait3A_320 = tpu.memref_slice %arg10[%dma_wait3A_318, %dma_wait3A_319] : memref<10240x128xf32, #tpu.memory_space<vmem_shared>> -> memref<10240x128xf32, #tpu.memory_space<vmem_shared>>
        tpu.wait_indirect_dma semaphore(%run_scoped3A : memref<!tpu.dma_semaphore, #tpu.memory_space<semaphore_mem>>) src(%arg8 : memref<128x128xf32, #tpu.memory_space<vmem>>) dst(%dma_wait3A_320 : memref<10240x128xf32, #tpu.memory_space<vmem_shared>>)
        tpu.yield
      }) : () -> ()
      %add3A_296 = arith.constant 2 : i32
      %add3A_297 = arith.addi %mul3A_282, %add3A_296 : i32
      %lt3A_298 = arith.constant 40 : i32
      %lt3A_299 = arith.cmpi slt, %add3A_297, %lt3A_298 : i32
      %convert_element_type3A_300 = arith.extui %lt3A_299 : i1 to i32
      %cond3A_301 = arith.constant 0 : i32
      %cond3A_302 = arith.cmpi ne, %convert_element_type3A_300, %cond3A_301 : i32
      scf.if %cond3A_302 {
        %add3A_309 = arith.constant 2 : i32
        %add3A_310 = arith.addi %mul3A_282, %add3A_309 : i32
        %mul3A_311 = arith.constant 128 : i32
        %mul3A_312 = arith.muli %add3A_310, %mul3A_311 : i32
        %dma_start3A_313 = tpu.memref_slice %arg5[%mul3A_312] : memref<5120xi32, #tpu.memory_space<vmem>> -> memref<128xi32, #tpu.memory_space<vmem>>
        %dma_start3A_314 = arith.constant 0 : i32
        %dma_start3A_315 = arith.constant 0 : i32
        %dma_start3A_316 = tpu.memref_slice %arg2[%dma_start3A_314, %dma_start3A_315] : memref<10240x128xf32, #tpu.memory_space<hbm>> -> memref<10240x128xf32, #tpu.memory_space<hbm>>
        tpu.enqueue_indirect_dma source(%dma_start3A_316 : memref<10240x128xf32, #tpu.memory_space<hbm>>) target(%arg8 : memref<128x128xf32, #tpu.memory_space<vmem>>) offsets(%dma_start3A_313 : memref<128xi32, #tpu.memory_space<vmem>>) semaphore(%arg11 : memref<!tpu.dma_semaphore, #tpu.memory_space<semaphore_mem>>)
      } else {
      }
      %dma_wait3A_303 = tpu.memref_slice %arg5[%mul3A_286] : memref<5120xi32, #tpu.memory_space<vmem>> -> memref<128xi32, #tpu.memory_space<vmem>>
      %dma_wait3A_304 = arith.constant 0 : i32
      %dma_wait3A_305 = arith.constant 0 : i32
      %dma_wait3A_306 = tpu.memref_slice %arg2[%dma_wait3A_304, %dma_wait3A_305] : memref<10240x128xf32, #tpu.memory_space<hbm>> -> memref<10240x128xf32, #tpu.memory_space<hbm>>
      tpu.wait_indirect_dma semaphore(%arg12 : memref<!tpu.dma_semaphore, #tpu.memory_space<semaphore_mem>>) src(%dma_wait3A_306 : memref<10240x128xf32, #tpu.memory_space<hbm>>) dst(%arg9 : memref<128x128xf32, #tpu.memory_space<vmem>>)
      %add3A_307 = arith.constant 1 : i32
      %add3A_308 = arith.addi %mul3A_282, %add3A_307 : i32
      "tpu.region"() ({
        %run_scoped3A = tpu.sem_alloc : memref<!tpu.dma_semaphore, #tpu.memory_space<semaphore_mem>>
        %dma_start3A_309 = arith.constant 0 : i32
        %dma_start3A_310 = tpu.memref_slice %arg7[%add3A_308, %dma_start3A_309] : memref<40x128xi32, #tpu.memory_space<vmem>> -> memref<1x128xi32, #tpu.memory_space<vmem>>
        %dma_start3A_311 = tpu.memref_squeeze %dma_start3A_310 : memref<1x128xi32, #tpu.memory_space<vmem>> -> memref<128xi32, #tpu.memory_space<vmem>>
        %dma_start3A_312 = arith.constant 0 : i32
        %dma_start3A_313 = arith.constant 0 : i32
        %dma_start3A_314 = tpu.memref_slice %arg10[%dma_start3A_312, %dma_start3A_313] : memref<10240x128xf32, #tpu.memory_space<vmem_shared>> -> memref<10240x128xf32, #tpu.memory_space<vmem_shared>>
        tpu.enqueue_indirect_dma source(%arg9 : memref<128x128xf32, #tpu.memory_space<vmem>>) target(%dma_start3A_314 : memref<10240x128xf32, #tpu.memory_space<vmem_shared>>) offsets(%dma_start3A_311 : memref<128xi32, #tpu.memory_space<vmem>>) semaphore(%run_scoped3A : memref<!tpu.dma_semaphore, #tpu.memory_space<semaphore_mem>>) {add = true}
        %dma_wait3A_315 = arith.constant 0 : i32
        %dma_wait3A_316 = tpu.memref_slice %arg7[%add3A_308, %dma_wait3A_315] : memref<40x128xi32, #tpu.memory_space<vmem>> -> memref<1x128xi32, #tpu.memory_space<vmem>>
        %dma_wait3A_317 = tpu.memref_squeeze %dma_wait3A_316 : memref<1x128xi32, #tpu.memory_space<vmem>> -> memref<128xi32, #tpu.memory_space<vmem>>
        %dma_wait3A_318 = arith.constant 0 : i32
        %dma_wait3A_319 = arith.constant 0 : i32
        %dma_wait3A_320 = tpu.memref_slice %arg10[%dma_wait3A_318, %dma_wait3A_319] : memref<10240x128xf32, #tpu.memory_space<vmem_shared>> -> memref<10240x128xf32, #tpu.memory_space<vmem_shared>>
        tpu.wait_indirect_dma semaphore(%run_scoped3A : memref<!tpu.dma_semaphore, #tpu.memory_space<semaphore_mem>>) src(%arg9 : memref<128x128xf32, #tpu.memory_space<vmem>>) dst(%dma_wait3A_320 : memref<10240x128xf32, #tpu.memory_space<vmem_shared>>)
        tpu.yield
      }) : () -> ()
    }
    %scan3A_40 = arith.constant 20 : i32
    %mul3A_41 = arith.constant 10000 : i32
    %mul3A_42 = arith.muli %add3A, %mul3A_41 : i32
    %add3A_43 = arith.constant 5120 : i32
    %add3A_44 = arith.addi %mul3A_42, %add3A_43 : i32
    "tpu.region"() ({
      %run_scoped3A = tpu.sem_alloc : memref<!tpu.dma_semaphore, #tpu.memory_space<semaphore_mem>>
      %dma_start3A_280 = arith.constant 0 : i32
      %dma_start3A_281 = tpu.memref_slice %arg5[%dma_start3A_280] : memref<5120xi32, #tpu.memory_space<vmem>> -> memref<4880xi32, #tpu.memory_space<vmem>>
      %dma_start3A_282 = tpu.memref_slice %arg3[%add3A_44] : memref<640000xi32, #tpu.memory_space<hbm>> -> memref<4880xi32, #tpu.memory_space<hbm>>
      %dma_start3A_283 = arith.constant 0 : i32
      %dma_start3A_284 = tpu.memref_slice %arg5[%dma_start3A_283] : memref<5120xi32, #tpu.memory_space<vmem>> -> memref<4880xi32, #tpu.memory_space<vmem>>
      %dma_start3A_285 = tpu.memref_slice %arg3[%add3A_44] : memref<640000xi32, #tpu.memory_space<hbm>> -> memref<4880xi32, #tpu.memory_space<hbm>>
      tpu.enqueue_dma source(%dma_start3A_285 : memref<4880xi32, #tpu.memory_space<hbm>>) target(%dma_start3A_284 : memref<4880xi32, #tpu.memory_space<vmem>>) target_semaphore(%run_scoped3A : memref<!tpu.dma_semaphore, #tpu.memory_space<semaphore_mem>>)
      %dma_wait3A = arith.constant 0 : i32
      %dma_wait3A_286 = tpu.memref_slice %arg5[%dma_wait3A] : memref<5120xi32, #tpu.memory_space<vmem>> -> memref<4880xi32, #tpu.memory_space<vmem>>
      %dma_wait3A_287 = tpu.memref_slice %arg3[%add3A_44] : memref<640000xi32, #tpu.memory_space<hbm>> -> memref<4880xi32, #tpu.memory_space<hbm>>
      %dma_wait3A_288 = arith.constant 0 : i32
      %dma_wait3A_289 = tpu.memref_slice %arg5[%dma_wait3A_288] : memref<5120xi32, #tpu.memory_space<vmem>> -> memref<4880xi32, #tpu.memory_space<vmem>>
      %dma_wait3A_290 = tpu.memref_slice %arg3[%add3A_44] : memref<640000xi32, #tpu.memory_space<hbm>> -> memref<4880xi32, #tpu.memory_space<hbm>>
      tpu.wait_dma2 semaphore(%run_scoped3A : memref<!tpu.dma_semaphore, #tpu.memory_space<semaphore_mem>>) src(%dma_wait3A_290 : memref<4880xi32, #tpu.memory_space<hbm>>) dst(%dma_wait3A_289 : memref<4880xi32, #tpu.memory_space<vmem>>)
      tpu.yield
    }) : () -> ()
    %add3A_45 = arith.constant 320000 : i32
    %add3A_46 = arith.addi %add3A_45, %add3A_44 : i32
    "tpu.region"() ({
      %run_scoped3A = tpu.sem_alloc : memref<!tpu.dma_semaphore, #tpu.memory_space<semaphore_mem>>
      %dma_start3A_280 = arith.constant 0 : i32
      %dma_start3A_281 = tpu.memref_slice %arg6[%dma_start3A_280] : memref<5120xi32, #tpu.memory_space<vmem>> -> memref<4880xi32, #tpu.memory_space<vmem>>
      %dma_start3A_282 = tpu.memref_slice %arg3[%add3A_46] : memref<640000xi32, #tpu.memory_space<hbm>> -> memref<4880xi32, #tpu.memory_space<hbm>>
      %dma_start3A_283 = arith.constant 0 : i32
      %dma_start3A_284 = tpu.memref_slice %arg6[%dma_start3A_283] : memref<5120xi32, #tpu.memory_space<vmem>> -> memref<4880xi32, #tpu.memory_space<vmem>>
      %dma_start3A_285 = tpu.memref_slice %arg3[%add3A_46] : memref<640000xi32, #tpu.memory_space<hbm>> -> memref<4880xi32, #tpu.memory_space<hbm>>
      tpu.enqueue_dma source(%dma_start3A_285 : memref<4880xi32, #tpu.memory_space<hbm>>) target(%dma_start3A_284 : memref<4880xi32, #tpu.memory_space<vmem>>) target_semaphore(%run_scoped3A : memref<!tpu.dma_semaphore, #tpu.memory_space<semaphore_mem>>)
      %dma_wait3A = arith.constant 0 : i32
      %dma_wait3A_286 = tpu.memref_slice %arg6[%dma_wait3A] : memref<5120xi32, #tpu.memory_space<vmem>> -> memref<4880xi32, #tpu.memory_space<vmem>>
      %dma_wait3A_287 = tpu.memref_slice %arg3[%add3A_46] : memref<640000xi32, #tpu.memory_space<hbm>> -> memref<4880xi32, #tpu.memory_space<hbm>>
      %dma_wait3A_288 = arith.constant 0 : i32
      %dma_wait3A_289 = tpu.memref_slice %arg6[%dma_wait3A_288] : memref<5120xi32, #tpu.memory_space<vmem>> -> memref<4880xi32, #tpu.memory_space<vmem>>
      %dma_wait3A_290 = tpu.memref_slice %arg3[%add3A_46] : memref<640000xi32, #tpu.memory_space<hbm>> -> memref<4880xi32, #tpu.memory_space<hbm>>
      tpu.wait_dma2 semaphore(%run_scoped3A : memref<!tpu.dma_semaphore, #tpu.memory_space<semaphore_mem>>) src(%dma_wait3A_290 : memref<4880xi32, #tpu.memory_space<hbm>>) dst(%dma_wait3A_289 : memref<4880xi32, #tpu.memory_space<vmem>>)
      tpu.yield
    }) : () -> ()
    %iota3A = tpu.iota {dimensions = array<i32: 0>} : vector<16xi32>
    %add3A_47 = arith.constant 0 : i32
    %add3A_48 = vector.broadcast %add3A_47 : i32 to vector<16xi32>
    %add3A_49 = arith.addi %iota3A, %add3A_48 : vector<16xi32>
    %swap3A = arith.constant 4880 : index
    %swap3A_50 = tpu.vector_load %arg5[%swap3A] {strides = array<i32>} : memref<5120xi32, #tpu.memory_space<vmem>>, vector<16xi32>,
    %swap3A_51 = vector.shape_cast %swap3A_50 : vector<16xi32> to vector<16xi32>
    %swap3A_52 = vector.shape_cast %add3A_49 : vector<16xi32> to vector<16xi32>
    tpu.vector_store %arg5[%swap3A], %swap3A_52 {strides = array<i32>} : memref<5120xi32, #tpu.memory_space<vmem>>, vector<16xi32>,
    %add3A_53 = arith.constant 10000 : i32
    %add3A_54 = vector.broadcast %add3A_53 : i32 to vector<16xi32>
    %add3A_55 = arith.addi %add3A_54, %add3A_49 : vector<16xi32>
    %swap3A_56 = arith.constant 4880 : index
    %swap3A_57 = tpu.vector_load %arg6[%swap3A_56] {strides = array<i32>} : memref<5120xi32, #tpu.memory_space<vmem>>, vector<16xi32>,
    %swap3A_58 = vector.shape_cast %swap3A_57 : vector<16xi32> to vector<16xi32>
    %swap3A_59 = vector.shape_cast %add3A_55 : vector<16xi32> to vector<16xi32>
    tpu.vector_store %arg6[%swap3A_56], %swap3A_59 {strides = array<i32>} : memref<5120xi32, #tpu.memory_space<vmem>>, vector<16xi32>,
    %add3A_60 = arith.constant 16 : i32
    %add3A_61 = vector.broadcast %add3A_60 : i32 to vector<16xi32>
    %add3A_62 = arith.addi %iota3A, %add3A_61 : vector<16xi32>
    %swap3A_63 = arith.constant 4896 : index
    %swap3A_64 = tpu.vector_load %arg5[%swap3A_63] {strides = array<i32>} : memref<5120xi32, #tpu.memory_space<vmem>>, vector<16xi32>,
    %swap3A_65 = vector.shape_cast %swap3A_64 : vector<16xi32> to vector<16xi32>
    %swap3A_66 = vector.shape_cast %add3A_62 : vector<16xi32> to vector<16xi32>
    tpu.vector_store %arg5[%swap3A_63], %swap3A_66 {strides = array<i32>} : memref<5120xi32, #tpu.memory_space<vmem>>, vector<16xi32>,
    %add3A_67 = arith.constant 10000 : i32
    %add3A_68 = vector.broadcast %add3A_67 : i32 to vector<16xi32>
    %add3A_69 = arith.addi %add3A_68, %add3A_62 : vector<16xi32>
    %swap3A_70 = arith.constant 4896 : index
    %swap3A_71 = tpu.vector_load %arg6[%swap3A_70] {strides = array<i32>} : memref<5120xi32, #tpu.memory_space<vmem>>, vector<16xi32>,
    %swap3A_72 = vector.shape_cast %swap3A_71 : vector<16xi32> to vector<16xi32>
    %swap3A_73 = vector.shape_cast %add3A_69 : vector<16xi32> to vector<16xi32>
    tpu.vector_store %arg6[%swap3A_70], %swap3A_73 {strides = array<i32>} : memref<5120xi32, #tpu.memory_space<vmem>>, vector<16xi32>,
    %add3A_74 = arith.constant 32 : i32
    %add3A_75 = vector.broadcast %add3A_74 : i32 to vector<16xi32>
    %add3A_76 = arith.addi %iota3A, %add3A_75 : vector<16xi32>
    %swap3A_77 = arith.constant 4912 : index
    %swap3A_78 = tpu.vector_load %arg5[%swap3A_77] {strides = array<i32>} : memref<5120xi32, #tpu.memory_space<vmem>>, vector<16xi32>,
    %swap3A_79 = vector.shape_cast %swap3A_78 : vector<16xi32> to vector<16xi32>
    %swap3A_80 = vector.shape_cast %add3A_76 : vector<16xi32> to vector<16xi32>
    tpu.vector_store %arg5[%swap3A_77], %swap3A_80 {strides = array<i32>} : memref<5120xi32, #tpu.memory_space<vmem>>, vector<16xi32>,
    %add3A_81 = arith.constant 10000 : i32
    %add3A_82 = vector.broadcast %add3A_81 : i32 to vector<16xi32>
    %add3A_83 = arith.addi %add3A_82, %add3A_76 : vector<16xi32>
    %swap3A_84 = arith.constant 4912 : index
    %swap3A_85 = tpu.vector_load %arg6[%swap3A_84] {strides = array<i32>} : memref<5120xi32, #tpu.memory_space<vmem>>, vector<16xi32>,
    %swap3A_86 = vector.shape_cast %swap3A_85 : vector<16xi32> to vector<16xi32>
    %swap3A_87 = vector.shape_cast %add3A_83 : vector<16xi32> to vector<16xi32>
    tpu.vector_store %arg6[%swap3A_84], %swap3A_87 {strides = array<i32>} : memref<5120xi32, #tpu.memory_space<vmem>>, vector<16xi32>,
    %add3A_88 = arith.constant 48 : i32
    %add3A_89 = vector.broadcast %add3A_88 : i32 to vector<16xi32>
    %add3A_90 = arith.addi %iota3A, %add3A_89 : vector<16xi32>
    %swap3A_91 = arith.constant 4928 : index
    %swap3A_92 = tpu.vector_load %arg5[%swap3A_91] {strides = array<i32>} : memref<5120xi32, #tpu.memory_space<vmem>>, vector<16xi32>,
    %swap3A_93 = vector.shape_cast %swap3A_92 : vector<16xi32> to vector<16xi32>
    %swap3A_94 = vector.shape_cast %add3A_90 : vector<16xi32> to vector<16xi32>
    tpu.vector_store %arg5[%swap3A_91], %swap3A_94 {strides = array<i32>} : memref<5120xi32, #tpu.memory_space<vmem>>, vector<16xi32>,
    %add3A_95 = arith.constant 10000 : i32
    %add3A_96 = vector.broadcast %add3A_95 : i32 to vector<16xi32>
    %add3A_97 = arith.addi %add3A_96, %add3A_90 : vector<16xi32>
    %swap3A_98 = arith.constant 4928 : index
    %swap3A_99 = tpu.vector_load %arg6[%swap3A_98] {strides = array<i32>} : memref<5120xi32, #tpu.memory_space<vmem>>, vector<16xi32>,
    %swap3A_100 = vector.shape_cast %swap3A_99 : vector<16xi32> to vector<16xi32>
    %swap3A_101 = vector.shape_cast %add3A_97 : vector<16xi32> to vector<16xi32>
    tpu.vector_store %arg6[%swap3A_98], %swap3A_101 {strides = array<i32>} : memref<5120xi32, #tpu.memory_space<vmem>>, vector<16xi32>,
    %add3A_102 = arith.constant 64 : i32
    %add3A_103 = vector.broadcast %add3A_102 : i32 to vector<16xi32>
    %add3A_104 = arith.addi %iota3A, %add3A_103 : vector<16xi32>
    %swap3A_105 = arith.constant 4944 : index
    %swap3A_106 = tpu.vector_load %arg5[%swap3A_105] {strides = array<i32>} : memref<5120xi32, #tpu.memory_space<vmem>>, vector<16xi32>,
    %swap3A_107 = vector.shape_cast %swap3A_106 : vector<16xi32> to vector<16xi32>
    %swap3A_108 = vector.shape_cast %add3A_104 : vector<16xi32> to vector<16xi32>
    tpu.vector_store %arg5[%swap3A_105], %swap3A_108 {strides = array<i32>} : memref<5120xi32, #tpu.memory_space<vmem>>, vector<16xi32>,
    %add3A_109 = arith.constant 10000 : i32
    %add3A_110 = vector.broadcast %add3A_109 : i32 to vector<16xi32>
    %add3A_111 = arith.addi %add3A_110, %add3A_104 : vector<16xi32>
    %swap3A_112 = arith.constant 4944 : index
    %swap3A_113 = tpu.vector_load %arg6[%swap3A_112] {strides = array<i32>} : memref<5120xi32, #tpu.memory_space<vmem>>, vector<16xi32>,
    %swap3A_114 = vector.shape_cast %swap3A_113 : vector<16xi32> to vector<16xi32>
    %swap3A_115 = vector.shape_cast %add3A_111 : vector<16xi32> to vector<16xi32>
    tpu.vector_store %arg6[%swap3A_112], %swap3A_115 {strides = array<i32>} : memref<5120xi32, #tpu.memory_space<vmem>>, vector<16xi32>,
    %add3A_116 = arith.constant 80 : i32
    %add3A_117 = vector.broadcast %add3A_116 : i32 to vector<16xi32>
    %add3A_118 = arith.addi %iota3A, %add3A_117 : vector<16xi32>
    %swap3A_119 = arith.constant 4960 : index
    %swap3A_120 = tpu.vector_load %arg5[%swap3A_119] {strides = array<i32>} : memref<5120xi32, #tpu.memory_space<vmem>>, vector<16xi32>,
    %swap3A_121 = vector.shape_cast %swap3A_120 : vector<16xi32> to vector<16xi32>
    %swap3A_122 = vector.shape_cast %add3A_118 : vector<16xi32> to vector<16xi32>
    tpu.vector_store %arg5[%swap3A_119], %swap3A_122 {strides = array<i32>} : memref<5120xi32, #tpu.memory_space<vmem>>, vector<16xi32>,
    %add3A_123 = arith.constant 10000 : i32
    %add3A_124 = vector.broadcast %add3A_123 : i32 to vector<16xi32>
    %add3A_125 = arith.addi %add3A_124, %add3A_118 : vector<16xi32>
    %swap3A_126 = arith.constant 4960 : index
    %swap3A_127 = tpu.vector_load %arg6[%swap3A_126] {strides = array<i32>} : memref<5120xi32, #tpu.memory_space<vmem>>, vector<16xi32>,
    %swap3A_128 = vector.shape_cast %swap3A_127 : vector<16xi32> to vector<16xi32>
    %swap3A_129 = vector.shape_cast %add3A_125 : vector<16xi32> to vector<16xi32>
    tpu.vector_store %arg6[%swap3A_126], %swap3A_129 {strides = array<i32>} : memref<5120xi32, #tpu.memory_space<vmem>>, vector<16xi32>,
    %add3A_130 = arith.constant 96 : i32
    %add3A_131 = vector.broadcast %add3A_130 : i32 to vector<16xi32>
    %add3A_132 = arith.addi %iota3A, %add3A_131 : vector<16xi32>
    %swap3A_133 = arith.constant 4976 : index
    %swap3A_134 = tpu.vector_load %arg5[%swap3A_133] {strides = array<i32>} : memref<5120xi32, #tpu.memory_space<vmem>>, vector<16xi32>,
    %swap3A_135 = vector.shape_cast %swap3A_134 : vector<16xi32> to vector<16xi32>
    %swap3A_136 = vector.shape_cast %add3A_132 : vector<16xi32> to vector<16xi32>
    tpu.vector_store %arg5[%swap3A_133], %swap3A_136 {strides = array<i32>} : memref<5120xi32, #tpu.memory_space<vmem>>, vector<16xi32>,
    %add3A_137 = arith.constant 10000 : i32
    %add3A_138 = vector.broadcast %add3A_137 : i32 to vector<16xi32>
    %add3A_139 = arith.addi %add3A_138, %add3A_132 : vector<16xi32>
    %swap3A_140 = arith.constant 4976 : index
    %swap3A_141 = tpu.vector_load %arg6[%swap3A_140] {strides = array<i32>} : memref<5120xi32, #tpu.memory_space<vmem>>, vector<16xi32>,
    %swap3A_142 = vector.shape_cast %swap3A_141 : vector<16xi32> to vector<16xi32>
    %swap3A_143 = vector.shape_cast %add3A_139 : vector<16xi32> to vector<16xi32>
    tpu.vector_store %arg6[%swap3A_140], %swap3A_143 {strides = array<i32>} : memref<5120xi32, #tpu.memory_space<vmem>>, vector<16xi32>,
    %add3A_144 = arith.constant 112 : i32
    %add3A_145 = vector.broadcast %add3A_144 : i32 to vector<16xi32>
    %add3A_146 = arith.addi %iota3A, %add3A_145 : vector<16xi32>
    %swap3A_147 = arith.constant 4992 : index
    %swap3A_148 = tpu.vector_load %arg5[%swap3A_147] {strides = array<i32>} : memref<5120xi32, #tpu.memory_space<vmem>>, vector<16xi32>,
    %swap3A_149 = vector.shape_cast %swap3A_148 : vector<16xi32> to vector<16xi32>
    %swap3A_150 = vector.shape_cast %add3A_146 : vector<16xi32> to vector<16xi32>
    tpu.vector_store %arg5[%swap3A_147], %swap3A_150 {strides = array<i32>} : memref<5120xi32, #tpu.memory_space<vmem>>, vector<16xi32>,
    %add3A_151 = arith.constant 10000 : i32
    %add3A_152 = vector.broadcast %add3A_151 : i32 to vector<16xi32>
    %add3A_153 = arith.addi %add3A_152, %add3A_146 : vector<16xi32>
    %swap3A_154 = arith.constant 4992 : index
    %swap3A_155 = tpu.vector_load %arg6[%swap3A_154] {strides = array<i32>} : memref<5120xi32, #tpu.memory_space<vmem>>, vector<16xi32>,
    %swap3A_156 = vector.shape_cast %swap3A_155 : vector<16xi32> to vector<16xi32>
    %swap3A_157 = vector.shape_cast %add3A_153 : vector<16xi32> to vector<16xi32>
    tpu.vector_store %arg6[%swap3A_154], %swap3A_157 {strides = array<i32>} : memref<5120xi32, #tpu.memory_space<vmem>>, vector<16xi32>,
    %add3A_158 = arith.constant 128 : i32
    %add3A_159 = vector.broadcast %add3A_158 : i32 to vector<16xi32>
    %add3A_160 = arith.addi %iota3A, %add3A_159 : vector<16xi32>
    %swap3A_161 = arith.constant 5008 : index
    %swap3A_162 = tpu.vector_load %arg5[%swap3A_161] {strides = array<i32>} : memref<5120xi32, #tpu.memory_space<vmem>>, vector<16xi32>,
    %swap3A_163 = vector.shape_cast %swap3A_162 : vector<16xi32> to vector<16xi32>
    %swap3A_164 = vector.shape_cast %add3A_160 : vector<16xi32> to vector<16xi32>
    tpu.vector_store %arg5[%swap3A_161], %swap3A_164 {strides = array<i32>} : memref<5120xi32, #tpu.memory_space<vmem>>, vector<16xi32>,
    %add3A_165 = arith.constant 10000 : i32
    %add3A_166 = vector.broadcast %add3A_165 : i32 to vector<16xi32>
    %add3A_167 = arith.addi %add3A_166, %add3A_160 : vector<16xi32>
    %swap3A_168 = arith.constant 5008 : index
    %swap3A_169 = tpu.vector_load %arg6[%swap3A_168] {strides = array<i32>} : memref<5120xi32, #tpu.memory_space<vmem>>, vector<16xi32>,
    %swap3A_170 = vector.shape_cast %swap3A_169 : vector<16xi32> to vector<16xi32>
    %swap3A_171 = vector.shape_cast %add3A_167 : vector<16xi32> to vector<16xi32>
    tpu.vector_store %arg6[%swap3A_168], %swap3A_171 {strides = array<i32>} : memref<5120xi32, #tpu.memory_space<vmem>>, vector<16xi32>,
    %add3A_172 = arith.constant 144 : i32
    %add3A_173 = vector.broadcast %add3A_172 : i32 to vector<16xi32>
    %add3A_174 = arith.addi %iota3A, %add3A_173 : vector<16xi32>
    %swap3A_175 = arith.constant 5024 : index
    %swap3A_176 = tpu.vector_load %arg5[%swap3A_175] {strides = array<i32>} : memref<5120xi32, #tpu.memory_space<vmem>>, vector<16xi32>,
    %swap3A_177 = vector.shape_cast %swap3A_176 : vector<16xi32> to vector<16xi32>
    %swap3A_178 = vector.shape_cast %add3A_174 : vector<16xi32> to vector<16xi32>
    tpu.vector_store %arg5[%swap3A_175], %swap3A_178 {strides = array<i32>} : memref<5120xi32, #tpu.memory_space<vmem>>, vector<16xi32>,
    %add3A_179 = arith.constant 10000 : i32
    %add3A_180 = vector.broadcast %add3A_179 : i32 to vector<16xi32>
    %add3A_181 = arith.addi %add3A_180, %add3A_174 : vector<16xi32>
    %swap3A_182 = arith.constant 5024 : index
    %swap3A_183 = tpu.vector_load %arg6[%swap3A_182] {strides = array<i32>} : memref<5120xi32, #tpu.memory_space<vmem>>, vector<16xi32>,
    %swap3A_184 = vector.shape_cast %swap3A_183 : vector<16xi32> to vector<16xi32>
    %swap3A_185 = vector.shape_cast %add3A_181 : vector<16xi32> to vector<16xi32>
    tpu.vector_store %arg6[%swap3A_182], %swap3A_185 {strides = array<i32>} : memref<5120xi32, #tpu.memory_space<vmem>>, vector<16xi32>,
    %add3A_186 = arith.constant 160 : i32
    %add3A_187 = vector.broadcast %add3A_186 : i32 to vector<16xi32>
    %add3A_188 = arith.addi %iota3A, %add3A_187 : vector<16xi32>
    %swap3A_189 = arith.constant 5040 : index
    %swap3A_190 = tpu.vector_load %arg5[%swap3A_189] {strides = array<i32>} : memref<5120xi32, #tpu.memory_space<vmem>>, vector<16xi32>,
    %swap3A_191 = vector.shape_cast %swap3A_190 : vector<16xi32> to vector<16xi32>
    %swap3A_192 = vector.shape_cast %add3A_188 : vector<16xi32> to vector<16xi32>
    tpu.vector_store %arg5[%swap3A_189], %swap3A_192 {strides = array<i32>} : memref<5120xi32, #tpu.memory_space<vmem>>, vector<16xi32>,
    %add3A_193 = arith.constant 10000 : i32
    %add3A_194 = vector.broadcast %add3A_193 : i32 to vector<16xi32>
    %add3A_195 = arith.addi %add3A_194, %add3A_188 : vector<16xi32>
    %swap3A_196 = arith.constant 5040 : index
    %swap3A_197 = tpu.vector_load %arg6[%swap3A_196] {strides = array<i32>} : memref<5120xi32, #tpu.memory_space<vmem>>, vector<16xi32>,
    %swap3A_198 = vector.shape_cast %swap3A_197 : vector<16xi32> to vector<16xi32>
    %swap3A_199 = vector.shape_cast %add3A_195 : vector<16xi32> to vector<16xi32>
    tpu.vector_store %arg6[%swap3A_196], %swap3A_199 {strides = array<i32>} : memref<5120xi32, #tpu.memory_space<vmem>>, vector<16xi32>,
    %add3A_200 = arith.constant 176 : i32
    %add3A_201 = vector.broadcast %add3A_200 : i32 to vector<16xi32>
    %add3A_202 = arith.addi %iota3A, %add3A_201 : vector<16xi32>
    %swap3A_203 = arith.constant 5056 : index
    %swap3A_204 = tpu.vector_load %arg5[%swap3A_203] {strides = array<i32>} : memref<5120xi32, #tpu.memory_space<vmem>>, vector<16xi32>,
    %swap3A_205 = vector.shape_cast %swap3A_204 : vector<16xi32> to vector<16xi32>
    %swap3A_206 = vector.shape_cast %add3A_202 : vector<16xi32> to vector<16xi32>
    tpu.vector_store %arg5[%swap3A_203], %swap3A_206 {strides = array<i32>} : memref<5120xi32, #tpu.memory_space<vmem>>, vector<16xi32>,
    %add3A_207 = arith.constant 10000 : i32
    %add3A_208 = vector.broadcast %add3A_207 : i32 to vector<16xi32>
    %add3A_209 = arith.addi %add3A_208, %add3A_202 : vector<16xi32>
    %swap3A_210 = arith.constant 5056 : index
    %swap3A_211 = tpu.vector_load %arg6[%swap3A_210] {strides = array<i32>} : memref<5120xi32, #tpu.memory_space<vmem>>, vector<16xi32>,
    %swap3A_212 = vector.shape_cast %swap3A_211 : vector<16xi32> to vector<16xi32>
    %swap3A_213 = vector.shape_cast %add3A_209 : vector<16xi32> to vector<16xi32>
    tpu.vector_store %arg6[%swap3A_210], %swap3A_213 {strides = array<i32>} : memref<5120xi32, #tpu.memory_space<vmem>>, vector<16xi32>,
    %add3A_214 = arith.constant 192 : i32
    %add3A_215 = vector.broadcast %add3A_214 : i32 to vector<16xi32>
    %add3A_216 = arith.addi %iota3A, %add3A_215 : vector<16xi32>
    %swap3A_217 = arith.constant 5072 : index
    %swap3A_218 = tpu.vector_load %arg5[%swap3A_217] {strides = array<i32>} : memref<5120xi32, #tpu.memory_space<vmem>>, vector<16xi32>,
    %swap3A_219 = vector.shape_cast %swap3A_218 : vector<16xi32> to vector<16xi32>
    %swap3A_220 = vector.shape_cast %add3A_216 : vector<16xi32> to vector<16xi32>
    tpu.vector_store %arg5[%swap3A_217], %swap3A_220 {strides = array<i32>} : memref<5120xi32, #tpu.memory_space<vmem>>, vector<16xi32>,
    %add3A_221 = arith.constant 10000 : i32
    %add3A_222 = vector.broadcast %add3A_221 : i32 to vector<16xi32>
    %add3A_223 = arith.addi %add3A_222, %add3A_216 : vector<16xi32>
    %swap3A_224 = arith.constant 5072 : index
    %swap3A_225 = tpu.vector_load %arg6[%swap3A_224] {strides = array<i32>} : memref<5120xi32, #tpu.memory_space<vmem>>, vector<16xi32>,
    %swap3A_226 = vector.shape_cast %swap3A_225 : vector<16xi32> to vector<16xi32>
    %swap3A_227 = vector.shape_cast %add3A_223 : vector<16xi32> to vector<16xi32>
    tpu.vector_store %arg6[%swap3A_224], %swap3A_227 {strides = array<i32>} : memref<5120xi32, #tpu.memory_space<vmem>>, vector<16xi32>,
    %add3A_228 = arith.constant 208 : i32
    %add3A_229 = vector.broadcast %add3A_228 : i32 to vector<16xi32>
    %add3A_230 = arith.addi %iota3A, %add3A_229 : vector<16xi32>
    %swap3A_231 = arith.constant 5088 : index
    %swap3A_232 = tpu.vector_load %arg5[%swap3A_231] {strides = array<i32>} : memref<5120xi32, #tpu.memory_space<vmem>>, vector<16xi32>,
    %swap3A_233 = vector.shape_cast %swap3A_232 : vector<16xi32> to vector<16xi32>
    %swap3A_234 = vector.shape_cast %add3A_230 : vector<16xi32> to vector<16xi32>
    tpu.vector_store %arg5[%swap3A_231], %swap3A_234 {strides = array<i32>} : memref<5120xi32, #tpu.memory_space<vmem>>, vector<16xi32>,
    %add3A_235 = arith.constant 10000 : i32
    %add3A_236 = vector.broadcast %add3A_235 : i32 to vector<16xi32>
    %add3A_237 = arith.addi %add3A_236, %add3A_230 : vector<16xi32>
    %swap3A_238 = arith.constant 5088 : index
    %swap3A_239 = tpu.vector_load %arg6[%swap3A_238] {strides = array<i32>} : memref<5120xi32, #tpu.memory_space<vmem>>, vector<16xi32>,
    %swap3A_240 = vector.shape_cast %swap3A_239 : vector<16xi32> to vector<16xi32>
    %swap3A_241 = vector.shape_cast %add3A_237 : vector<16xi32> to vector<16xi32>
    tpu.vector_store %arg6[%swap3A_238], %swap3A_241 {strides = array<i32>} : memref<5120xi32, #tpu.memory_space<vmem>>, vector<16xi32>,
    %add3A_242 = arith.constant 224 : i32
    %add3A_243 = vector.broadcast %add3A_242 : i32 to vector<16xi32>
    %add3A_244 = arith.addi %iota3A, %add3A_243 : vector<16xi32>
    %swap3A_245 = arith.constant 5104 : index
    %swap3A_246 = tpu.vector_load %arg5[%swap3A_245] {strides = array<i32>} : memref<5120xi32, #tpu.memory_space<vmem>>, vector<16xi32>,
    %swap3A_247 = vector.shape_cast %swap3A_246 : vector<16xi32> to vector<16xi32>
    %swap3A_248 = vector.shape_cast %add3A_244 : vector<16xi32> to vector<16xi32>
    tpu.vector_store %arg5[%swap3A_245], %swap3A_248 {strides = array<i32>} : memref<5120xi32, #tpu.memory_space<vmem>>, vector<16xi32>,
    %add3A_249 = arith.constant 10000 : i32
    %add3A_250 = vector.broadcast %add3A_249 : i32 to vector<16xi32>
    %add3A_251 = arith.addi %add3A_250, %add3A_244 : vector<16xi32>
    %swap3A_252 = arith.constant 5104 : index
    %swap3A_253 = tpu.vector_load %arg6[%swap3A_252] {strides = array<i32>} : memref<5120xi32, #tpu.memory_space<vmem>>, vector<16xi32>,
    %swap3A_254 = vector.shape_cast %swap3A_253 : vector<16xi32> to vector<16xi32>
    %swap3A_255 = vector.shape_cast %add3A_251 : vector<16xi32> to vector<16xi32>
    tpu.vector_store %arg6[%swap3A_252], %swap3A_255 {strides = array<i32>} : memref<5120xi32, #tpu.memory_space<vmem>>, vector<16xi32>,
    %dma_start3A_256 = arith.constant 0 : i32
    %dma_start3A_257 = tpu.memref_slice %arg5[%dma_start3A_256] : memref<5120xi32, #tpu.memory_space<vmem>> -> memref<128xi32, #tpu.memory_space<vmem>>
    %dma_start3A_258 = arith.constant 0 : i32
    %dma_start3A_259 = arith.constant 0 : i32
    %dma_start3A_260 = tpu.memref_slice %arg2[%dma_start3A_258, %dma_start3A_259] : memref<10240x128xf32, #tpu.memory_space<hbm>> -> memref<10240x128xf32, #tpu.memory_space<hbm>>
    tpu.enqueue_indirect_dma source(%dma_start3A_260 : memref<10240x128xf32, #tpu.memory_space<hbm>>) target(%arg8 : memref<128x128xf32, #tpu.memory_space<vmem>>) offsets(%dma_start3A_257 : memref<128xi32, #tpu.memory_space<vmem>>) semaphore(%arg11 : memref<!tpu.dma_semaphore, #tpu.memory_space<semaphore_mem>>)
    %scan3A_261 = arith.constant 0 : i32
    %scan3A_262 = arith.constant 0 : i32
    %scan3A_263 = arith.constant 40 : i32
    %scan3A_264 = arith.addi %scan3A_262, %scan3A_263 : i32
    %scan3A_265 = arith.constant 1 : i32
    scf.for %scan3A_280 = %scan3A_262 to %scan3A_264 step %scan3A_265  : i32 {
      %mul3A_281 = arith.constant 128 : i32
      %mul3A_282 = arith.muli %scan3A_280, %mul3A_281 : i32
      %add3A_283 = arith.constant 0 : i32
      %add3A_284 = arith.addi %mul3A_282, %add3A_283 : i32
      %get3A = arith.index_cast %add3A_284 : i32 to index
      %get3A_285 = tpu.vector_load %arg6[%get3A] {strides = array<i32>} : memref<5120xi32, #tpu.memory_space<vmem>>, vector<16xi32>,
      %get3A_286 = vector.shape_cast %get3A_285 : vector<16xi32> to vector<16xi32>
      %swap3A_287 = arith.index_cast %scan3A_280 : i32 to index
      %swap3A_288 = arith.constant 0 : index
      %swap3A_289 = tpu.vector_load %arg7[%swap3A_287, %swap3A_288] {strides = array<i32>} : memref<40x128xi32, #tpu.memory_space<vmem>>, vector<1x16xi32>,
      %swap3A_290 = vector.shape_cast %swap3A_289 : vector<1x16xi32> to vector<16xi32>
      %swap3A_291 = vector.shape_cast %get3A_286 : vector<16xi32> to vector<1x16xi32>
      tpu.vector_store %arg7[%swap3A_287, %swap3A_288], %swap3A_291 {strides = array<i32>} : memref<40x128xi32, #tpu.memory_space<vmem>>, vector<1x16xi32>,
      %mul3A_292 = arith.constant 128 : i32
      %mul3A_293 = arith.muli %scan3A_280, %mul3A_292 : i32
      %add3A_294 = arith.constant 16 : i32
      %add3A_295 = arith.addi %mul3A_293, %add3A_294 : i32
      %get3A_296 = arith.index_cast %add3A_295 : i32 to index
      %get3A_297 = tpu.vector_load %arg6[%get3A_296] {strides = array<i32>} : memref<5120xi32, #tpu.memory_space<vmem>>, vector<16xi32>,
      %get3A_298 = vector.shape_cast %get3A_297 : vector<16xi32> to vector<16xi32>
      %swap3A_299 = arith.index_cast %scan3A_280 : i32 to index
      %swap3A_300 = arith.constant 16 : index
      %swap3A_301 = tpu.vector_load %arg7[%swap3A_299, %swap3A_300] {strides = array<i32>} : memref<40x128xi32, #tpu.memory_space<vmem>>, vector<1x16xi32>,
      %swap3A_302 = vector.shape_cast %swap3A_301 : vector<1x16xi32> to vector<16xi32>
      %swap3A_303 = vector.shape_cast %get3A_298 : vector<16xi32> to vector<1x16xi32>
      tpu.vector_store %arg7[%swap3A_299, %swap3A_300], %swap3A_303 {strides = array<i32>} : memref<40x128xi32, #tpu.memory_space<vmem>>, vector<1x16xi32>,
      %mul3A_304 = arith.constant 128 : i32
      %mul3A_305 = arith.muli %scan3A_280, %mul3A_304 : i32
      %add3A_306 = arith.constant 32 : i32
      %add3A_307 = arith.addi %mul3A_305, %add3A_306 : i32
      %get3A_308 = arith.index_cast %add3A_307 : i32 to index
      %get3A_309 = tpu.vector_load %arg6[%get3A_308] {strides = array<i32>} : memref<5120xi32, #tpu.memory_space<vmem>>, vector<16xi32>,
      %get3A_310 = vector.shape_cast %get3A_309 : vector<16xi32> to vector<16xi32>
      %swap3A_311 = arith.index_cast %scan3A_280 : i32 to index
      %swap3A_312 = arith.constant 32 : index
      %swap3A_313 = tpu.vector_load %arg7[%swap3A_311, %swap3A_312] {strides = array<i32>} : memref<40x128xi32, #tpu.memory_space<vmem>>, vector<1x16xi32>,
      %swap3A_314 = vector.shape_cast %swap3A_313 : vector<1x16xi32> to vector<16xi32>
      %swap3A_315 = vector.shape_cast %get3A_310 : vector<16xi32> to vector<1x16xi32>
      tpu.vector_store %arg7[%swap3A_311, %swap3A_312], %swap3A_315 {strides = array<i32>} : memref<40x128xi32, #tpu.memory_space<vmem>>, vector<1x16xi32>,
      %mul3A_316 = arith.constant 128 : i32
      %mul3A_317 = arith.muli %scan3A_280, %mul3A_316 : i32
      %add3A_318 = arith.constant 48 : i32
      %add3A_319 = arith.addi %mul3A_317, %add3A_318 : i32
      %get3A_320 = arith.index_cast %add3A_319 : i32 to index
      %get3A_321 = tpu.vector_load %arg6[%get3A_320] {strides = array<i32>} : memref<5120xi32, #tpu.memory_space<vmem>>, vector<16xi32>,
      %get3A_322 = vector.shape_cast %get3A_321 : vector<16xi32> to vector<16xi32>
      %swap3A_323 = arith.index_cast %scan3A_280 : i32 to index
      %swap3A_324 = arith.constant 48 : index
      %swap3A_325 = tpu.vector_load %arg7[%swap3A_323, %swap3A_324] {strides = array<i32>} : memref<40x128xi32, #tpu.memory_space<vmem>>, vector<1x16xi32>,
      %swap3A_326 = vector.shape_cast %swap3A_325 : vector<1x16xi32> to vector<16xi32>
      %swap3A_327 = vector.shape_cast %get3A_322 : vector<16xi32> to vector<1x16xi32>
      tpu.vector_store %arg7[%swap3A_323, %swap3A_324], %swap3A_327 {strides = array<i32>} : memref<40x128xi32, #tpu.memory_space<vmem>>, vector<1x16xi32>,
      %mul3A_328 = arith.constant 128 : i32
      %mul3A_329 = arith.muli %scan3A_280, %mul3A_328 : i32
      %add3A_330 = arith.constant 64 : i32
      %add3A_331 = arith.addi %mul3A_329, %add3A_330 : i32
      %get3A_332 = arith.index_cast %add3A_331 : i32 to index
      %get3A_333 = tpu.vector_load %arg6[%get3A_332] {strides = array<i32>} : memref<5120xi32, #tpu.memory_space<vmem>>, vector<16xi32>,
      %get3A_334 = vector.shape_cast %get3A_333 : vector<16xi32> to vector<16xi32>
      %swap3A_335 = arith.index_cast %scan3A_280 : i32 to index
      %swap3A_336 = arith.constant 64 : index
      %swap3A_337 = tpu.vector_load %arg7[%swap3A_335, %swap3A_336] {strides = array<i32>} : memref<40x128xi32, #tpu.memory_space<vmem>>, vector<1x16xi32>,
      %swap3A_338 = vector.shape_cast %swap3A_337 : vector<1x16xi32> to vector<16xi32>
      %swap3A_339 = vector.shape_cast %get3A_334 : vector<16xi32> to vector<1x16xi32>
      tpu.vector_store %arg7[%swap3A_335, %swap3A_336], %swap3A_339 {strides = array<i32>} : memref<40x128xi32, #tpu.memory_space<vmem>>, vector<1x16xi32>,
      %mul3A_340 = arith.constant 128 : i32
      %mul3A_341 = arith.muli %scan3A_280, %mul3A_340 : i32
      %add3A_342 = arith.constant 80 : i32
      %add3A_343 = arith.addi %mul3A_341, %add3A_342 : i32
      %get3A_344 = arith.index_cast %add3A_343 : i32 to index
      %get3A_345 = tpu.vector_load %arg6[%get3A_344] {strides = array<i32>} : memref<5120xi32, #tpu.memory_space<vmem>>, vector<16xi32>,
      %get3A_346 = vector.shape_cast %get3A_345 : vector<16xi32> to vector<16xi32>
      %swap3A_347 = arith.index_cast %scan3A_280 : i32 to index
      %swap3A_348 = arith.constant 80 : index
      %swap3A_349 = tpu.vector_load %arg7[%swap3A_347, %swap3A_348] {strides = array<i32>} : memref<40x128xi32, #tpu.memory_space<vmem>>, vector<1x16xi32>,
      %swap3A_350 = vector.shape_cast %swap3A_349 : vector<1x16xi32> to vector<16xi32>
      %swap3A_351 = vector.shape_cast %get3A_346 : vector<16xi32> to vector<1x16xi32>
      tpu.vector_store %arg7[%swap3A_347, %swap3A_348], %swap3A_351 {strides = array<i32>} : memref<40x128xi32, #tpu.memory_space<vmem>>, vector<1x16xi32>,
      %mul3A_352 = arith.constant 128 : i32
      %mul3A_353 = arith.muli %scan3A_280, %mul3A_352 : i32
      %add3A_354 = arith.constant 96 : i32
      %add3A_355 = arith.addi %mul3A_353, %add3A_354 : i32
      %get3A_356 = arith.index_cast %add3A_355 : i32 to index
      %get3A_357 = tpu.vector_load %arg6[%get3A_356] {strides = array<i32>} : memref<5120xi32, #tpu.memory_space<vmem>>, vector<16xi32>,
      %get3A_358 = vector.shape_cast %get3A_357 : vector<16xi32> to vector<16xi32>
      %swap3A_359 = arith.index_cast %scan3A_280 : i32 to index
      %swap3A_360 = arith.constant 96 : index
      %swap3A_361 = tpu.vector_load %arg7[%swap3A_359, %swap3A_360] {strides = array<i32>} : memref<40x128xi32, #tpu.memory_space<vmem>>, vector<1x16xi32>,
      %swap3A_362 = vector.shape_cast %swap3A_361 : vector<1x16xi32> to vector<16xi32>
      %swap3A_363 = vector.shape_cast %get3A_358 : vector<16xi32> to vector<1x16xi32>
      tpu.vector_store %arg7[%swap3A_359, %swap3A_360], %swap3A_363 {strides = array<i32>} : memref<40x128xi32, #tpu.memory_space<vmem>>, vector<1x16xi32>,
      %mul3A_364 = arith.constant 128 : i32
      %mul3A_365 = arith.muli %scan3A_280, %mul3A_364 : i32
      %add3A_366 = arith.constant 112 : i32
      %add3A_367 = arith.addi %mul3A_365, %add3A_366 : i32
      %get3A_368 = arith.index_cast %add3A_367 : i32 to index
      %get3A_369 = tpu.vector_load %arg6[%get3A_368] {strides = array<i32>} : memref<5120xi32, #tpu.memory_space<vmem>>, vector<16xi32>,
      %get3A_370 = vector.shape_cast %get3A_369 : vector<16xi32> to vector<16xi32>
      %swap3A_371 = arith.index_cast %scan3A_280 : i32 to index
      %swap3A_372 = arith.constant 112 : index
      %swap3A_373 = tpu.vector_load %arg7[%swap3A_371, %swap3A_372] {strides = array<i32>} : memref<40x128xi32, #tpu.memory_space<vmem>>, vector<1x16xi32>,
      %swap3A_374 = vector.shape_cast %swap3A_373 : vector<1x16xi32> to vector<16xi32>
      %swap3A_375 = vector.shape_cast %get3A_370 : vector<16xi32> to vector<1x16xi32>
      tpu.vector_store %arg7[%swap3A_371, %swap3A_372], %swap3A_375 {strides = array<i32>} : memref<40x128xi32, #tpu.memory_space<vmem>>, vector<1x16xi32>,
    }
    %scan3A_266 = arith.constant 40 : i32
    %scan3A_267 = arith.constant 0 : i32
    %scan3A_268 = arith.constant 0 : i32
    %scan3A_269 = arith.constant 20 : i32
    %scan3A_270 = arith.addi %scan3A_268, %scan3A_269 : i32
    %scan3A_271 = arith.constant 1 : i32
    scf.for %scan3A_280 = %scan3A_268 to %scan3A_270 step %scan3A_271  : i32 {
      %mul3A_281 = arith.constant 2 : i32
      %mul3A_282 = arith.muli %scan3A_280, %mul3A_281 : i32
      %add3A_283 = arith.constant 1 : i32
      %add3A_284 = arith.addi %mul3A_282, %add3A_283 : i32
      %mul3A_285 = arith.constant 128 : i32
      %mul3A_286 = arith.muli %add3A_284, %mul3A_285 : i32
      %dma_start3A_287 = tpu.memref_slice %arg5[%mul3A_286] : memref<5120xi32, #tpu.memory_space<vmem>> -> memref<128xi32, #tpu.memory_space<vmem>>
      %dma_start3A_288 = arith.constant 0 : i32
      %dma_start3A_289 = arith.constant 0 : i32
      %dma_start3A_290 = tpu.memref_slice %arg2[%dma_start3A_288, %dma_start3A_289] : memref<10240x128xf32, #tpu.memory_space<hbm>> -> memref<10240x128xf32, #tpu.memory_space<hbm>>
      tpu.enqueue_indirect_dma source(%dma_start3A_290 : memref<10240x128xf32, #tpu.memory_space<hbm>>) target(%arg9 : memref<128x128xf32, #tpu.memory_space<vmem>>) offsets(%dma_start3A_287 : memref<128xi32, #tpu.memory_space<vmem>>) semaphore(%arg12 : memref<!tpu.dma_semaphore, #tpu.memory_space<semaphore_mem>>)
      %mul3A_291 = arith.constant 128 : i32
      %mul3A_292 = arith.muli %mul3A_282, %mul3A_291 : i32
      %dma_wait3A = tpu.memref_slice %arg5[%mul3A_292] : memref<5120xi32, #tpu.memory_space<vmem>> -> memref<128xi32, #tpu.memory_space<vmem>>
      %dma_wait3A_293 = arith.constant 0 : i32
      %dma_wait3A_294 = arith.constant 0 : i32
      %dma_wait3A_295 = tpu.memref_slice %arg2[%dma_wait3A_293, %dma_wait3A_294] : memref<10240x128xf32, #tpu.memory_space<hbm>> -> memref<10240x128xf32, #tpu.memory_space<hbm>>
      tpu.wait_indirect_dma semaphore(%arg11 : memref<!tpu.dma_semaphore, #tpu.memory_space<semaphore_mem>>) src(%dma_wait3A_295 : memref<10240x128xf32, #tpu.memory_space<hbm>>) dst(%arg8 : memref<128x128xf32, #tpu.memory_space<vmem>>)
      "tpu.region"() ({
        %run_scoped3A = tpu.sem_alloc : memref<!tpu.dma_semaphore, #tpu.memory_space<semaphore_mem>>
        %dma_start3A_309 = arith.constant 0 : i32
        %dma_start3A_310 = tpu.memref_slice %arg7[%mul3A_282, %dma_start3A_309] : memref<40x128xi32, #tpu.memory_space<vmem>> -> memref<1x128xi32, #tpu.memory_space<vmem>>
        %dma_start3A_311 = tpu.memref_squeeze %dma_start3A_310 : memref<1x128xi32, #tpu.memory_space<vmem>> -> memref<128xi32, #tpu.memory_space<vmem>>
        %dma_start3A_312 = arith.constant 0 : i32
        %dma_start3A_313 = arith.constant 0 : i32
        %dma_start3A_314 = tpu.memref_slice %arg10[%dma_start3A_312, %dma_start3A_313] : memref<10240x128xf32, #tpu.memory_space<vmem_shared>> -> memref<10240x128xf32, #tpu.memory_space<vmem_shared>>
        tpu.enqueue_indirect_dma source(%arg8 : memref<128x128xf32, #tpu.memory_space<vmem>>) target(%dma_start3A_314 : memref<10240x128xf32, #tpu.memory_space<vmem_shared>>) offsets(%dma_start3A_311 : memref<128xi32, #tpu.memory_space<vmem>>) semaphore(%run_scoped3A : memref<!tpu.dma_semaphore, #tpu.memory_space<semaphore_mem>>) {add = true}
        %dma_wait3A_315 = arith.constant 0 : i32
        %dma_wait3A_316 = tpu.memref_slice %arg7[%mul3A_282, %dma_wait3A_315] : memref<40x128xi32, #tpu.memory_space<vmem>> -> memref<1x128xi32, #tpu.memory_space<vmem>>
        %dma_wait3A_317 = tpu.memref_squeeze %dma_wait3A_316 : memref<1x128xi32, #tpu.memory_space<vmem>> -> memref<128xi32, #tpu.memory_space<vmem>>
        %dma_wait3A_318 = arith.constant 0 : i32
        %dma_wait3A_319 = arith.constant 0 : i32
        %dma_wait3A_320 = tpu.memref_slice %arg10[%dma_wait3A_318, %dma_wait3A_319] : memref<10240x128xf32, #tpu.memory_space<vmem_shared>> -> memref<10240x128xf32, #tpu.memory_space<vmem_shared>>
        tpu.wait_indirect_dma semaphore(%run_scoped3A : memref<!tpu.dma_semaphore, #tpu.memory_space<semaphore_mem>>) src(%arg8 : memref<128x128xf32, #tpu.memory_space<vmem>>) dst(%dma_wait3A_320 : memref<10240x128xf32, #tpu.memory_space<vmem_shared>>)
        tpu.yield
      }) : () -> ()
      %add3A_296 = arith.constant 2 : i32
      %add3A_297 = arith.addi %mul3A_282, %add3A_296 : i32
      %lt3A_298 = arith.constant 40 : i32
      %lt3A_299 = arith.cmpi slt, %add3A_297, %lt3A_298 : i32
      %convert_element_type3A_300 = arith.extui %lt3A_299 : i1 to i32
      %cond3A_301 = arith.constant 0 : i32
      %cond3A_302 = arith.cmpi ne, %convert_element_type3A_300, %cond3A_301 : i32
      scf.if %cond3A_302 {
        %add3A_309 = arith.constant 2 : i32
        %add3A_310 = arith.addi %mul3A_282, %add3A_309 : i32
        %mul3A_311 = arith.constant 128 : i32
        %mul3A_312 = arith.muli %add3A_310, %mul3A_311 : i32
        %dma_start3A_313 = tpu.memref_slice %arg5[%mul3A_312] : memref<5120xi32, #tpu.memory_space<vmem>> -> memref<128xi32, #tpu.memory_space<vmem>>
        %dma_start3A_314 = arith.constant 0 : i32
        %dma_start3A_315 = arith.constant 0 : i32
        %dma_start3A_316 = tpu.memref_slice %arg2[%dma_start3A_314, %dma_start3A_315] : memref<10240x128xf32, #tpu.memory_space<hbm>> -> memref<10240x128xf32, #tpu.memory_space<hbm>>
        tpu.enqueue_indirect_dma source(%dma_start3A_316 : memref<10240x128xf32, #tpu.memory_space<hbm>>) target(%arg8 : memref<128x128xf32, #tpu.memory_space<vmem>>) offsets(%dma_start3A_313 : memref<128xi32, #tpu.memory_space<vmem>>) semaphore(%arg11 : memref<!tpu.dma_semaphore, #tpu.memory_space<semaphore_mem>>)
      } else {
      }
      %dma_wait3A_303 = tpu.memref_slice %arg5[%mul3A_286] : memref<5120xi32, #tpu.memory_space<vmem>> -> memref<128xi32, #tpu.memory_space<vmem>>
      %dma_wait3A_304 = arith.constant 0 : i32
      %dma_wait3A_305 = arith.constant 0 : i32
      %dma_wait3A_306 = tpu.memref_slice %arg2[%dma_wait3A_304, %dma_wait3A_305] : memref<10240x128xf32, #tpu.memory_space<hbm>> -> memref<10240x128xf32, #tpu.memory_space<hbm>>
      tpu.wait_indirect_dma semaphore(%arg12 : memref<!tpu.dma_semaphore, #tpu.memory_space<semaphore_mem>>) src(%dma_wait3A_306 : memref<10240x128xf32, #tpu.memory_space<hbm>>) dst(%arg9 : memref<128x128xf32, #tpu.memory_space<vmem>>)
      %add3A_307 = arith.constant 1 : i32
      %add3A_308 = arith.addi %mul3A_282, %add3A_307 : i32
      "tpu.region"() ({
        %run_scoped3A = tpu.sem_alloc : memref<!tpu.dma_semaphore, #tpu.memory_space<semaphore_mem>>
        %dma_start3A_309 = arith.constant 0 : i32
        %dma_start3A_310 = tpu.memref_slice %arg7[%add3A_308, %dma_start3A_309] : memref<40x128xi32, #tpu.memory_space<vmem>> -> memref<1x128xi32, #tpu.memory_space<vmem>>
        %dma_start3A_311 = tpu.memref_squeeze %dma_start3A_310 : memref<1x128xi32, #tpu.memory_space<vmem>> -> memref<128xi32, #tpu.memory_space<vmem>>
        %dma_start3A_312 = arith.constant 0 : i32
        %dma_start3A_313 = arith.constant 0 : i32
        %dma_start3A_314 = tpu.memref_slice %arg10[%dma_start3A_312, %dma_start3A_313] : memref<10240x128xf32, #tpu.memory_space<vmem_shared>> -> memref<10240x128xf32, #tpu.memory_space<vmem_shared>>
        tpu.enqueue_indirect_dma source(%arg9 : memref<128x128xf32, #tpu.memory_space<vmem>>) target(%dma_start3A_314 : memref<10240x128xf32, #tpu.memory_space<vmem_shared>>) offsets(%dma_start3A_311 : memref<128xi32, #tpu.memory_space<vmem>>) semaphore(%run_scoped3A : memref<!tpu.dma_semaphore, #tpu.memory_space<semaphore_mem>>) {add = true}
        %dma_wait3A_315 = arith.constant 0 : i32
        %dma_wait3A_316 = tpu.memref_slice %arg7[%add3A_308, %dma_wait3A_315] : memref<40x128xi32, #tpu.memory_space<vmem>> -> memref<1x128xi32, #tpu.memory_space<vmem>>
        %dma_wait3A_317 = tpu.memref_squeeze %dma_wait3A_316 : memref<1x128xi32, #tpu.memory_space<vmem>> -> memref<128xi32, #tpu.memory_space<vmem>>
        %dma_wait3A_318 = arith.constant 0 : i32
        %dma_wait3A_319 = arith.constant 0 : i32
        %dma_wait3A_320 = tpu.memref_slice %arg10[%dma_wait3A_318, %dma_wait3A_319] : memref<10240x128xf32, #tpu.memory_space<vmem_shared>> -> memref<10240x128xf32, #tpu.memory_space<vmem_shared>>
        tpu.wait_indirect_dma semaphore(%run_scoped3A : memref<!tpu.dma_semaphore, #tpu.memory_space<semaphore_mem>>) src(%arg9 : memref<128x128xf32, #tpu.memory_space<vmem>>) dst(%dma_wait3A_320 : memref<10240x128xf32, #tpu.memory_space<vmem_shared>>)
        tpu.yield
      }) : () -> ()
    }
    %scan3A_272 = arith.constant 20 : i32
    %barrier3A_273 = arith.constant 0 : index
    tpu.barrier barrier_id(%barrier3A_273)
    %lt3A = arith.constant 15 : i32
    %lt3A_274 = arith.cmpi slt, %arg1, %lt3A : i32
    %convert_element_type3A = arith.extui %lt3A_274 : i1 to i32
    %cond3A = arith.constant 0 : i32
    %cond3A_275 = arith.cmpi ne, %convert_element_type3A, %cond3A : i32
    scf.if %cond3A_275 {
      "tpu.region"() ({
        %run_scoped3A = tpu.sem_alloc : memref<!tpu.dma_semaphore, #tpu.memory_space<semaphore_mem>>
        %dma_start3A_280 = arith.constant 0 : i32
        %dma_start3A_281 = tpu.memref_slice %arg4[%arg0, %mul3A_24, %dma_start3A_280] : memref<2x10000x128xf32, #tpu.memory_space<hbm>> -> memref<1x640x128xf32, #tpu.memory_space<hbm>>
        %dma_start3A_282 = tpu.memref_squeeze %dma_start3A_281 : memref<1x640x128xf32, #tpu.memory_space<hbm>> -> memref<640x128xf32, #tpu.memory_space<hbm>>
        %dma_start3A_283 = arith.constant 0 : i32
        %dma_start3A_284 = tpu.memref_slice %arg10[%mul3A_24, %dma_start3A_283] : memref<10240x128xf32, #tpu.memory_space<vmem_shared>> -> memref<640x128xf32, #tpu.memory_space<vmem_shared>>
        tpu.enqueue_dma source(%dma_start3A_284 : memref<640x128xf32, #tpu.memory_space<vmem_shared>>) target(%dma_start3A_282 : memref<640x128xf32, #tpu.memory_space<hbm>>) target_semaphore(%run_scoped3A : memref<!tpu.dma_semaphore, #tpu.memory_space<semaphore_mem>>)
        %dma_wait3A = arith.constant 0 : i32
        %dma_wait3A_285 = tpu.memref_slice %arg4[%arg0, %mul3A_24, %dma_wait3A] : memref<2x10000x128xf32, #tpu.memory_space<hbm>> -> memref<1x640x128xf32, #tpu.memory_space<hbm>>
        %dma_wait3A_286 = tpu.memref_squeeze %dma_wait3A_285 : memref<1x640x128xf32, #tpu.memory_space<hbm>> -> memref<640x128xf32, #tpu.memory_space<hbm>>
        %dma_wait3A_287 = arith.constant 0 : i32
        %dma_wait3A_288 = tpu.memref_slice %arg10[%mul3A_24, %dma_wait3A_287] : memref<10240x128xf32, #tpu.memory_space<vmem_shared>> -> memref<640x128xf32, #tpu.memory_space<vmem_shared>>
        tpu.wait_dma2 semaphore(%run_scoped3A : memref<!tpu.dma_semaphore, #tpu.memory_space<semaphore_mem>>) src(%dma_wait3A_288 : memref<640x128xf32, #tpu.memory_space<vmem_shared>>) dst(%dma_wait3A_286 : memref<640x128xf32, #tpu.memory_space<hbm>>)
        tpu.yield
      }) : () -> ()
    } else {
    }
    %eq3A = arith.constant 15 : i32
    %eq3A_276 = arith.cmpi eq, %arg1, %eq3A : i32
    %convert_element_type3A_277 = arith.extui %eq3A_276 : i1 to i32
    %cond3A_278 = arith.constant 0 : i32
    %cond3A_279 = arith.cmpi ne, %convert_element_type3A_277, %cond3A_278 : i32
    scf.if %cond3A_279 {
      "tpu.region"() ({
        %run_scoped3A = tpu.sem_alloc : memref<!tpu.dma_semaphore, #tpu.memory_space<semaphore_mem>>
        %dma_start3A_280 = arith.constant 9600 : i32
        %dma_start3A_281 = arith.constant 0 : i32
        %dma_start3A_282 = tpu.memref_slice %arg4[%arg0, %dma_start3A_280, %dma_start3A_281] : memref<2x10000x128xf32, #tpu.memory_space<hbm>> -> memref<1x400x128xf32, #tpu.memory_space<hbm>>
        %dma_start3A_283 = tpu.memref_squeeze %dma_start3A_282 : memref<1x400x128xf32, #tpu.memory_space<hbm>> -> memref<400x128xf32, #tpu.memory_space<hbm>>
        %dma_start3A_284 = arith.constant 9600 : i32
        %dma_start3A_285 = arith.constant 0 : i32
        %dma_start3A_286 = tpu.memref_slice %arg10[%dma_start3A_284, %dma_start3A_285] : memref<10240x128xf32, #tpu.memory_space<vmem_shared>> -> memref<400x128xf32, #tpu.memory_space<vmem_shared>>
        tpu.enqueue_dma source(%dma_start3A_286 : memref<400x128xf32, #tpu.memory_space<vmem_shared>>) target(%dma_start3A_283 : memref<400x128xf32, #tpu.memory_space<hbm>>) target_semaphore(%run_scoped3A : memref<!tpu.dma_semaphore, #tpu.memory_space<semaphore_mem>>)
        %dma_wait3A = arith.constant 9600 : i32
        %dma_wait3A_287 = arith.constant 0 : i32
        %dma_wait3A_288 = tpu.memref_slice %arg4[%arg0, %dma_wait3A, %dma_wait3A_287] : memref<2x10000x128xf32, #tpu.memory_space<hbm>> -> memref<1x400x128xf32, #tpu.memory_space<hbm>>
        %dma_wait3A_289 = tpu.memref_squeeze %dma_wait3A_288 : memref<1x400x128xf32, #tpu.memory_space<hbm>> -> memref<400x128xf32, #tpu.memory_space<hbm>>
        %dma_wait3A_290 = arith.constant 9600 : i32
        %dma_wait3A_291 = arith.constant 0 : i32
        %dma_wait3A_292 = tpu.memref_slice %arg10[%dma_wait3A_290, %dma_wait3A_291] : memref<10240x128xf32, #tpu.memory_space<vmem_shared>> -> memref<400x128xf32, #tpu.memory_space<vmem_shared>>
        tpu.wait_dma2 semaphore(%run_scoped3A : memref<!tpu.dma_semaphore, #tpu.memory_space<semaphore_mem>>) src(%dma_wait3A_292 : memref<400x128xf32, #tpu.memory_space<vmem_shared>>) dst(%dma_wait3A_289 : memref<400x128xf32, #tpu.memory_space<hbm>>)
        tpu.yield
      }) : () -> ()
    } else {
    }
    return
  }
}

#map = affine_map<(d0, d1) -> (0, 0)>
#map1 = affine_map<(d0, d1) -> (0)>
#map2 = affine_map<(d0, d1) -> (0, 0, 0)>
module attributes {stable_mosaic.version = 14 : i64} {
  func.func @_spmm_kernel(%arg0: i32, %arg1: i32, %arg2: memref<10000x128xf32, #tpu.memory_space<hbm>>, %arg3: memref<640000xi32, #tpu.memory_space<hbm>>, %arg4: memref<2x10000x128xf32, #tpu.memory_space<hbm>>, %arg5: memref<5120xi32, #tpu.memory_space<vmem>>, %arg6: memref<5120xi32, #tpu.memory_space<vmem>>, %arg7: memref<40x128xi32, #tpu.memory_space<vmem>>, %arg8: memref<128x128xf32, #tpu.memory_space<vmem>>, %arg9: memref<128x128xf32, #tpu.memory_space<vmem>>, %arg10: memref<10240x128xf32, #tpu.memory_space<vmem_shared>>, %arg11: memref<!tpu.dma_semaphore, #tpu.memory_space<semaphore_mem>>, %arg12: memref<!tpu.dma_semaphore, #tpu.memory_space<semaphore_mem>>) attributes {dimension_semantics = [#tpu.dimension_semantics<core_parallel>, #tpu.dimension_semantics<subcore_parallel>], iteration_bounds = array<i64: 2, 16>, scalar_prefetch = 0 : i64, scratch_operands = 8 : i64, tpu.core_type = #tpu.core_type<sc_vector_subcore>, window_params = [{transform_indices = #map}, {transform_indices = #map1}, {transform_indices = #map2}]} {
    %mul3A = arith.constant 16 : i32
    %mul3A_0 = arith.muli %arg0, %mul3A : i32
    %add3A = arith.addi %mul3A_0, %arg1 : i32
    %mul3A_1 = arith.constant 10000 : i32
    %mul3A_2 = arith.muli %add3A, %mul3A_1 : i32
    %add3A_3 = arith.constant 0 : i32
    %add3A_4 = arith.addi %mul3A_2, %add3A_3 : i32
    "tpu.region"() ({
      %run_scoped3A = tpu.sem_alloc : memref<!tpu.dma_semaphore, #tpu.memory_space<semaphore_mem>>
      %dma_start3A_280 = arith.constant 0 : i32
      %dma_start3A_281 = tpu.memref_slice %arg5[%dma_start3A_280] : memref<5120xi32, #tpu.memory_space<vmem>> -> memref<5120xi32, #tpu.memory_space<vmem>>
      %dma_start3A_282 = tpu.memref_slice %arg3[%add3A_4] : memref<640000xi32, #tpu.memory_space<hbm>> -> memref<5120xi32, #tpu.memory_space<hbm>>
      %dma_start3A_283 = arith.constant 0 : i32
      %dma_start3A_284 = tpu.memref_slice %arg5[%dma_start3A_283] : memref<5120xi32, #tpu.memory_space<vmem>> -> memref<5120xi32, #tpu.memory_space<vmem>>
      %dma_start3A_285 = tpu.memref_slice %arg3[%add3A_4] : memref<640000xi32, #tpu.memory_space<hbm>> -> memref<5120xi32, #tpu.memory_space<hbm>>
      tpu.enqueue_dma source(%dma_start3A_285 : memref<5120xi32, #tpu.memory_space<hbm>>) target(%dma_start3A_284 : memref<5120xi32, #tpu.memory_space<vmem>>) target_semaphore(%run_scoped3A : memref<!tpu.dma_semaphore, #tpu.memory_space<semaphore_mem>>)
      %dma_wait3A = arith.constant 0 : i32
      %dma_wait3A_286 = tpu.memref_slice %arg5[%dma_wait3A] : memref<5120xi32, #tpu.memory_space<vmem>> -> memref<5120xi32, #tpu.memory_space<vmem>>
      %dma_wait3A_287 = tpu.memref_slice %arg3[%add3A_4] : memref<640000xi32, #tpu.memory_space<hbm>> -> memref<5120xi32, #tpu.memory_space<hbm>>
      %dma_wait3A_288 = arith.constant 0 : i32
      %dma_wait3A_289 = tpu.memref_slice %arg5[%dma_wait3A_288] : memref<5120xi32, #tpu.memory_space<vmem>> -> memref<5120xi32, #tpu.memory_space<vmem>>
      %dma_wait3A_290 = tpu.memref_slice %arg3[%add3A_4] : memref<640000xi32, #tpu.memory_space<hbm>> -> memref<5120xi32, #tpu.memory_space<hbm>>
      tpu.wait_dma2 semaphore(%run_scoped3A : memref<!tpu.dma_semaphore, #tpu.memory_space<semaphore_mem>>) src(%dma_wait3A_290 : memref<5120xi32, #tpu.memory_space<hbm>>) dst(%dma_wait3A_289 : memref<5120xi32, #tpu.memory_space<vmem>>)
      tpu.yield
    }) : () -> ()
    %add3A_5 = arith.constant 320000 : i32
    %add3A_6 = arith.addi %add3A_5, %add3A_4 : i32
    "tpu.region"() ({
      %run_scoped3A = tpu.sem_alloc : memref<!tpu.dma_semaphore, #tpu.memory_space<semaphore_mem>>
      %dma_start3A_280 = arith.constant 0 : i32
      %dma_start3A_281 = tpu.memref_slice %arg6[%dma_start3A_280] : memref<5120xi32, #tpu.memory_space<vmem>> -> memref<5120xi32, #tpu.memory_space<vmem>>
      %dma_start3A_282 = tpu.memref_slice %arg3[%add3A_6] : memref<640000xi32, #tpu.memory_space<hbm>> -> memref<5120xi32, #tpu.memory_space<hbm>>
      %dma_start3A_283 = arith.constant 0 : i32
      %dma_start3A_284 = tpu.memref_slice %arg6[%dma_start3A_283] : memref<5120xi32, #tpu.memory_space<vmem>> -> memref<5120xi32, #tpu.memory_space<vmem>>
      %dma_start3A_285 = tpu.memref_slice %arg3[%add3A_6] : memref<640000xi32, #tpu.memory_space<hbm>> -> memref<5120xi32, #tpu.memory_space<hbm>>
      tpu.enqueue_dma source(%dma_start3A_285 : memref<5120xi32, #tpu.memory_space<hbm>>) target(%dma_start3A_284 : memref<5120xi32, #tpu.memory_space<vmem>>) target_semaphore(%run_scoped3A : memref<!tpu.dma_semaphore, #tpu.memory_space<semaphore_mem>>)
      %dma_wait3A = arith.constant 0 : i32
      %dma_wait3A_286 = tpu.memref_slice %arg6[%dma_wait3A] : memref<5120xi32, #tpu.memory_space<vmem>> -> memref<5120xi32, #tpu.memory_space<vmem>>
      %dma_wait3A_287 = tpu.memref_slice %arg3[%add3A_6] : memref<640000xi32, #tpu.memory_space<hbm>> -> memref<5120xi32, #tpu.memory_space<hbm>>
      %dma_wait3A_288 = arith.constant 0 : i32
      %dma_wait3A_289 = tpu.memref_slice %arg6[%dma_wait3A_288] : memref<5120xi32, #tpu.memory_space<vmem>> -> memref<5120xi32, #tpu.memory_space<vmem>>
      %dma_wait3A_290 = tpu.memref_slice %arg3[%add3A_6] : memref<640000xi32, #tpu.memory_space<hbm>> -> memref<5120xi32, #tpu.memory_space<hbm>>
      tpu.wait_dma2 semaphore(%run_scoped3A : memref<!tpu.dma_semaphore, #tpu.memory_space<semaphore_mem>>) src(%dma_wait3A_290 : memref<5120xi32, #tpu.memory_space<hbm>>) dst(%dma_wait3A_289 : memref<5120xi32, #tpu.memory_space<vmem>>)
      tpu.yield
    }) : () -> ()
    %dma_start3A = arith.constant 0 : i32
    %dma_start3A_7 = tpu.memref_slice %arg5[%dma_start3A] : memref<5120xi32, #tpu.memory_space<vmem>> -> memref<128xi32, #tpu.memory_space<vmem>>
    %dma_start3A_8 = arith.constant 0 : i32
    %dma_start3A_9 = arith.constant 0 : i32
    %dma_start3A_10 = tpu.memref_slice %arg2[%dma_start3A_8, %dma_start3A_9] : memref<10000x128xf32, #tpu.memory_space<hbm>> -> memref<10000x128xf32, #tpu.memory_space<hbm>>
    tpu.enqueue_indirect_dma source(%dma_start3A_10 : memref<10000x128xf32, #tpu.memory_space<hbm>>) target(%arg8 : memref<128x128xf32, #tpu.memory_space<vmem>>) offsets(%dma_start3A_7 : memref<128xi32, #tpu.memory_space<vmem>>) semaphore(%arg11 : memref<!tpu.dma_semaphore, #tpu.memory_space<semaphore_mem>>)
    %scan3A = arith.constant 0 : i32
    %scan3A_11 = arith.constant 0 : i32
    %scan3A_12 = arith.constant 40 : i32
    %scan3A_13 = arith.addi %scan3A_11, %scan3A_12 : i32
    %scan3A_14 = arith.constant 1 : i32
    scf.for %scan3A_280 = %scan3A_11 to %scan3A_13 step %scan3A_14  : i32 {
      %mul3A_281 = arith.constant 128 : i32
      %mul3A_282 = arith.muli %scan3A_280, %mul3A_281 : i32
      %add3A_283 = arith.constant 0 : i32
      %add3A_284 = arith.addi %mul3A_282, %add3A_283 : i32
      %get3A = arith.index_cast %add3A_284 : i32 to index
      %get3A_285 = tpu.vector_load %arg6[%get3A] {strides = array<i32>} : memref<5120xi32, #tpu.memory_space<vmem>>, vector<16xi32>,
      %get3A_286 = vector.shape_cast %get3A_285 : vector<16xi32> to vector<16xi32>
      %swap3A_287 = arith.index_cast %scan3A_280 : i32 to index
      %swap3A_288 = arith.constant 0 : index
      %swap3A_289 = tpu.vector_load %arg7[%swap3A_287, %swap3A_288] {strides = array<i32>} : memref<40x128xi32, #tpu.memory_space<vmem>>, vector<1x16xi32>,
      %swap3A_290 = vector.shape_cast %swap3A_289 : vector<1x16xi32> to vector<16xi32>
      %swap3A_291 = vector.shape_cast %get3A_286 : vector<16xi32> to vector<1x16xi32>
      tpu.vector_store %arg7[%swap3A_287, %swap3A_288], %swap3A_291 {strides = array<i32>} : memref<40x128xi32, #tpu.memory_space<vmem>>, vector<1x16xi32>,
      %mul3A_292 = arith.constant 128 : i32
      %mul3A_293 = arith.muli %scan3A_280, %mul3A_292 : i32
      %add3A_294 = arith.constant 16 : i32
      %add3A_295 = arith.addi %mul3A_293, %add3A_294 : i32
      %get3A_296 = arith.index_cast %add3A_295 : i32 to index
      %get3A_297 = tpu.vector_load %arg6[%get3A_296] {strides = array<i32>} : memref<5120xi32, #tpu.memory_space<vmem>>, vector<16xi32>,
      %get3A_298 = vector.shape_cast %get3A_297 : vector<16xi32> to vector<16xi32>
      %swap3A_299 = arith.index_cast %scan3A_280 : i32 to index
      %swap3A_300 = arith.constant 16 : index
      %swap3A_301 = tpu.vector_load %arg7[%swap3A_299, %swap3A_300] {strides = array<i32>} : memref<40x128xi32, #tpu.memory_space<vmem>>, vector<1x16xi32>,
      %swap3A_302 = vector.shape_cast %swap3A_301 : vector<1x16xi32> to vector<16xi32>
      %swap3A_303 = vector.shape_cast %get3A_298 : vector<16xi32> to vector<1x16xi32>
      tpu.vector_store %arg7[%swap3A_299, %swap3A_300], %swap3A_303 {strides = array<i32>} : memref<40x128xi32, #tpu.memory_space<vmem>>, vector<1x16xi32>,
      %mul3A_304 = arith.constant 128 : i32
      %mul3A_305 = arith.muli %scan3A_280, %mul3A_304 : i32
      %add3A_306 = arith.constant 32 : i32
      %add3A_307 = arith.addi %mul3A_305, %add3A_306 : i32
      %get3A_308 = arith.index_cast %add3A_307 : i32 to index
      %get3A_309 = tpu.vector_load %arg6[%get3A_308] {strides = array<i32>} : memref<5120xi32, #tpu.memory_space<vmem>>, vector<16xi32>,
      %get3A_310 = vector.shape_cast %get3A_309 : vector<16xi32> to vector<16xi32>
      %swap3A_311 = arith.index_cast %scan3A_280 : i32 to index
      %swap3A_312 = arith.constant 32 : index
      %swap3A_313 = tpu.vector_load %arg7[%swap3A_311, %swap3A_312] {strides = array<i32>} : memref<40x128xi32, #tpu.memory_space<vmem>>, vector<1x16xi32>,
      %swap3A_314 = vector.shape_cast %swap3A_313 : vector<1x16xi32> to vector<16xi32>
      %swap3A_315 = vector.shape_cast %get3A_310 : vector<16xi32> to vector<1x16xi32>
      tpu.vector_store %arg7[%swap3A_311, %swap3A_312], %swap3A_315 {strides = array<i32>} : memref<40x128xi32, #tpu.memory_space<vmem>>, vector<1x16xi32>,
      %mul3A_316 = arith.constant 128 : i32
      %mul3A_317 = arith.muli %scan3A_280, %mul3A_316 : i32
      %add3A_318 = arith.constant 48 : i32
      %add3A_319 = arith.addi %mul3A_317, %add3A_318 : i32
      %get3A_320 = arith.index_cast %add3A_319 : i32 to index
      %get3A_321 = tpu.vector_load %arg6[%get3A_320] {strides = array<i32>} : memref<5120xi32, #tpu.memory_space<vmem>>, vector<16xi32>,
      %get3A_322 = vector.shape_cast %get3A_321 : vector<16xi32> to vector<16xi32>
      %swap3A_323 = arith.index_cast %scan3A_280 : i32 to index
      %swap3A_324 = arith.constant 48 : index
      %swap3A_325 = tpu.vector_load %arg7[%swap3A_323, %swap3A_324] {strides = array<i32>} : memref<40x128xi32, #tpu.memory_space<vmem>>, vector<1x16xi32>,
      %swap3A_326 = vector.shape_cast %swap3A_325 : vector<1x16xi32> to vector<16xi32>
      %swap3A_327 = vector.shape_cast %get3A_322 : vector<16xi32> to vector<1x16xi32>
      tpu.vector_store %arg7[%swap3A_323, %swap3A_324], %swap3A_327 {strides = array<i32>} : memref<40x128xi32, #tpu.memory_space<vmem>>, vector<1x16xi32>,
      %mul3A_328 = arith.constant 128 : i32
      %mul3A_329 = arith.muli %scan3A_280, %mul3A_328 : i32
      %add3A_330 = arith.constant 64 : i32
      %add3A_331 = arith.addi %mul3A_329, %add3A_330 : i32
      %get3A_332 = arith.index_cast %add3A_331 : i32 to index
      %get3A_333 = tpu.vector_load %arg6[%get3A_332] {strides = array<i32>} : memref<5120xi32, #tpu.memory_space<vmem>>, vector<16xi32>,
      %get3A_334 = vector.shape_cast %get3A_333 : vector<16xi32> to vector<16xi32>
      %swap3A_335 = arith.index_cast %scan3A_280 : i32 to index
      %swap3A_336 = arith.constant 64 : index
      %swap3A_337 = tpu.vector_load %arg7[%swap3A_335, %swap3A_336] {strides = array<i32>} : memref<40x128xi32, #tpu.memory_space<vmem>>, vector<1x16xi32>,
      %swap3A_338 = vector.shape_cast %swap3A_337 : vector<1x16xi32> to vector<16xi32>
      %swap3A_339 = vector.shape_cast %get3A_334 : vector<16xi32> to vector<1x16xi32>
      tpu.vector_store %arg7[%swap3A_335, %swap3A_336], %swap3A_339 {strides = array<i32>} : memref<40x128xi32, #tpu.memory_space<vmem>>, vector<1x16xi32>,
      %mul3A_340 = arith.constant 128 : i32
      %mul3A_341 = arith.muli %scan3A_280, %mul3A_340 : i32
      %add3A_342 = arith.constant 80 : i32
      %add3A_343 = arith.addi %mul3A_341, %add3A_342 : i32
      %get3A_344 = arith.index_cast %add3A_343 : i32 to index
      %get3A_345 = tpu.vector_load %arg6[%get3A_344] {strides = array<i32>} : memref<5120xi32, #tpu.memory_space<vmem>>, vector<16xi32>,
      %get3A_346 = vector.shape_cast %get3A_345 : vector<16xi32> to vector<16xi32>
      %swap3A_347 = arith.index_cast %scan3A_280 : i32 to index
      %swap3A_348 = arith.constant 80 : index
      %swap3A_349 = tpu.vector_load %arg7[%swap3A_347, %swap3A_348] {strides = array<i32>} : memref<40x128xi32, #tpu.memory_space<vmem>>, vector<1x16xi32>,
      %swap3A_350 = vector.shape_cast %swap3A_349 : vector<1x16xi32> to vector<16xi32>
      %swap3A_351 = vector.shape_cast %get3A_346 : vector<16xi32> to vector<1x16xi32>
      tpu.vector_store %arg7[%swap3A_347, %swap3A_348], %swap3A_351 {strides = array<i32>} : memref<40x128xi32, #tpu.memory_space<vmem>>, vector<1x16xi32>,
      %mul3A_352 = arith.constant 128 : i32
      %mul3A_353 = arith.muli %scan3A_280, %mul3A_352 : i32
      %add3A_354 = arith.constant 96 : i32
      %add3A_355 = arith.addi %mul3A_353, %add3A_354 : i32
      %get3A_356 = arith.index_cast %add3A_355 : i32 to index
      %get3A_357 = tpu.vector_load %arg6[%get3A_356] {strides = array<i32>} : memref<5120xi32, #tpu.memory_space<vmem>>, vector<16xi32>,
      %get3A_358 = vector.shape_cast %get3A_357 : vector<16xi32> to vector<16xi32>
      %swap3A_359 = arith.index_cast %scan3A_280 : i32 to index
      %swap3A_360 = arith.constant 96 : index
      %swap3A_361 = tpu.vector_load %arg7[%swap3A_359, %swap3A_360] {strides = array<i32>} : memref<40x128xi32, #tpu.memory_space<vmem>>, vector<1x16xi32>,
      %swap3A_362 = vector.shape_cast %swap3A_361 : vector<1x16xi32> to vector<16xi32>
      %swap3A_363 = vector.shape_cast %get3A_358 : vector<16xi32> to vector<1x16xi32>
      tpu.vector_store %arg7[%swap3A_359, %swap3A_360], %swap3A_363 {strides = array<i32>} : memref<40x128xi32, #tpu.memory_space<vmem>>, vector<1x16xi32>,
      %mul3A_364 = arith.constant 128 : i32
      %mul3A_365 = arith.muli %scan3A_280, %mul3A_364 : i32
      %add3A_366 = arith.constant 112 : i32
      %add3A_367 = arith.addi %mul3A_365, %add3A_366 : i32
      %get3A_368 = arith.index_cast %add3A_367 : i32 to index
      %get3A_369 = tpu.vector_load %arg6[%get3A_368] {strides = array<i32>} : memref<5120xi32, #tpu.memory_space<vmem>>, vector<16xi32>,
      %get3A_370 = vector.shape_cast %get3A_369 : vector<16xi32> to vector<16xi32>
      %swap3A_371 = arith.index_cast %scan3A_280 : i32 to index
      %swap3A_372 = arith.constant 112 : index
      %swap3A_373 = tpu.vector_load %arg7[%swap3A_371, %swap3A_372] {strides = array<i32>} : memref<40x128xi32, #tpu.memory_space<vmem>>, vector<1x16xi32>,
      %swap3A_374 = vector.shape_cast %swap3A_373 : vector<1x16xi32> to vector<16xi32>
      %swap3A_375 = vector.shape_cast %get3A_370 : vector<16xi32> to vector<1x16xi32>
      tpu.vector_store %arg7[%swap3A_371, %swap3A_372], %swap3A_375 {strides = array<i32>} : memref<40x128xi32, #tpu.memory_space<vmem>>, vector<1x16xi32>,
    }
    %scan3A_15 = arith.constant 40 : i32
    %broadcast_in_dim3A = arith.constant 0.000000e+00 : f32
    %broadcast_in_dim3A_16 = vector.broadcast %broadcast_in_dim3A : f32 to vector<16xf32>
    %scan3A_17 = arith.constant 0 : i32
    %scan3A_18 = arith.constant 0 : i32
    %scan3A_19 = arith.constant 128 : i32
    %scan3A_20 = arith.addi %scan3A_18, %scan3A_19 : i32
    %scan3A_21 = arith.constant 1 : i32
    scf.for %scan3A_280 = %scan3A_18 to %scan3A_20 step %scan3A_21  : i32 {
      %swap3A_281 = arith.index_cast %scan3A_280 : i32 to index
      %swap3A_282 = arith.constant 0 : index
      %swap3A_283 = tpu.vector_load %arg9[%swap3A_281, %swap3A_282] {strides = array<i32>} : memref<128x128xf32, #tpu.memory_space<vmem>>, vector<1x16xf32>,
      %swap3A_284 = vector.shape_cast %swap3A_283 : vector<1x16xf32> to vector<16xf32>
      %swap3A_285 = vector.shape_cast %broadcast_in_dim3A_16 : vector<16xf32> to vector<1x16xf32>
      tpu.vector_store %arg9[%swap3A_281, %swap3A_282], %swap3A_285 {strides = array<i32>} : memref<128x128xf32, #tpu.memory_space<vmem>>, vector<1x16xf32>,
      %swap3A_286 = arith.index_cast %scan3A_280 : i32 to index
      %swap3A_287 = arith.constant 16 : index
      %swap3A_288 = tpu.vector_load %arg9[%swap3A_286, %swap3A_287] {strides = array<i32>} : memref<128x128xf32, #tpu.memory_space<vmem>>, vector<1x16xf32>,
      %swap3A_289 = vector.shape_cast %swap3A_288 : vector<1x16xf32> to vector<16xf32>
      %swap3A_290 = vector.shape_cast %broadcast_in_dim3A_16 : vector<16xf32> to vector<1x16xf32>
      tpu.vector_store %arg9[%swap3A_286, %swap3A_287], %swap3A_290 {strides = array<i32>} : memref<128x128xf32, #tpu.memory_space<vmem>>, vector<1x16xf32>,
      %swap3A_291 = arith.index_cast %scan3A_280 : i32 to index
      %swap3A_292 = arith.constant 32 : index
      %swap3A_293 = tpu.vector_load %arg9[%swap3A_291, %swap3A_292] {strides = array<i32>} : memref<128x128xf32, #tpu.memory_space<vmem>>, vector<1x16xf32>,
      %swap3A_294 = vector.shape_cast %swap3A_293 : vector<1x16xf32> to vector<16xf32>
      %swap3A_295 = vector.shape_cast %broadcast_in_dim3A_16 : vector<16xf32> to vector<1x16xf32>
      tpu.vector_store %arg9[%swap3A_291, %swap3A_292], %swap3A_295 {strides = array<i32>} : memref<128x128xf32, #tpu.memory_space<vmem>>, vector<1x16xf32>,
      %swap3A_296 = arith.index_cast %scan3A_280 : i32 to index
      %swap3A_297 = arith.constant 48 : index
      %swap3A_298 = tpu.vector_load %arg9[%swap3A_296, %swap3A_297] {strides = array<i32>} : memref<128x128xf32, #tpu.memory_space<vmem>>, vector<1x16xf32>,
      %swap3A_299 = vector.shape_cast %swap3A_298 : vector<1x16xf32> to vector<16xf32>
      %swap3A_300 = vector.shape_cast %broadcast_in_dim3A_16 : vector<16xf32> to vector<1x16xf32>
      tpu.vector_store %arg9[%swap3A_296, %swap3A_297], %swap3A_300 {strides = array<i32>} : memref<128x128xf32, #tpu.memory_space<vmem>>, vector<1x16xf32>,
      %swap3A_301 = arith.index_cast %scan3A_280 : i32 to index
      %swap3A_302 = arith.constant 64 : index
      %swap3A_303 = tpu.vector_load %arg9[%swap3A_301, %swap3A_302] {strides = array<i32>} : memref<128x128xf32, #tpu.memory_space<vmem>>, vector<1x16xf32>,
      %swap3A_304 = vector.shape_cast %swap3A_303 : vector<1x16xf32> to vector<16xf32>
      %swap3A_305 = vector.shape_cast %broadcast_in_dim3A_16 : vector<16xf32> to vector<1x16xf32>
      tpu.vector_store %arg9[%swap3A_301, %swap3A_302], %swap3A_305 {strides = array<i32>} : memref<128x128xf32, #tpu.memory_space<vmem>>, vector<1x16xf32>,
      %swap3A_306 = arith.index_cast %scan3A_280 : i32 to index
      %swap3A_307 = arith.constant 80 : index
      %swap3A_308 = tpu.vector_load %arg9[%swap3A_306, %swap3A_307] {strides = array<i32>} : memref<128x128xf32, #tpu.memory_space<vmem>>, vector<1x16xf32>,
      %swap3A_309 = vector.shape_cast %swap3A_308 : vector<1x16xf32> to vector<16xf32>
      %swap3A_310 = vector.shape_cast %broadcast_in_dim3A_16 : vector<16xf32> to vector<1x16xf32>
      tpu.vector_store %arg9[%swap3A_306, %swap3A_307], %swap3A_310 {strides = array<i32>} : memref<128x128xf32, #tpu.memory_space<vmem>>, vector<1x16xf32>,
      %swap3A_311 = arith.index_cast %scan3A_280 : i32 to index
      %swap3A_312 = arith.constant 96 : index
      %swap3A_313 = tpu.vector_load %arg9[%swap3A_311, %swap3A_312] {strides = array<i32>} : memref<128x128xf32, #tpu.memory_space<vmem>>, vector<1x16xf32>,
      %swap3A_314 = vector.shape_cast %swap3A_313 : vector<1x16xf32> to vector<16xf32>
      %swap3A_315 = vector.shape_cast %broadcast_in_dim3A_16 : vector<16xf32> to vector<1x16xf32>
      tpu.vector_store %arg9[%swap3A_311, %swap3A_312], %swap3A_315 {strides = array<i32>} : memref<128x128xf32, #tpu.memory_space<vmem>>, vector<1x16xf32>,
      %swap3A_316 = arith.index_cast %scan3A_280 : i32 to index
      %swap3A_317 = arith.constant 112 : index
      %swap3A_318 = tpu.vector_load %arg9[%swap3A_316, %swap3A_317] {strides = array<i32>} : memref<128x128xf32, #tpu.memory_space<vmem>>, vector<1x16xf32>,
      %swap3A_319 = vector.shape_cast %swap3A_318 : vector<1x16xf32> to vector<16xf32>
      %swap3A_320 = vector.shape_cast %broadcast_in_dim3A_16 : vector<16xf32> to vector<1x16xf32>
      tpu.vector_store %arg9[%swap3A_316, %swap3A_317], %swap3A_320 {strides = array<i32>} : memref<128x128xf32, #tpu.memory_space<vmem>>, vector<1x16xf32>,
    }
    %scan3A_22 = arith.constant 128 : i32
    %mul3A_23 = arith.constant 640 : i32
    %mul3A_24 = arith.muli %arg1, %mul3A_23 : i32
    %add3A_25 = arith.constant 0 : i32
    %add3A_26 = arith.addi %mul3A_24, %add3A_25 : i32
    "tpu.region"() ({
      %run_scoped3A = tpu.sem_alloc : memref<!tpu.dma_semaphore, #tpu.memory_space<semaphore_mem>>
      %dma_start3A_280 = arith.constant 0 : i32
      %dma_start3A_281 = tpu.memref_slice %arg10[%add3A_26, %dma_start3A_280] : memref<10240x128xf32, #tpu.memory_space<vmem_shared>> -> memref<128x128xf32, #tpu.memory_space<vmem_shared>>
      %dma_start3A_282 = arith.constant 0 : i32
      %dma_start3A_283 = tpu.memref_slice %arg10[%add3A_26, %dma_start3A_282] : memref<10240x128xf32, #tpu.memory_space<vmem_shared>> -> memref<128x128xf32, #tpu.memory_space<vmem_shared>>
      tpu.enqueue_dma source(%arg9 : memref<128x128xf32, #tpu.memory_space<vmem>>) target(%dma_start3A_283 : memref<128x128xf32, #tpu.memory_space<vmem_shared>>) target_semaphore(%run_scoped3A : memref<!tpu.dma_semaphore, #tpu.memory_space<semaphore_mem>>)
      %dma_wait3A = arith.constant 0 : i32
      %dma_wait3A_284 = tpu.memref_slice %arg10[%add3A_26, %dma_wait3A] : memref<10240x128xf32, #tpu.memory_space<vmem_shared>> -> memref<128x128xf32, #tpu.memory_space<vmem_shared>>
      %dma_wait3A_285 = arith.constant 0 : i32
      %dma_wait3A_286 = tpu.memref_slice %arg10[%add3A_26, %dma_wait3A_285] : memref<10240x128xf32, #tpu.memory_space<vmem_shared>> -> memref<128x128xf32, #tpu.memory_space<vmem_shared>>
      tpu.wait_dma2 semaphore(%run_scoped3A : memref<!tpu.dma_semaphore, #tpu.memory_space<semaphore_mem>>) src(%arg9 : memref<128x128xf32, #tpu.memory_space<vmem>>) dst(%dma_wait3A_286 : memref<128x128xf32, #tpu.memory_space<vmem_shared>>)
      tpu.yield
    }) : () -> ()
    %add3A_27 = arith.constant 128 : i32
    %add3A_28 = arith.addi %mul3A_24, %add3A_27 : i32
    "tpu.region"() ({
      %run_scoped3A = tpu.sem_alloc : memref<!tpu.dma_semaphore, #tpu.memory_space<semaphore_mem>>
      %dma_start3A_280 = arith.constant 0 : i32
      %dma_start3A_281 = tpu.memref_slice %arg10[%add3A_28, %dma_start3A_280] : memref<10240x128xf32, #tpu.memory_space<vmem_shared>> -> memref<128x128xf32, #tpu.memory_space<vmem_shared>>
      %dma_start3A_282 = arith.constant 0 : i32
      %dma_start3A_283 = tpu.memref_slice %arg10[%add3A_28, %dma_start3A_282] : memref<10240x128xf32, #tpu.memory_space<vmem_shared>> -> memref<128x128xf32, #tpu.memory_space<vmem_shared>>
      tpu.enqueue_dma source(%arg9 : memref<128x128xf32, #tpu.memory_space<vmem>>) target(%dma_start3A_283 : memref<128x128xf32, #tpu.memory_space<vmem_shared>>) target_semaphore(%run_scoped3A : memref<!tpu.dma_semaphore, #tpu.memory_space<semaphore_mem>>)
      %dma_wait3A = arith.constant 0 : i32
      %dma_wait3A_284 = tpu.memref_slice %arg10[%add3A_28, %dma_wait3A] : memref<10240x128xf32, #tpu.memory_space<vmem_shared>> -> memref<128x128xf32, #tpu.memory_space<vmem_shared>>
      %dma_wait3A_285 = arith.constant 0 : i32
      %dma_wait3A_286 = tpu.memref_slice %arg10[%add3A_28, %dma_wait3A_285] : memref<10240x128xf32, #tpu.memory_space<vmem_shared>> -> memref<128x128xf32, #tpu.memory_space<vmem_shared>>
      tpu.wait_dma2 semaphore(%run_scoped3A : memref<!tpu.dma_semaphore, #tpu.memory_space<semaphore_mem>>) src(%arg9 : memref<128x128xf32, #tpu.memory_space<vmem>>) dst(%dma_wait3A_286 : memref<128x128xf32, #tpu.memory_space<vmem_shared>>)
      tpu.yield
    }) : () -> ()
    %add3A_29 = arith.constant 256 : i32
    %add3A_30 = arith.addi %mul3A_24, %add3A_29 : i32
    "tpu.region"() ({
      %run_scoped3A = tpu.sem_alloc : memref<!tpu.dma_semaphore, #tpu.memory_space<semaphore_mem>>
      %dma_start3A_280 = arith.constant 0 : i32
      %dma_start3A_281 = tpu.memref_slice %arg10[%add3A_30, %dma_start3A_280] : memref<10240x128xf32, #tpu.memory_space<vmem_shared>> -> memref<128x128xf32, #tpu.memory_space<vmem_shared>>
      %dma_start3A_282 = arith.constant 0 : i32
      %dma_start3A_283 = tpu.memref_slice %arg10[%add3A_30, %dma_start3A_282] : memref<10240x128xf32, #tpu.memory_space<vmem_shared>> -> memref<128x128xf32, #tpu.memory_space<vmem_shared>>
      tpu.enqueue_dma source(%arg9 : memref<128x128xf32, #tpu.memory_space<vmem>>) target(%dma_start3A_283 : memref<128x128xf32, #tpu.memory_space<vmem_shared>>) target_semaphore(%run_scoped3A : memref<!tpu.dma_semaphore, #tpu.memory_space<semaphore_mem>>)
      %dma_wait3A = arith.constant 0 : i32
      %dma_wait3A_284 = tpu.memref_slice %arg10[%add3A_30, %dma_wait3A] : memref<10240x128xf32, #tpu.memory_space<vmem_shared>> -> memref<128x128xf32, #tpu.memory_space<vmem_shared>>
      %dma_wait3A_285 = arith.constant 0 : i32
      %dma_wait3A_286 = tpu.memref_slice %arg10[%add3A_30, %dma_wait3A_285] : memref<10240x128xf32, #tpu.memory_space<vmem_shared>> -> memref<128x128xf32, #tpu.memory_space<vmem_shared>>
      tpu.wait_dma2 semaphore(%run_scoped3A : memref<!tpu.dma_semaphore, #tpu.memory_space<semaphore_mem>>) src(%arg9 : memref<128x128xf32, #tpu.memory_space<vmem>>) dst(%dma_wait3A_286 : memref<128x128xf32, #tpu.memory_space<vmem_shared>>)
      tpu.yield
    }) : () -> ()
    %add3A_31 = arith.constant 384 : i32
    %add3A_32 = arith.addi %mul3A_24, %add3A_31 : i32
    "tpu.region"() ({
      %run_scoped3A = tpu.sem_alloc : memref<!tpu.dma_semaphore, #tpu.memory_space<semaphore_mem>>
      %dma_start3A_280 = arith.constant 0 : i32
      %dma_start3A_281 = tpu.memref_slice %arg10[%add3A_32, %dma_start3A_280] : memref<10240x128xf32, #tpu.memory_space<vmem_shared>> -> memref<128x128xf32, #tpu.memory_space<vmem_shared>>
      %dma_start3A_282 = arith.constant 0 : i32
      %dma_start3A_283 = tpu.memref_slice %arg10[%add3A_32, %dma_start3A_282] : memref<10240x128xf32, #tpu.memory_space<vmem_shared>> -> memref<128x128xf32, #tpu.memory_space<vmem_shared>>
      tpu.enqueue_dma source(%arg9 : memref<128x128xf32, #tpu.memory_space<vmem>>) target(%dma_start3A_283 : memref<128x128xf32, #tpu.memory_space<vmem_shared>>) target_semaphore(%run_scoped3A : memref<!tpu.dma_semaphore, #tpu.memory_space<semaphore_mem>>)
      %dma_wait3A = arith.constant 0 : i32
      %dma_wait3A_284 = tpu.memref_slice %arg10[%add3A_32, %dma_wait3A] : memref<10240x128xf32, #tpu.memory_space<vmem_shared>> -> memref<128x128xf32, #tpu.memory_space<vmem_shared>>
      %dma_wait3A_285 = arith.constant 0 : i32
      %dma_wait3A_286 = tpu.memref_slice %arg10[%add3A_32, %dma_wait3A_285] : memref<10240x128xf32, #tpu.memory_space<vmem_shared>> -> memref<128x128xf32, #tpu.memory_space<vmem_shared>>
      tpu.wait_dma2 semaphore(%run_scoped3A : memref<!tpu.dma_semaphore, #tpu.memory_space<semaphore_mem>>) src(%arg9 : memref<128x128xf32, #tpu.memory_space<vmem>>) dst(%dma_wait3A_286 : memref<128x128xf32, #tpu.memory_space<vmem_shared>>)
      tpu.yield
    }) : () -> ()
    %add3A_33 = arith.constant 512 : i32
    %add3A_34 = arith.addi %mul3A_24, %add3A_33 : i32
    "tpu.region"() ({
      %run_scoped3A = tpu.sem_alloc : memref<!tpu.dma_semaphore, #tpu.memory_space<semaphore_mem>>
      %dma_start3A_280 = arith.constant 0 : i32
      %dma_start3A_281 = tpu.memref_slice %arg10[%add3A_34, %dma_start3A_280] : memref<10240x128xf32, #tpu.memory_space<vmem_shared>> -> memref<128x128xf32, #tpu.memory_space<vmem_shared>>
      %dma_start3A_282 = arith.constant 0 : i32
      %dma_start3A_283 = tpu.memref_slice %arg10[%add3A_34, %dma_start3A_282] : memref<10240x128xf32, #tpu.memory_space<vmem_shared>> -> memref<128x128xf32, #tpu.memory_space<vmem_shared>>
      tpu.enqueue_dma source(%arg9 : memref<128x128xf32, #tpu.memory_space<vmem>>) target(%dma_start3A_283 : memref<128x128xf32, #tpu.memory_space<vmem_shared>>) target_semaphore(%run_scoped3A : memref<!tpu.dma_semaphore, #tpu.memory_space<semaphore_mem>>)
      %dma_wait3A = arith.constant 0 : i32
      %dma_wait3A_284 = tpu.memref_slice %arg10[%add3A_34, %dma_wait3A] : memref<10240x128xf32, #tpu.memory_space<vmem_shared>> -> memref<128x128xf32, #tpu.memory_space<vmem_shared>>
      %dma_wait3A_285 = arith.constant 0 : i32
      %dma_wait3A_286 = tpu.memref_slice %arg10[%add3A_34, %dma_wait3A_285] : memref<10240x128xf32, #tpu.memory_space<vmem_shared>> -> memref<128x128xf32, #tpu.memory_space<vmem_shared>>
      tpu.wait_dma2 semaphore(%run_scoped3A : memref<!tpu.dma_semaphore, #tpu.memory_space<semaphore_mem>>) src(%arg9 : memref<128x128xf32, #tpu.memory_space<vmem>>) dst(%dma_wait3A_286 : memref<128x128xf32, #tpu.memory_space<vmem_shared>>)
      tpu.yield
    }) : () -> ()
    %barrier3A = arith.constant 0 : index
    tpu.barrier barrier_id(%barrier3A)
    %scan3A_35 = arith.constant 0 : i32
    %scan3A_36 = arith.constant 0 : i32
    %scan3A_37 = arith.constant 20 : i32
    %scan3A_38 = arith.addi %scan3A_36, %scan3A_37 : i32
    %scan3A_39 = arith.constant 1 : i32
    scf.for %scan3A_280 = %scan3A_36 to %scan3A_38 step %scan3A_39  : i32 {
      %mul3A_281 = arith.constant 2 : i32
      %mul3A_282 = arith.muli %scan3A_280, %mul3A_281 : i32
      %add3A_283 = arith.constant 1 : i32
      %add3A_284 = arith.addi %mul3A_282, %add3A_283 : i32
      %mul3A_285 = arith.constant 128 : i32
      %mul3A_286 = arith.muli %add3A_284, %mul3A_285 : i32
      %dma_start3A_287 = tpu.memref_slice %arg5[%mul3A_286] : memref<5120xi32, #tpu.memory_space<vmem>> -> memref<128xi32, #tpu.memory_space<vmem>>
      %dma_start3A_288 = arith.constant 0 : i32
      %dma_start3A_289 = arith.constant 0 : i32
      %dma_start3A_290 = tpu.memref_slice %arg2[%dma_start3A_288, %dma_start3A_289] : memref<10000x128xf32, #tpu.memory_space<hbm>> -> memref<10000x128xf32, #tpu.memory_space<hbm>>
      tpu.enqueue_indirect_dma source(%dma_start3A_290 : memref<10000x128xf32, #tpu.memory_space<hbm>>) target(%arg9 : memref<128x128xf32, #tpu.memory_space<vmem>>) offsets(%dma_start3A_287 : memref<128xi32, #tpu.memory_space<vmem>>) semaphore(%arg12 : memref<!tpu.dma_semaphore, #tpu.memory_space<semaphore_mem>>)
      %mul3A_291 = arith.constant 128 : i32
      %mul3A_292 = arith.muli %mul3A_282, %mul3A_291 : i32
      %dma_wait3A = tpu.memref_slice %arg5[%mul3A_292] : memref<5120xi32, #tpu.memory_space<vmem>> -> memref<128xi32, #tpu.memory_space<vmem>>
      %dma_wait3A_293 = arith.constant 0 : i32
      %dma_wait3A_294 = arith.constant 0 : i32
      %dma_wait3A_295 = tpu.memref_slice %arg2[%dma_wait3A_293, %dma_wait3A_294] : memref<10000x128xf32, #tpu.memory_space<hbm>> -> memref<10000x128xf32, #tpu.memory_space<hbm>>
      tpu.wait_indirect_dma semaphore(%arg11 : memref<!tpu.dma_semaphore, #tpu.memory_space<semaphore_mem>>) src(%dma_wait3A_295 : memref<10000x128xf32, #tpu.memory_space<hbm>>) dst(%arg8 : memref<128x128xf32, #tpu.memory_space<vmem>>)
      "tpu.region"() ({
        %run_scoped3A = tpu.sem_alloc : memref<!tpu.dma_semaphore, #tpu.memory_space<semaphore_mem>>
        %dma_start3A_309 = arith.constant 0 : i32
        %dma_start3A_310 = tpu.memref_slice %arg7[%mul3A_282, %dma_start3A_309] : memref<40x128xi32, #tpu.memory_space<vmem>> -> memref<1x128xi32, #tpu.memory_space<vmem>>
        %dma_start3A_311 = tpu.memref_squeeze %dma_start3A_310 : memref<1x128xi32, #tpu.memory_space<vmem>> -> memref<128xi32, #tpu.memory_space<vmem>>
        %dma_start3A_312 = arith.constant 0 : i32
        %dma_start3A_313 = arith.constant 0 : i32
        %dma_start3A_314 = tpu.memref_slice %arg10[%dma_start3A_312, %dma_start3A_313] : memref<10240x128xf32, #tpu.memory_space<vmem_shared>> -> memref<10240x128xf32, #tpu.memory_space<vmem_shared>>
        tpu.enqueue_indirect_dma source(%arg8 : memref<128x128xf32, #tpu.memory_space<vmem>>) target(%dma_start3A_314 : memref<10240x128xf32, #tpu.memory_space<vmem_shared>>) offsets(%dma_start3A_311 : memref<128xi32, #tpu.memory_space<vmem>>) semaphore(%run_scoped3A : memref<!tpu.dma_semaphore, #tpu.memory_space<semaphore_mem>>) {add = true}
        %dma_wait3A_315 = arith.constant 0 : i32
        %dma_wait3A_316 = tpu.memref_slice %arg7[%mul3A_282, %dma_wait3A_315] : memref<40x128xi32, #tpu.memory_space<vmem>> -> memref<1x128xi32, #tpu.memory_space<vmem>>
        %dma_wait3A_317 = tpu.memref_squeeze %dma_wait3A_316 : memref<1x128xi32, #tpu.memory_space<vmem>> -> memref<128xi32, #tpu.memory_space<vmem>>
        %dma_wait3A_318 = arith.constant 0 : i32
        %dma_wait3A_319 = arith.constant 0 : i32
        %dma_wait3A_320 = tpu.memref_slice %arg10[%dma_wait3A_318, %dma_wait3A_319] : memref<10240x128xf32, #tpu.memory_space<vmem_shared>> -> memref<10240x128xf32, #tpu.memory_space<vmem_shared>>
        tpu.wait_indirect_dma semaphore(%run_scoped3A : memref<!tpu.dma_semaphore, #tpu.memory_space<semaphore_mem>>) src(%arg8 : memref<128x128xf32, #tpu.memory_space<vmem>>) dst(%dma_wait3A_320 : memref<10240x128xf32, #tpu.memory_space<vmem_shared>>)
        tpu.yield
      }) : () -> ()
      %add3A_296 = arith.constant 2 : i32
      %add3A_297 = arith.addi %mul3A_282, %add3A_296 : i32
      %lt3A_298 = arith.constant 40 : i32
      %lt3A_299 = arith.cmpi slt, %add3A_297, %lt3A_298 : i32
      %convert_element_type3A_300 = arith.extui %lt3A_299 : i1 to i32
      %cond3A_301 = arith.constant 0 : i32
      %cond3A_302 = arith.cmpi ne, %convert_element_type3A_300, %cond3A_301 : i32
      scf.if %cond3A_302 {
        %add3A_309 = arith.constant 2 : i32
        %add3A_310 = arith.addi %mul3A_282, %add3A_309 : i32
        %mul3A_311 = arith.constant 128 : i32
        %mul3A_312 = arith.muli %add3A_310, %mul3A_311 : i32
        %dma_start3A_313 = tpu.memref_slice %arg5[%mul3A_312] : memref<5120xi32, #tpu.memory_space<vmem>> -> memref<128xi32, #tpu.memory_space<vmem>>
        %dma_start3A_314 = arith.constant 0 : i32
        %dma_start3A_315 = arith.constant 0 : i32
        %dma_start3A_316 = tpu.memref_slice %arg2[%dma_start3A_314, %dma_start3A_315] : memref<10000x128xf32, #tpu.memory_space<hbm>> -> memref<10000x128xf32, #tpu.memory_space<hbm>>
        tpu.enqueue_indirect_dma source(%dma_start3A_316 : memref<10000x128xf32, #tpu.memory_space<hbm>>) target(%arg8 : memref<128x128xf32, #tpu.memory_space<vmem>>) offsets(%dma_start3A_313 : memref<128xi32, #tpu.memory_space<vmem>>) semaphore(%arg11 : memref<!tpu.dma_semaphore, #tpu.memory_space<semaphore_mem>>)
      } else {
      }
      %dma_wait3A_303 = tpu.memref_slice %arg5[%mul3A_286] : memref<5120xi32, #tpu.memory_space<vmem>> -> memref<128xi32, #tpu.memory_space<vmem>>
      %dma_wait3A_304 = arith.constant 0 : i32
      %dma_wait3A_305 = arith.constant 0 : i32
      %dma_wait3A_306 = tpu.memref_slice %arg2[%dma_wait3A_304, %dma_wait3A_305] : memref<10000x128xf32, #tpu.memory_space<hbm>> -> memref<10000x128xf32, #tpu.memory_space<hbm>>
      tpu.wait_indirect_dma semaphore(%arg12 : memref<!tpu.dma_semaphore, #tpu.memory_space<semaphore_mem>>) src(%dma_wait3A_306 : memref<10000x128xf32, #tpu.memory_space<hbm>>) dst(%arg9 : memref<128x128xf32, #tpu.memory_space<vmem>>)
      %add3A_307 = arith.constant 1 : i32
      %add3A_308 = arith.addi %mul3A_282, %add3A_307 : i32
      "tpu.region"() ({
        %run_scoped3A = tpu.sem_alloc : memref<!tpu.dma_semaphore, #tpu.memory_space<semaphore_mem>>
        %dma_start3A_309 = arith.constant 0 : i32
        %dma_start3A_310 = tpu.memref_slice %arg7[%add3A_308, %dma_start3A_309] : memref<40x128xi32, #tpu.memory_space<vmem>> -> memref<1x128xi32, #tpu.memory_space<vmem>>
        %dma_start3A_311 = tpu.memref_squeeze %dma_start3A_310 : memref<1x128xi32, #tpu.memory_space<vmem>> -> memref<128xi32, #tpu.memory_space<vmem>>
        %dma_start3A_312 = arith.constant 0 : i32
        %dma_start3A_313 = arith.constant 0 : i32
        %dma_start3A_314 = tpu.memref_slice %arg10[%dma_start3A_312, %dma_start3A_313] : memref<10240x128xf32, #tpu.memory_space<vmem_shared>> -> memref<10240x128xf32, #tpu.memory_space<vmem_shared>>
        tpu.enqueue_indirect_dma source(%arg9 : memref<128x128xf32, #tpu.memory_space<vmem>>) target(%dma_start3A_314 : memref<10240x128xf32, #tpu.memory_space<vmem_shared>>) offsets(%dma_start3A_311 : memref<128xi32, #tpu.memory_space<vmem>>) semaphore(%run_scoped3A : memref<!tpu.dma_semaphore, #tpu.memory_space<semaphore_mem>>) {add = true}
        %dma_wait3A_315 = arith.constant 0 : i32
        %dma_wait3A_316 = tpu.memref_slice %arg7[%add3A_308, %dma_wait3A_315] : memref<40x128xi32, #tpu.memory_space<vmem>> -> memref<1x128xi32, #tpu.memory_space<vmem>>
        %dma_wait3A_317 = tpu.memref_squeeze %dma_wait3A_316 : memref<1x128xi32, #tpu.memory_space<vmem>> -> memref<128xi32, #tpu.memory_space<vmem>>
        %dma_wait3A_318 = arith.constant 0 : i32
        %dma_wait3A_319 = arith.constant 0 : i32
        %dma_wait3A_320 = tpu.memref_slice %arg10[%dma_wait3A_318, %dma_wait3A_319] : memref<10240x128xf32, #tpu.memory_space<vmem_shared>> -> memref<10240x128xf32, #tpu.memory_space<vmem_shared>>
        tpu.wait_indirect_dma semaphore(%run_scoped3A : memref<!tpu.dma_semaphore, #tpu.memory_space<semaphore_mem>>) src(%arg9 : memref<128x128xf32, #tpu.memory_space<vmem>>) dst(%dma_wait3A_320 : memref<10240x128xf32, #tpu.memory_space<vmem_shared>>)
        tpu.yield
      }) : () -> ()
    }
    %scan3A_40 = arith.constant 20 : i32
    %mul3A_41 = arith.constant 10000 : i32
    %mul3A_42 = arith.muli %add3A, %mul3A_41 : i32
    %add3A_43 = arith.constant 5120 : i32
    %add3A_44 = arith.addi %mul3A_42, %add3A_43 : i32
    "tpu.region"() ({
      %run_scoped3A = tpu.sem_alloc : memref<!tpu.dma_semaphore, #tpu.memory_space<semaphore_mem>>
      %dma_start3A_280 = arith.constant 0 : i32
      %dma_start3A_281 = tpu.memref_slice %arg5[%dma_start3A_280] : memref<5120xi32, #tpu.memory_space<vmem>> -> memref<4880xi32, #tpu.memory_space<vmem>>
      %dma_start3A_282 = tpu.memref_slice %arg3[%add3A_44] : memref<640000xi32, #tpu.memory_space<hbm>> -> memref<4880xi32, #tpu.memory_space<hbm>>
      %dma_start3A_283 = arith.constant 0 : i32
      %dma_start3A_284 = tpu.memref_slice %arg5[%dma_start3A_283] : memref<5120xi32, #tpu.memory_space<vmem>> -> memref<4880xi32, #tpu.memory_space<vmem>>
      %dma_start3A_285 = tpu.memref_slice %arg3[%add3A_44] : memref<640000xi32, #tpu.memory_space<hbm>> -> memref<4880xi32, #tpu.memory_space<hbm>>
      tpu.enqueue_dma source(%dma_start3A_285 : memref<4880xi32, #tpu.memory_space<hbm>>) target(%dma_start3A_284 : memref<4880xi32, #tpu.memory_space<vmem>>) target_semaphore(%run_scoped3A : memref<!tpu.dma_semaphore, #tpu.memory_space<semaphore_mem>>)
      %dma_wait3A = arith.constant 0 : i32
      %dma_wait3A_286 = tpu.memref_slice %arg5[%dma_wait3A] : memref<5120xi32, #tpu.memory_space<vmem>> -> memref<4880xi32, #tpu.memory_space<vmem>>
      %dma_wait3A_287 = tpu.memref_slice %arg3[%add3A_44] : memref<640000xi32, #tpu.memory_space<hbm>> -> memref<4880xi32, #tpu.memory_space<hbm>>
      %dma_wait3A_288 = arith.constant 0 : i32
      %dma_wait3A_289 = tpu.memref_slice %arg5[%dma_wait3A_288] : memref<5120xi32, #tpu.memory_space<vmem>> -> memref<4880xi32, #tpu.memory_space<vmem>>
      %dma_wait3A_290 = tpu.memref_slice %arg3[%add3A_44] : memref<640000xi32, #tpu.memory_space<hbm>> -> memref<4880xi32, #tpu.memory_space<hbm>>
      tpu.wait_dma2 semaphore(%run_scoped3A : memref<!tpu.dma_semaphore, #tpu.memory_space<semaphore_mem>>) src(%dma_wait3A_290 : memref<4880xi32, #tpu.memory_space<hbm>>) dst(%dma_wait3A_289 : memref<4880xi32, #tpu.memory_space<vmem>>)
      tpu.yield
    }) : () -> ()
    %add3A_45 = arith.constant 320000 : i32
    %add3A_46 = arith.addi %add3A_45, %add3A_44 : i32
    "tpu.region"() ({
      %run_scoped3A = tpu.sem_alloc : memref<!tpu.dma_semaphore, #tpu.memory_space<semaphore_mem>>
      %dma_start3A_280 = arith.constant 0 : i32
      %dma_start3A_281 = tpu.memref_slice %arg6[%dma_start3A_280] : memref<5120xi32, #tpu.memory_space<vmem>> -> memref<4880xi32, #tpu.memory_space<vmem>>
      %dma_start3A_282 = tpu.memref_slice %arg3[%add3A_46] : memref<640000xi32, #tpu.memory_space<hbm>> -> memref<4880xi32, #tpu.memory_space<hbm>>
      %dma_start3A_283 = arith.constant 0 : i32
      %dma_start3A_284 = tpu.memref_slice %arg6[%dma_start3A_283] : memref<5120xi32, #tpu.memory_space<vmem>> -> memref<4880xi32, #tpu.memory_space<vmem>>
      %dma_start3A_285 = tpu.memref_slice %arg3[%add3A_46] : memref<640000xi32, #tpu.memory_space<hbm>> -> memref<4880xi32, #tpu.memory_space<hbm>>
      tpu.enqueue_dma source(%dma_start3A_285 : memref<4880xi32, #tpu.memory_space<hbm>>) target(%dma_start3A_284 : memref<4880xi32, #tpu.memory_space<vmem>>) target_semaphore(%run_scoped3A : memref<!tpu.dma_semaphore, #tpu.memory_space<semaphore_mem>>)
      %dma_wait3A = arith.constant 0 : i32
      %dma_wait3A_286 = tpu.memref_slice %arg6[%dma_wait3A] : memref<5120xi32, #tpu.memory_space<vmem>> -> memref<4880xi32, #tpu.memory_space<vmem>>
      %dma_wait3A_287 = tpu.memref_slice %arg3[%add3A_46] : memref<640000xi32, #tpu.memory_space<hbm>> -> memref<4880xi32, #tpu.memory_space<hbm>>
      %dma_wait3A_288 = arith.constant 0 : i32
      %dma_wait3A_289 = tpu.memref_slice %arg6[%dma_wait3A_288] : memref<5120xi32, #tpu.memory_space<vmem>> -> memref<4880xi32, #tpu.memory_space<vmem>>
      %dma_wait3A_290 = tpu.memref_slice %arg3[%add3A_46] : memref<640000xi32, #tpu.memory_space<hbm>> -> memref<4880xi32, #tpu.memory_space<hbm>>
      tpu.wait_dma2 semaphore(%run_scoped3A : memref<!tpu.dma_semaphore, #tpu.memory_space<semaphore_mem>>) src(%dma_wait3A_290 : memref<4880xi32, #tpu.memory_space<hbm>>) dst(%dma_wait3A_289 : memref<4880xi32, #tpu.memory_space<vmem>>)
      tpu.yield
    }) : () -> ()
    %iota3A = tpu.iota {dimensions = array<i32: 0>} : vector<16xi32>
    %add3A_47 = arith.constant 0 : i32
    %add3A_48 = vector.broadcast %add3A_47 : i32 to vector<16xi32>
    %add3A_49 = arith.addi %iota3A, %add3A_48 : vector<16xi32>
    %swap3A = arith.constant 4880 : index
    %swap3A_50 = tpu.vector_load %arg5[%swap3A] {strides = array<i32>} : memref<5120xi32, #tpu.memory_space<vmem>>, vector<16xi32>,
    %swap3A_51 = vector.shape_cast %swap3A_50 : vector<16xi32> to vector<16xi32>
    %swap3A_52 = vector.shape_cast %add3A_49 : vector<16xi32> to vector<16xi32>
    tpu.vector_store %arg5[%swap3A], %swap3A_52 {strides = array<i32>} : memref<5120xi32, #tpu.memory_space<vmem>>, vector<16xi32>,
    %add3A_53 = arith.constant 10000 : i32
    %add3A_54 = vector.broadcast %add3A_53 : i32 to vector<16xi32>
    %add3A_55 = arith.addi %add3A_54, %add3A_49 : vector<16xi32>
    %swap3A_56 = arith.constant 4880 : index
    %swap3A_57 = tpu.vector_load %arg6[%swap3A_56] {strides = array<i32>} : memref<5120xi32, #tpu.memory_space<vmem>>, vector<16xi32>,
    %swap3A_58 = vector.shape_cast %swap3A_57 : vector<16xi32> to vector<16xi32>
    %swap3A_59 = vector.shape_cast %add3A_55 : vector<16xi32> to vector<16xi32>
    tpu.vector_store %arg6[%swap3A_56], %swap3A_59 {strides = array<i32>} : memref<5120xi32, #tpu.memory_space<vmem>>, vector<16xi32>,
    %add3A_60 = arith.constant 16 : i32
    %add3A_61 = vector.broadcast %add3A_60 : i32 to vector<16xi32>
    %add3A_62 = arith.addi %iota3A, %add3A_61 : vector<16xi32>
    %swap3A_63 = arith.constant 4896 : index
    %swap3A_64 = tpu.vector_load %arg5[%swap3A_63] {strides = array<i32>} : memref<5120xi32, #tpu.memory_space<vmem>>, vector<16xi32>,
    %swap3A_65 = vector.shape_cast %swap3A_64 : vector<16xi32> to vector<16xi32>
    %swap3A_66 = vector.shape_cast %add3A_62 : vector<16xi32> to vector<16xi32>
    tpu.vector_store %arg5[%swap3A_63], %swap3A_66 {strides = array<i32>} : memref<5120xi32, #tpu.memory_space<vmem>>, vector<16xi32>,
    %add3A_67 = arith.constant 10000 : i32
    %add3A_68 = vector.broadcast %add3A_67 : i32 to vector<16xi32>
    %add3A_69 = arith.addi %add3A_68, %add3A_62 : vector<16xi32>
    %swap3A_70 = arith.constant 4896 : index
    %swap3A_71 = tpu.vector_load %arg6[%swap3A_70] {strides = array<i32>} : memref<5120xi32, #tpu.memory_space<vmem>>, vector<16xi32>,
    %swap3A_72 = vector.shape_cast %swap3A_71 : vector<16xi32> to vector<16xi32>
    %swap3A_73 = vector.shape_cast %add3A_69 : vector<16xi32> to vector<16xi32>
    tpu.vector_store %arg6[%swap3A_70], %swap3A_73 {strides = array<i32>} : memref<5120xi32, #tpu.memory_space<vmem>>, vector<16xi32>,
    %add3A_74 = arith.constant 32 : i32
    %add3A_75 = vector.broadcast %add3A_74 : i32 to vector<16xi32>
    %add3A_76 = arith.addi %iota3A, %add3A_75 : vector<16xi32>
    %swap3A_77 = arith.constant 4912 : index
    %swap3A_78 = tpu.vector_load %arg5[%swap3A_77] {strides = array<i32>} : memref<5120xi32, #tpu.memory_space<vmem>>, vector<16xi32>,
    %swap3A_79 = vector.shape_cast %swap3A_78 : vector<16xi32> to vector<16xi32>
    %swap3A_80 = vector.shape_cast %add3A_76 : vector<16xi32> to vector<16xi32>
    tpu.vector_store %arg5[%swap3A_77], %swap3A_80 {strides = array<i32>} : memref<5120xi32, #tpu.memory_space<vmem>>, vector<16xi32>,
    %add3A_81 = arith.constant 10000 : i32
    %add3A_82 = vector.broadcast %add3A_81 : i32 to vector<16xi32>
    %add3A_83 = arith.addi %add3A_82, %add3A_76 : vector<16xi32>
    %swap3A_84 = arith.constant 4912 : index
    %swap3A_85 = tpu.vector_load %arg6[%swap3A_84] {strides = array<i32>} : memref<5120xi32, #tpu.memory_space<vmem>>, vector<16xi32>,
    %swap3A_86 = vector.shape_cast %swap3A_85 : vector<16xi32> to vector<16xi32>
    %swap3A_87 = vector.shape_cast %add3A_83 : vector<16xi32> to vector<16xi32>
    tpu.vector_store %arg6[%swap3A_84], %swap3A_87 {strides = array<i32>} : memref<5120xi32, #tpu.memory_space<vmem>>, vector<16xi32>,
    %add3A_88 = arith.constant 48 : i32
    %add3A_89 = vector.broadcast %add3A_88 : i32 to vector<16xi32>
    %add3A_90 = arith.addi %iota3A, %add3A_89 : vector<16xi32>
    %swap3A_91 = arith.constant 4928 : index
    %swap3A_92 = tpu.vector_load %arg5[%swap3A_91] {strides = array<i32>} : memref<5120xi32, #tpu.memory_space<vmem>>, vector<16xi32>,
    %swap3A_93 = vector.shape_cast %swap3A_92 : vector<16xi32> to vector<16xi32>
    %swap3A_94 = vector.shape_cast %add3A_90 : vector<16xi32> to vector<16xi32>
    tpu.vector_store %arg5[%swap3A_91], %swap3A_94 {strides = array<i32>} : memref<5120xi32, #tpu.memory_space<vmem>>, vector<16xi32>,
    %add3A_95 = arith.constant 10000 : i32
    %add3A_96 = vector.broadcast %add3A_95 : i32 to vector<16xi32>
    %add3A_97 = arith.addi %add3A_96, %add3A_90 : vector<16xi32>
    %swap3A_98 = arith.constant 4928 : index
    %swap3A_99 = tpu.vector_load %arg6[%swap3A_98] {strides = array<i32>} : memref<5120xi32, #tpu.memory_space<vmem>>, vector<16xi32>,
    %swap3A_100 = vector.shape_cast %swap3A_99 : vector<16xi32> to vector<16xi32>
    %swap3A_101 = vector.shape_cast %add3A_97 : vector<16xi32> to vector<16xi32>
    tpu.vector_store %arg6[%swap3A_98], %swap3A_101 {strides = array<i32>} : memref<5120xi32, #tpu.memory_space<vmem>>, vector<16xi32>,
    %add3A_102 = arith.constant 64 : i32
    %add3A_103 = vector.broadcast %add3A_102 : i32 to vector<16xi32>
    %add3A_104 = arith.addi %iota3A, %add3A_103 : vector<16xi32>
    %swap3A_105 = arith.constant 4944 : index
    %swap3A_106 = tpu.vector_load %arg5[%swap3A_105] {strides = array<i32>} : memref<5120xi32, #tpu.memory_space<vmem>>, vector<16xi32>,
    %swap3A_107 = vector.shape_cast %swap3A_106 : vector<16xi32> to vector<16xi32>
    %swap3A_108 = vector.shape_cast %add3A_104 : vector<16xi32> to vector<16xi32>
    tpu.vector_store %arg5[%swap3A_105], %swap3A_108 {strides = array<i32>} : memref<5120xi32, #tpu.memory_space<vmem>>, vector<16xi32>,
    %add3A_109 = arith.constant 10000 : i32
    %add3A_110 = vector.broadcast %add3A_109 : i32 to vector<16xi32>
    %add3A_111 = arith.addi %add3A_110, %add3A_104 : vector<16xi32>
    %swap3A_112 = arith.constant 4944 : index
    %swap3A_113 = tpu.vector_load %arg6[%swap3A_112] {strides = array<i32>} : memref<5120xi32, #tpu.memory_space<vmem>>, vector<16xi32>,
    %swap3A_114 = vector.shape_cast %swap3A_113 : vector<16xi32> to vector<16xi32>
    %swap3A_115 = vector.shape_cast %add3A_111 : vector<16xi32> to vector<16xi32>
    tpu.vector_store %arg6[%swap3A_112], %swap3A_115 {strides = array<i32>} : memref<5120xi32, #tpu.memory_space<vmem>>, vector<16xi32>,
    %add3A_116 = arith.constant 80 : i32
    %add3A_117 = vector.broadcast %add3A_116 : i32 to vector<16xi32>
    %add3A_118 = arith.addi %iota3A, %add3A_117 : vector<16xi32>
    %swap3A_119 = arith.constant 4960 : index
    %swap3A_120 = tpu.vector_load %arg5[%swap3A_119] {strides = array<i32>} : memref<5120xi32, #tpu.memory_space<vmem>>, vector<16xi32>,
    %swap3A_121 = vector.shape_cast %swap3A_120 : vector<16xi32> to vector<16xi32>
    %swap3A_122 = vector.shape_cast %add3A_118 : vector<16xi32> to vector<16xi32>
    tpu.vector_store %arg5[%swap3A_119], %swap3A_122 {strides = array<i32>} : memref<5120xi32, #tpu.memory_space<vmem>>, vector<16xi32>,
    %add3A_123 = arith.constant 10000 : i32
    %add3A_124 = vector.broadcast %add3A_123 : i32 to vector<16xi32>
    %add3A_125 = arith.addi %add3A_124, %add3A_118 : vector<16xi32>
    %swap3A_126 = arith.constant 4960 : index
    %swap3A_127 = tpu.vector_load %arg6[%swap3A_126] {strides = array<i32>} : memref<5120xi32, #tpu.memory_space<vmem>>, vector<16xi32>,
    %swap3A_128 = vector.shape_cast %swap3A_127 : vector<16xi32> to vector<16xi32>
    %swap3A_129 = vector.shape_cast %add3A_125 : vector<16xi32> to vector<16xi32>
    tpu.vector_store %arg6[%swap3A_126], %swap3A_129 {strides = array<i32>} : memref<5120xi32, #tpu.memory_space<vmem>>, vector<16xi32>,
    %add3A_130 = arith.constant 96 : i32
    %add3A_131 = vector.broadcast %add3A_130 : i32 to vector<16xi32>
    %add3A_132 = arith.addi %iota3A, %add3A_131 : vector<16xi32>
    %swap3A_133 = arith.constant 4976 : index
    %swap3A_134 = tpu.vector_load %arg5[%swap3A_133] {strides = array<i32>} : memref<5120xi32, #tpu.memory_space<vmem>>, vector<16xi32>,
    %swap3A_135 = vector.shape_cast %swap3A_134 : vector<16xi32> to vector<16xi32>
    %swap3A_136 = vector.shape_cast %add3A_132 : vector<16xi32> to vector<16xi32>
    tpu.vector_store %arg5[%swap3A_133], %swap3A_136 {strides = array<i32>} : memref<5120xi32, #tpu.memory_space<vmem>>, vector<16xi32>,
    %add3A_137 = arith.constant 10000 : i32
    %add3A_138 = vector.broadcast %add3A_137 : i32 to vector<16xi32>
    %add3A_139 = arith.addi %add3A_138, %add3A_132 : vector<16xi32>
    %swap3A_140 = arith.constant 4976 : index
    %swap3A_141 = tpu.vector_load %arg6[%swap3A_140] {strides = array<i32>} : memref<5120xi32, #tpu.memory_space<vmem>>, vector<16xi32>,
    %swap3A_142 = vector.shape_cast %swap3A_141 : vector<16xi32> to vector<16xi32>
    %swap3A_143 = vector.shape_cast %add3A_139 : vector<16xi32> to vector<16xi32>
    tpu.vector_store %arg6[%swap3A_140], %swap3A_143 {strides = array<i32>} : memref<5120xi32, #tpu.memory_space<vmem>>, vector<16xi32>,
    %add3A_144 = arith.constant 112 : i32
    %add3A_145 = vector.broadcast %add3A_144 : i32 to vector<16xi32>
    %add3A_146 = arith.addi %iota3A, %add3A_145 : vector<16xi32>
    %swap3A_147 = arith.constant 4992 : index
    %swap3A_148 = tpu.vector_load %arg5[%swap3A_147] {strides = array<i32>} : memref<5120xi32, #tpu.memory_space<vmem>>, vector<16xi32>,
    %swap3A_149 = vector.shape_cast %swap3A_148 : vector<16xi32> to vector<16xi32>
    %swap3A_150 = vector.shape_cast %add3A_146 : vector<16xi32> to vector<16xi32>
    tpu.vector_store %arg5[%swap3A_147], %swap3A_150 {strides = array<i32>} : memref<5120xi32, #tpu.memory_space<vmem>>, vector<16xi32>,
    %add3A_151 = arith.constant 10000 : i32
    %add3A_152 = vector.broadcast %add3A_151 : i32 to vector<16xi32>
    %add3A_153 = arith.addi %add3A_152, %add3A_146 : vector<16xi32>
    %swap3A_154 = arith.constant 4992 : index
    %swap3A_155 = tpu.vector_load %arg6[%swap3A_154] {strides = array<i32>} : memref<5120xi32, #tpu.memory_space<vmem>>, vector<16xi32>,
    %swap3A_156 = vector.shape_cast %swap3A_155 : vector<16xi32> to vector<16xi32>
    %swap3A_157 = vector.shape_cast %add3A_153 : vector<16xi32> to vector<16xi32>
    tpu.vector_store %arg6[%swap3A_154], %swap3A_157 {strides = array<i32>} : memref<5120xi32, #tpu.memory_space<vmem>>, vector<16xi32>,
    %add3A_158 = arith.constant 128 : i32
    %add3A_159 = vector.broadcast %add3A_158 : i32 to vector<16xi32>
    %add3A_160 = arith.addi %iota3A, %add3A_159 : vector<16xi32>
    %swap3A_161 = arith.constant 5008 : index
    %swap3A_162 = tpu.vector_load %arg5[%swap3A_161] {strides = array<i32>} : memref<5120xi32, #tpu.memory_space<vmem>>, vector<16xi32>,
    %swap3A_163 = vector.shape_cast %swap3A_162 : vector<16xi32> to vector<16xi32>
    %swap3A_164 = vector.shape_cast %add3A_160 : vector<16xi32> to vector<16xi32>
    tpu.vector_store %arg5[%swap3A_161], %swap3A_164 {strides = array<i32>} : memref<5120xi32, #tpu.memory_space<vmem>>, vector<16xi32>,
    %add3A_165 = arith.constant 10000 : i32
    %add3A_166 = vector.broadcast %add3A_165 : i32 to vector<16xi32>
    %add3A_167 = arith.addi %add3A_166, %add3A_160 : vector<16xi32>
    %swap3A_168 = arith.constant 5008 : index
    %swap3A_169 = tpu.vector_load %arg6[%swap3A_168] {strides = array<i32>} : memref<5120xi32, #tpu.memory_space<vmem>>, vector<16xi32>,
    %swap3A_170 = vector.shape_cast %swap3A_169 : vector<16xi32> to vector<16xi32>
    %swap3A_171 = vector.shape_cast %add3A_167 : vector<16xi32> to vector<16xi32>
    tpu.vector_store %arg6[%swap3A_168], %swap3A_171 {strides = array<i32>} : memref<5120xi32, #tpu.memory_space<vmem>>, vector<16xi32>,
    %add3A_172 = arith.constant 144 : i32
    %add3A_173 = vector.broadcast %add3A_172 : i32 to vector<16xi32>
    %add3A_174 = arith.addi %iota3A, %add3A_173 : vector<16xi32>
    %swap3A_175 = arith.constant 5024 : index
    %swap3A_176 = tpu.vector_load %arg5[%swap3A_175] {strides = array<i32>} : memref<5120xi32, #tpu.memory_space<vmem>>, vector<16xi32>,
    %swap3A_177 = vector.shape_cast %swap3A_176 : vector<16xi32> to vector<16xi32>
    %swap3A_178 = vector.shape_cast %add3A_174 : vector<16xi32> to vector<16xi32>
    tpu.vector_store %arg5[%swap3A_175], %swap3A_178 {strides = array<i32>} : memref<5120xi32, #tpu.memory_space<vmem>>, vector<16xi32>,
    %add3A_179 = arith.constant 10000 : i32
    %add3A_180 = vector.broadcast %add3A_179 : i32 to vector<16xi32>
    %add3A_181 = arith.addi %add3A_180, %add3A_174 : vector<16xi32>
    %swap3A_182 = arith.constant 5024 : index
    %swap3A_183 = tpu.vector_load %arg6[%swap3A_182] {strides = array<i32>} : memref<5120xi32, #tpu.memory_space<vmem>>, vector<16xi32>,
    %swap3A_184 = vector.shape_cast %swap3A_183 : vector<16xi32> to vector<16xi32>
    %swap3A_185 = vector.shape_cast %add3A_181 : vector<16xi32> to vector<16xi32>
    tpu.vector_store %arg6[%swap3A_182], %swap3A_185 {strides = array<i32>} : memref<5120xi32, #tpu.memory_space<vmem>>, vector<16xi32>,
    %add3A_186 = arith.constant 160 : i32
    %add3A_187 = vector.broadcast %add3A_186 : i32 to vector<16xi32>
    %add3A_188 = arith.addi %iota3A, %add3A_187 : vector<16xi32>
    %swap3A_189 = arith.constant 5040 : index
    %swap3A_190 = tpu.vector_load %arg5[%swap3A_189] {strides = array<i32>} : memref<5120xi32, #tpu.memory_space<vmem>>, vector<16xi32>,
    %swap3A_191 = vector.shape_cast %swap3A_190 : vector<16xi32> to vector<16xi32>
    %swap3A_192 = vector.shape_cast %add3A_188 : vector<16xi32> to vector<16xi32>
    tpu.vector_store %arg5[%swap3A_189], %swap3A_192 {strides = array<i32>} : memref<5120xi32, #tpu.memory_space<vmem>>, vector<16xi32>,
    %add3A_193 = arith.constant 10000 : i32
    %add3A_194 = vector.broadcast %add3A_193 : i32 to vector<16xi32>
    %add3A_195 = arith.addi %add3A_194, %add3A_188 : vector<16xi32>
    %swap3A_196 = arith.constant 5040 : index
    %swap3A_197 = tpu.vector_load %arg6[%swap3A_196] {strides = array<i32>} : memref<5120xi32, #tpu.memory_space<vmem>>, vector<16xi32>,
    %swap3A_198 = vector.shape_cast %swap3A_197 : vector<16xi32> to vector<16xi32>
    %swap3A_199 = vector.shape_cast %add3A_195 : vector<16xi32> to vector<16xi32>
    tpu.vector_store %arg6[%swap3A_196], %swap3A_199 {strides = array<i32>} : memref<5120xi32, #tpu.memory_space<vmem>>, vector<16xi32>,
    %add3A_200 = arith.constant 176 : i32
    %add3A_201 = vector.broadcast %add3A_200 : i32 to vector<16xi32>
    %add3A_202 = arith.addi %iota3A, %add3A_201 : vector<16xi32>
    %swap3A_203 = arith.constant 5056 : index
    %swap3A_204 = tpu.vector_load %arg5[%swap3A_203] {strides = array<i32>} : memref<5120xi32, #tpu.memory_space<vmem>>, vector<16xi32>,
    %swap3A_205 = vector.shape_cast %swap3A_204 : vector<16xi32> to vector<16xi32>
    %swap3A_206 = vector.shape_cast %add3A_202 : vector<16xi32> to vector<16xi32>
    tpu.vector_store %arg5[%swap3A_203], %swap3A_206 {strides = array<i32>} : memref<5120xi32, #tpu.memory_space<vmem>>, vector<16xi32>,
    %add3A_207 = arith.constant 10000 : i32
    %add3A_208 = vector.broadcast %add3A_207 : i32 to vector<16xi32>
    %add3A_209 = arith.addi %add3A_208, %add3A_202 : vector<16xi32>
    %swap3A_210 = arith.constant 5056 : index
    %swap3A_211 = tpu.vector_load %arg6[%swap3A_210] {strides = array<i32>} : memref<5120xi32, #tpu.memory_space<vmem>>, vector<16xi32>,
    %swap3A_212 = vector.shape_cast %swap3A_211 : vector<16xi32> to vector<16xi32>
    %swap3A_213 = vector.shape_cast %add3A_209 : vector<16xi32> to vector<16xi32>
    tpu.vector_store %arg6[%swap3A_210], %swap3A_213 {strides = array<i32>} : memref<5120xi32, #tpu.memory_space<vmem>>, vector<16xi32>,
    %add3A_214 = arith.constant 192 : i32
    %add3A_215 = vector.broadcast %add3A_214 : i32 to vector<16xi32>
    %add3A_216 = arith.addi %iota3A, %add3A_215 : vector<16xi32>
    %swap3A_217 = arith.constant 5072 : index
    %swap3A_218 = tpu.vector_load %arg5[%swap3A_217] {strides = array<i32>} : memref<5120xi32, #tpu.memory_space<vmem>>, vector<16xi32>,
    %swap3A_219 = vector.shape_cast %swap3A_218 : vector<16xi32> to vector<16xi32>
    %swap3A_220 = vector.shape_cast %add3A_216 : vector<16xi32> to vector<16xi32>
    tpu.vector_store %arg5[%swap3A_217], %swap3A_220 {strides = array<i32>} : memref<5120xi32, #tpu.memory_space<vmem>>, vector<16xi32>,
    %add3A_221 = arith.constant 10000 : i32
    %add3A_222 = vector.broadcast %add3A_221 : i32 to vector<16xi32>
    %add3A_223 = arith.addi %add3A_222, %add3A_216 : vector<16xi32>
    %swap3A_224 = arith.constant 5072 : index
    %swap3A_225 = tpu.vector_load %arg6[%swap3A_224] {strides = array<i32>} : memref<5120xi32, #tpu.memory_space<vmem>>, vector<16xi32>,
    %swap3A_226 = vector.shape_cast %swap3A_225 : vector<16xi32> to vector<16xi32>
    %swap3A_227 = vector.shape_cast %add3A_223 : vector<16xi32> to vector<16xi32>
    tpu.vector_store %arg6[%swap3A_224], %swap3A_227 {strides = array<i32>} : memref<5120xi32, #tpu.memory_space<vmem>>, vector<16xi32>,
    %add3A_228 = arith.constant 208 : i32
    %add3A_229 = vector.broadcast %add3A_228 : i32 to vector<16xi32>
    %add3A_230 = arith.addi %iota3A, %add3A_229 : vector<16xi32>
    %swap3A_231 = arith.constant 5088 : index
    %swap3A_232 = tpu.vector_load %arg5[%swap3A_231] {strides = array<i32>} : memref<5120xi32, #tpu.memory_space<vmem>>, vector<16xi32>,
    %swap3A_233 = vector.shape_cast %swap3A_232 : vector<16xi32> to vector<16xi32>
    %swap3A_234 = vector.shape_cast %add3A_230 : vector<16xi32> to vector<16xi32>
    tpu.vector_store %arg5[%swap3A_231], %swap3A_234 {strides = array<i32>} : memref<5120xi32, #tpu.memory_space<vmem>>, vector<16xi32>,
    %add3A_235 = arith.constant 10000 : i32
    %add3A_236 = vector.broadcast %add3A_235 : i32 to vector<16xi32>
    %add3A_237 = arith.addi %add3A_236, %add3A_230 : vector<16xi32>
    %swap3A_238 = arith.constant 5088 : index
    %swap3A_239 = tpu.vector_load %arg6[%swap3A_238] {strides = array<i32>} : memref<5120xi32, #tpu.memory_space<vmem>>, vector<16xi32>,
    %swap3A_240 = vector.shape_cast %swap3A_239 : vector<16xi32> to vector<16xi32>
    %swap3A_241 = vector.shape_cast %add3A_237 : vector<16xi32> to vector<16xi32>
    tpu.vector_store %arg6[%swap3A_238], %swap3A_241 {strides = array<i32>} : memref<5120xi32, #tpu.memory_space<vmem>>, vector<16xi32>,
    %add3A_242 = arith.constant 224 : i32
    %add3A_243 = vector.broadcast %add3A_242 : i32 to vector<16xi32>
    %add3A_244 = arith.addi %iota3A, %add3A_243 : vector<16xi32>
    %swap3A_245 = arith.constant 5104 : index
    %swap3A_246 = tpu.vector_load %arg5[%swap3A_245] {strides = array<i32>} : memref<5120xi32, #tpu.memory_space<vmem>>, vector<16xi32>,
    %swap3A_247 = vector.shape_cast %swap3A_246 : vector<16xi32> to vector<16xi32>
    %swap3A_248 = vector.shape_cast %add3A_244 : vector<16xi32> to vector<16xi32>
    tpu.vector_store %arg5[%swap3A_245], %swap3A_248 {strides = array<i32>} : memref<5120xi32, #tpu.memory_space<vmem>>, vector<16xi32>,
    %add3A_249 = arith.constant 10000 : i32
    %add3A_250 = vector.broadcast %add3A_249 : i32 to vector<16xi32>
    %add3A_251 = arith.addi %add3A_250, %add3A_244 : vector<16xi32>
    %swap3A_252 = arith.constant 5104 : index
    %swap3A_253 = tpu.vector_load %arg6[%swap3A_252] {strides = array<i32>} : memref<5120xi32, #tpu.memory_space<vmem>>, vector<16xi32>,
    %swap3A_254 = vector.shape_cast %swap3A_253 : vector<16xi32> to vector<16xi32>
    %swap3A_255 = vector.shape_cast %add3A_251 : vector<16xi32> to vector<16xi32>
    tpu.vector_store %arg6[%swap3A_252], %swap3A_255 {strides = array<i32>} : memref<5120xi32, #tpu.memory_space<vmem>>, vector<16xi32>,
    %dma_start3A_256 = arith.constant 0 : i32
    %dma_start3A_257 = tpu.memref_slice %arg5[%dma_start3A_256] : memref<5120xi32, #tpu.memory_space<vmem>> -> memref<128xi32, #tpu.memory_space<vmem>>
    %dma_start3A_258 = arith.constant 0 : i32
    %dma_start3A_259 = arith.constant 0 : i32
    %dma_start3A_260 = tpu.memref_slice %arg2[%dma_start3A_258, %dma_start3A_259] : memref<10000x128xf32, #tpu.memory_space<hbm>> -> memref<10000x128xf32, #tpu.memory_space<hbm>>
    tpu.enqueue_indirect_dma source(%dma_start3A_260 : memref<10000x128xf32, #tpu.memory_space<hbm>>) target(%arg8 : memref<128x128xf32, #tpu.memory_space<vmem>>) offsets(%dma_start3A_257 : memref<128xi32, #tpu.memory_space<vmem>>) semaphore(%arg11 : memref<!tpu.dma_semaphore, #tpu.memory_space<semaphore_mem>>)
    %scan3A_261 = arith.constant 0 : i32
    %scan3A_262 = arith.constant 0 : i32
    %scan3A_263 = arith.constant 40 : i32
    %scan3A_264 = arith.addi %scan3A_262, %scan3A_263 : i32
    %scan3A_265 = arith.constant 1 : i32
    scf.for %scan3A_280 = %scan3A_262 to %scan3A_264 step %scan3A_265  : i32 {
      %mul3A_281 = arith.constant 128 : i32
      %mul3A_282 = arith.muli %scan3A_280, %mul3A_281 : i32
      %add3A_283 = arith.constant 0 : i32
      %add3A_284 = arith.addi %mul3A_282, %add3A_283 : i32
      %get3A = arith.index_cast %add3A_284 : i32 to index
      %get3A_285 = tpu.vector_load %arg6[%get3A] {strides = array<i32>} : memref<5120xi32, #tpu.memory_space<vmem>>, vector<16xi32>,
      %get3A_286 = vector.shape_cast %get3A_285 : vector<16xi32> to vector<16xi32>
      %swap3A_287 = arith.index_cast %scan3A_280 : i32 to index
      %swap3A_288 = arith.constant 0 : index
      %swap3A_289 = tpu.vector_load %arg7[%swap3A_287, %swap3A_288] {strides = array<i32>} : memref<40x128xi32, #tpu.memory_space<vmem>>, vector<1x16xi32>,
      %swap3A_290 = vector.shape_cast %swap3A_289 : vector<1x16xi32> to vector<16xi32>
      %swap3A_291 = vector.shape_cast %get3A_286 : vector<16xi32> to vector<1x16xi32>
      tpu.vector_store %arg7[%swap3A_287, %swap3A_288], %swap3A_291 {strides = array<i32>} : memref<40x128xi32, #tpu.memory_space<vmem>>, vector<1x16xi32>,
      %mul3A_292 = arith.constant 128 : i32
      %mul3A_293 = arith.muli %scan3A_280, %mul3A_292 : i32
      %add3A_294 = arith.constant 16 : i32
      %add3A_295 = arith.addi %mul3A_293, %add3A_294 : i32
      %get3A_296 = arith.index_cast %add3A_295 : i32 to index
      %get3A_297 = tpu.vector_load %arg6[%get3A_296] {strides = array<i32>} : memref<5120xi32, #tpu.memory_space<vmem>>, vector<16xi32>,
      %get3A_298 = vector.shape_cast %get3A_297 : vector<16xi32> to vector<16xi32>
      %swap3A_299 = arith.index_cast %scan3A_280 : i32 to index
      %swap3A_300 = arith.constant 16 : index
      %swap3A_301 = tpu.vector_load %arg7[%swap3A_299, %swap3A_300] {strides = array<i32>} : memref<40x128xi32, #tpu.memory_space<vmem>>, vector<1x16xi32>,
      %swap3A_302 = vector.shape_cast %swap3A_301 : vector<1x16xi32> to vector<16xi32>
      %swap3A_303 = vector.shape_cast %get3A_298 : vector<16xi32> to vector<1x16xi32>
      tpu.vector_store %arg7[%swap3A_299, %swap3A_300], %swap3A_303 {strides = array<i32>} : memref<40x128xi32, #tpu.memory_space<vmem>>, vector<1x16xi32>,
      %mul3A_304 = arith.constant 128 : i32
      %mul3A_305 = arith.muli %scan3A_280, %mul3A_304 : i32
      %add3A_306 = arith.constant 32 : i32
      %add3A_307 = arith.addi %mul3A_305, %add3A_306 : i32
      %get3A_308 = arith.index_cast %add3A_307 : i32 to index
      %get3A_309 = tpu.vector_load %arg6[%get3A_308] {strides = array<i32>} : memref<5120xi32, #tpu.memory_space<vmem>>, vector<16xi32>,
      %get3A_310 = vector.shape_cast %get3A_309 : vector<16xi32> to vector<16xi32>
      %swap3A_311 = arith.index_cast %scan3A_280 : i32 to index
      %swap3A_312 = arith.constant 32 : index
      %swap3A_313 = tpu.vector_load %arg7[%swap3A_311, %swap3A_312] {strides = array<i32>} : memref<40x128xi32, #tpu.memory_space<vmem>>, vector<1x16xi32>,
      %swap3A_314 = vector.shape_cast %swap3A_313 : vector<1x16xi32> to vector<16xi32>
      %swap3A_315 = vector.shape_cast %get3A_310 : vector<16xi32> to vector<1x16xi32>
      tpu.vector_store %arg7[%swap3A_311, %swap3A_312], %swap3A_315 {strides = array<i32>} : memref<40x128xi32, #tpu.memory_space<vmem>>, vector<1x16xi32>,
      %mul3A_316 = arith.constant 128 : i32
      %mul3A_317 = arith.muli %scan3A_280, %mul3A_316 : i32
      %add3A_318 = arith.constant 48 : i32
      %add3A_319 = arith.addi %mul3A_317, %add3A_318 : i32
      %get3A_320 = arith.index_cast %add3A_319 : i32 to index
      %get3A_321 = tpu.vector_load %arg6[%get3A_320] {strides = array<i32>} : memref<5120xi32, #tpu.memory_space<vmem>>, vector<16xi32>,
      %get3A_322 = vector.shape_cast %get3A_321 : vector<16xi32> to vector<16xi32>
      %swap3A_323 = arith.index_cast %scan3A_280 : i32 to index
      %swap3A_324 = arith.constant 48 : index
      %swap3A_325 = tpu.vector_load %arg7[%swap3A_323, %swap3A_324] {strides = array<i32>} : memref<40x128xi32, #tpu.memory_space<vmem>>, vector<1x16xi32>,
      %swap3A_326 = vector.shape_cast %swap3A_325 : vector<1x16xi32> to vector<16xi32>
      %swap3A_327 = vector.shape_cast %get3A_322 : vector<16xi32> to vector<1x16xi32>
      tpu.vector_store %arg7[%swap3A_323, %swap3A_324], %swap3A_327 {strides = array<i32>} : memref<40x128xi32, #tpu.memory_space<vmem>>, vector<1x16xi32>,
      %mul3A_328 = arith.constant 128 : i32
      %mul3A_329 = arith.muli %scan3A_280, %mul3A_328 : i32
      %add3A_330 = arith.constant 64 : i32
      %add3A_331 = arith.addi %mul3A_329, %add3A_330 : i32
      %get3A_332 = arith.index_cast %add3A_331 : i32 to index
      %get3A_333 = tpu.vector_load %arg6[%get3A_332] {strides = array<i32>} : memref<5120xi32, #tpu.memory_space<vmem>>, vector<16xi32>,
      %get3A_334 = vector.shape_cast %get3A_333 : vector<16xi32> to vector<16xi32>
      %swap3A_335 = arith.index_cast %scan3A_280 : i32 to index
      %swap3A_336 = arith.constant 64 : index
      %swap3A_337 = tpu.vector_load %arg7[%swap3A_335, %swap3A_336] {strides = array<i32>} : memref<40x128xi32, #tpu.memory_space<vmem>>, vector<1x16xi32>,
      %swap3A_338 = vector.shape_cast %swap3A_337 : vector<1x16xi32> to vector<16xi32>
      %swap3A_339 = vector.shape_cast %get3A_334 : vector<16xi32> to vector<1x16xi32>
      tpu.vector_store %arg7[%swap3A_335, %swap3A_336], %swap3A_339 {strides = array<i32>} : memref<40x128xi32, #tpu.memory_space<vmem>>, vector<1x16xi32>,
      %mul3A_340 = arith.constant 128 : i32
      %mul3A_341 = arith.muli %scan3A_280, %mul3A_340 : i32
      %add3A_342 = arith.constant 80 : i32
      %add3A_343 = arith.addi %mul3A_341, %add3A_342 : i32
      %get3A_344 = arith.index_cast %add3A_343 : i32 to index
      %get3A_345 = tpu.vector_load %arg6[%get3A_344] {strides = array<i32>} : memref<5120xi32, #tpu.memory_space<vmem>>, vector<16xi32>,
      %get3A_346 = vector.shape_cast %get3A_345 : vector<16xi32> to vector<16xi32>
      %swap3A_347 = arith.index_cast %scan3A_280 : i32 to index
      %swap3A_348 = arith.constant 80 : index
      %swap3A_349 = tpu.vector_load %arg7[%swap3A_347, %swap3A_348] {strides = array<i32>} : memref<40x128xi32, #tpu.memory_space<vmem>>, vector<1x16xi32>,
      %swap3A_350 = vector.shape_cast %swap3A_349 : vector<1x16xi32> to vector<16xi32>
      %swap3A_351 = vector.shape_cast %get3A_346 : vector<16xi32> to vector<1x16xi32>
      tpu.vector_store %arg7[%swap3A_347, %swap3A_348], %swap3A_351 {strides = array<i32>} : memref<40x128xi32, #tpu.memory_space<vmem>>, vector<1x16xi32>,
      %mul3A_352 = arith.constant 128 : i32
      %mul3A_353 = arith.muli %scan3A_280, %mul3A_352 : i32
      %add3A_354 = arith.constant 96 : i32
      %add3A_355 = arith.addi %mul3A_353, %add3A_354 : i32
      %get3A_356 = arith.index_cast %add3A_355 : i32 to index
      %get3A_357 = tpu.vector_load %arg6[%get3A_356] {strides = array<i32>} : memref<5120xi32, #tpu.memory_space<vmem>>, vector<16xi32>,
      %get3A_358 = vector.shape_cast %get3A_357 : vector<16xi32> to vector<16xi32>
      %swap3A_359 = arith.index_cast %scan3A_280 : i32 to index
      %swap3A_360 = arith.constant 96 : index
      %swap3A_361 = tpu.vector_load %arg7[%swap3A_359, %swap3A_360] {strides = array<i32>} : memref<40x128xi32, #tpu.memory_space<vmem>>, vector<1x16xi32>,
      %swap3A_362 = vector.shape_cast %swap3A_361 : vector<1x16xi32> to vector<16xi32>
      %swap3A_363 = vector.shape_cast %get3A_358 : vector<16xi32> to vector<1x16xi32>
      tpu.vector_store %arg7[%swap3A_359, %swap3A_360], %swap3A_363 {strides = array<i32>} : memref<40x128xi32, #tpu.memory_space<vmem>>, vector<1x16xi32>,
      %mul3A_364 = arith.constant 128 : i32
      %mul3A_365 = arith.muli %scan3A_280, %mul3A_364 : i32
      %add3A_366 = arith.constant 112 : i32
      %add3A_367 = arith.addi %mul3A_365, %add3A_366 : i32
      %get3A_368 = arith.index_cast %add3A_367 : i32 to index
      %get3A_369 = tpu.vector_load %arg6[%get3A_368] {strides = array<i32>} : memref<5120xi32, #tpu.memory_space<vmem>>, vector<16xi32>,
      %get3A_370 = vector.shape_cast %get3A_369 : vector<16xi32> to vector<16xi32>
      %swap3A_371 = arith.index_cast %scan3A_280 : i32 to index
      %swap3A_372 = arith.constant 112 : index
      %swap3A_373 = tpu.vector_load %arg7[%swap3A_371, %swap3A_372] {strides = array<i32>} : memref<40x128xi32, #tpu.memory_space<vmem>>, vector<1x16xi32>,
      %swap3A_374 = vector.shape_cast %swap3A_373 : vector<1x16xi32> to vector<16xi32>
      %swap3A_375 = vector.shape_cast %get3A_370 : vector<16xi32> to vector<1x16xi32>
      tpu.vector_store %arg7[%swap3A_371, %swap3A_372], %swap3A_375 {strides = array<i32>} : memref<40x128xi32, #tpu.memory_space<vmem>>, vector<1x16xi32>,
    }
    %scan3A_266 = arith.constant 40 : i32
    %scan3A_267 = arith.constant 0 : i32
    %scan3A_268 = arith.constant 0 : i32
    %scan3A_269 = arith.constant 20 : i32
    %scan3A_270 = arith.addi %scan3A_268, %scan3A_269 : i32
    %scan3A_271 = arith.constant 1 : i32
    scf.for %scan3A_280 = %scan3A_268 to %scan3A_270 step %scan3A_271  : i32 {
      %mul3A_281 = arith.constant 2 : i32
      %mul3A_282 = arith.muli %scan3A_280, %mul3A_281 : i32
      %add3A_283 = arith.constant 1 : i32
      %add3A_284 = arith.addi %mul3A_282, %add3A_283 : i32
      %mul3A_285 = arith.constant 128 : i32
      %mul3A_286 = arith.muli %add3A_284, %mul3A_285 : i32
      %dma_start3A_287 = tpu.memref_slice %arg5[%mul3A_286] : memref<5120xi32, #tpu.memory_space<vmem>> -> memref<128xi32, #tpu.memory_space<vmem>>
      %dma_start3A_288 = arith.constant 0 : i32
      %dma_start3A_289 = arith.constant 0 : i32
      %dma_start3A_290 = tpu.memref_slice %arg2[%dma_start3A_288, %dma_start3A_289] : memref<10000x128xf32, #tpu.memory_space<hbm>> -> memref<10000x128xf32, #tpu.memory_space<hbm>>
      tpu.enqueue_indirect_dma source(%dma_start3A_290 : memref<10000x128xf32, #tpu.memory_space<hbm>>) target(%arg9 : memref<128x128xf32, #tpu.memory_space<vmem>>) offsets(%dma_start3A_287 : memref<128xi32, #tpu.memory_space<vmem>>) semaphore(%arg12 : memref<!tpu.dma_semaphore, #tpu.memory_space<semaphore_mem>>)
      %mul3A_291 = arith.constant 128 : i32
      %mul3A_292 = arith.muli %mul3A_282, %mul3A_291 : i32
      %dma_wait3A = tpu.memref_slice %arg5[%mul3A_292] : memref<5120xi32, #tpu.memory_space<vmem>> -> memref<128xi32, #tpu.memory_space<vmem>>
      %dma_wait3A_293 = arith.constant 0 : i32
      %dma_wait3A_294 = arith.constant 0 : i32
      %dma_wait3A_295 = tpu.memref_slice %arg2[%dma_wait3A_293, %dma_wait3A_294] : memref<10000x128xf32, #tpu.memory_space<hbm>> -> memref<10000x128xf32, #tpu.memory_space<hbm>>
      tpu.wait_indirect_dma semaphore(%arg11 : memref<!tpu.dma_semaphore, #tpu.memory_space<semaphore_mem>>) src(%dma_wait3A_295 : memref<10000x128xf32, #tpu.memory_space<hbm>>) dst(%arg8 : memref<128x128xf32, #tpu.memory_space<vmem>>)
      "tpu.region"() ({
        %run_scoped3A = tpu.sem_alloc : memref<!tpu.dma_semaphore, #tpu.memory_space<semaphore_mem>>
        %dma_start3A_309 = arith.constant 0 : i32
        %dma_start3A_310 = tpu.memref_slice %arg7[%mul3A_282, %dma_start3A_309] : memref<40x128xi32, #tpu.memory_space<vmem>> -> memref<1x128xi32, #tpu.memory_space<vmem>>
        %dma_start3A_311 = tpu.memref_squeeze %dma_start3A_310 : memref<1x128xi32, #tpu.memory_space<vmem>> -> memref<128xi32, #tpu.memory_space<vmem>>
        %dma_start3A_312 = arith.constant 0 : i32
        %dma_start3A_313 = arith.constant 0 : i32
        %dma_start3A_314 = tpu.memref_slice %arg10[%dma_start3A_312, %dma_start3A_313] : memref<10240x128xf32, #tpu.memory_space<vmem_shared>> -> memref<10240x128xf32, #tpu.memory_space<vmem_shared>>
        tpu.enqueue_indirect_dma source(%arg8 : memref<128x128xf32, #tpu.memory_space<vmem>>) target(%dma_start3A_314 : memref<10240x128xf32, #tpu.memory_space<vmem_shared>>) offsets(%dma_start3A_311 : memref<128xi32, #tpu.memory_space<vmem>>) semaphore(%run_scoped3A : memref<!tpu.dma_semaphore, #tpu.memory_space<semaphore_mem>>) {add = true}
        %dma_wait3A_315 = arith.constant 0 : i32
        %dma_wait3A_316 = tpu.memref_slice %arg7[%mul3A_282, %dma_wait3A_315] : memref<40x128xi32, #tpu.memory_space<vmem>> -> memref<1x128xi32, #tpu.memory_space<vmem>>
        %dma_wait3A_317 = tpu.memref_squeeze %dma_wait3A_316 : memref<1x128xi32, #tpu.memory_space<vmem>> -> memref<128xi32, #tpu.memory_space<vmem>>
        %dma_wait3A_318 = arith.constant 0 : i32
        %dma_wait3A_319 = arith.constant 0 : i32
        %dma_wait3A_320 = tpu.memref_slice %arg10[%dma_wait3A_318, %dma_wait3A_319] : memref<10240x128xf32, #tpu.memory_space<vmem_shared>> -> memref<10240x128xf32, #tpu.memory_space<vmem_shared>>
        tpu.wait_indirect_dma semaphore(%run_scoped3A : memref<!tpu.dma_semaphore, #tpu.memory_space<semaphore_mem>>) src(%arg8 : memref<128x128xf32, #tpu.memory_space<vmem>>) dst(%dma_wait3A_320 : memref<10240x128xf32, #tpu.memory_space<vmem_shared>>)
        tpu.yield
      }) : () -> ()
      %add3A_296 = arith.constant 2 : i32
      %add3A_297 = arith.addi %mul3A_282, %add3A_296 : i32
      %lt3A_298 = arith.constant 40 : i32
      %lt3A_299 = arith.cmpi slt, %add3A_297, %lt3A_298 : i32
      %convert_element_type3A_300 = arith.extui %lt3A_299 : i1 to i32
      %cond3A_301 = arith.constant 0 : i32
      %cond3A_302 = arith.cmpi ne, %convert_element_type3A_300, %cond3A_301 : i32
      scf.if %cond3A_302 {
        %add3A_309 = arith.constant 2 : i32
        %add3A_310 = arith.addi %mul3A_282, %add3A_309 : i32
        %mul3A_311 = arith.constant 128 : i32
        %mul3A_312 = arith.muli %add3A_310, %mul3A_311 : i32
        %dma_start3A_313 = tpu.memref_slice %arg5[%mul3A_312] : memref<5120xi32, #tpu.memory_space<vmem>> -> memref<128xi32, #tpu.memory_space<vmem>>
        %dma_start3A_314 = arith.constant 0 : i32
        %dma_start3A_315 = arith.constant 0 : i32
        %dma_start3A_316 = tpu.memref_slice %arg2[%dma_start3A_314, %dma_start3A_315] : memref<10000x128xf32, #tpu.memory_space<hbm>> -> memref<10000x128xf32, #tpu.memory_space<hbm>>
        tpu.enqueue_indirect_dma source(%dma_start3A_316 : memref<10000x128xf32, #tpu.memory_space<hbm>>) target(%arg8 : memref<128x128xf32, #tpu.memory_space<vmem>>) offsets(%dma_start3A_313 : memref<128xi32, #tpu.memory_space<vmem>>) semaphore(%arg11 : memref<!tpu.dma_semaphore, #tpu.memory_space<semaphore_mem>>)
      } else {
      }
      %dma_wait3A_303 = tpu.memref_slice %arg5[%mul3A_286] : memref<5120xi32, #tpu.memory_space<vmem>> -> memref<128xi32, #tpu.memory_space<vmem>>
      %dma_wait3A_304 = arith.constant 0 : i32
      %dma_wait3A_305 = arith.constant 0 : i32
      %dma_wait3A_306 = tpu.memref_slice %arg2[%dma_wait3A_304, %dma_wait3A_305] : memref<10000x128xf32, #tpu.memory_space<hbm>> -> memref<10000x128xf32, #tpu.memory_space<hbm>>
      tpu.wait_indirect_dma semaphore(%arg12 : memref<!tpu.dma_semaphore, #tpu.memory_space<semaphore_mem>>) src(%dma_wait3A_306 : memref<10000x128xf32, #tpu.memory_space<hbm>>) dst(%arg9 : memref<128x128xf32, #tpu.memory_space<vmem>>)
      %add3A_307 = arith.constant 1 : i32
      %add3A_308 = arith.addi %mul3A_282, %add3A_307 : i32
      "tpu.region"() ({
        %run_scoped3A = tpu.sem_alloc : memref<!tpu.dma_semaphore, #tpu.memory_space<semaphore_mem>>
        %dma_start3A_309 = arith.constant 0 : i32
        %dma_start3A_310 = tpu.memref_slice %arg7[%add3A_308, %dma_start3A_309] : memref<40x128xi32, #tpu.memory_space<vmem>> -> memref<1x128xi32, #tpu.memory_space<vmem>>
        %dma_start3A_311 = tpu.memref_squeeze %dma_start3A_310 : memref<1x128xi32, #tpu.memory_space<vmem>> -> memref<128xi32, #tpu.memory_space<vmem>>
        %dma_start3A_312 = arith.constant 0 : i32
        %dma_start3A_313 = arith.constant 0 : i32
        %dma_start3A_314 = tpu.memref_slice %arg10[%dma_start3A_312, %dma_start3A_313] : memref<10240x128xf32, #tpu.memory_space<vmem_shared>> -> memref<10240x128xf32, #tpu.memory_space<vmem_shared>>
        tpu.enqueue_indirect_dma source(%arg9 : memref<128x128xf32, #tpu.memory_space<vmem>>) target(%dma_start3A_314 : memref<10240x128xf32, #tpu.memory_space<vmem_shared>>) offsets(%dma_start3A_311 : memref<128xi32, #tpu.memory_space<vmem>>) semaphore(%run_scoped3A : memref<!tpu.dma_semaphore, #tpu.memory_space<semaphore_mem>>) {add = true}
        %dma_wait3A_315 = arith.constant 0 : i32
        %dma_wait3A_316 = tpu.memref_slice %arg7[%add3A_308, %dma_wait3A_315] : memref<40x128xi32, #tpu.memory_space<vmem>> -> memref<1x128xi32, #tpu.memory_space<vmem>>
        %dma_wait3A_317 = tpu.memref_squeeze %dma_wait3A_316 : memref<1x128xi32, #tpu.memory_space<vmem>> -> memref<128xi32, #tpu.memory_space<vmem>>
        %dma_wait3A_318 = arith.constant 0 : i32
        %dma_wait3A_319 = arith.constant 0 : i32
        %dma_wait3A_320 = tpu.memref_slice %arg10[%dma_wait3A_318, %dma_wait3A_319] : memref<10240x128xf32, #tpu.memory_space<vmem_shared>> -> memref<10240x128xf32, #tpu.memory_space<vmem_shared>>
        tpu.wait_indirect_dma semaphore(%run_scoped3A : memref<!tpu.dma_semaphore, #tpu.memory_space<semaphore_mem>>) src(%arg9 : memref<128x128xf32, #tpu.memory_space<vmem>>) dst(%dma_wait3A_320 : memref<10240x128xf32, #tpu.memory_space<vmem_shared>>)
        tpu.yield
      }) : () -> ()
    }
    %scan3A_272 = arith.constant 20 : i32
    %barrier3A_273 = arith.constant 0 : index
    tpu.barrier barrier_id(%barrier3A_273)
    %lt3A = arith.constant 15 : i32
    %lt3A_274 = arith.cmpi slt, %arg1, %lt3A : i32
    %convert_element_type3A = arith.extui %lt3A_274 : i1 to i32
    %cond3A = arith.constant 0 : i32
    %cond3A_275 = arith.cmpi ne, %convert_element_type3A, %cond3A : i32
    scf.if %cond3A_275 {
      "tpu.region"() ({
        %run_scoped3A = tpu.sem_alloc : memref<!tpu.dma_semaphore, #tpu.memory_space<semaphore_mem>>
        %dma_start3A_280 = arith.constant 0 : i32
        %dma_start3A_281 = tpu.memref_slice %arg4[%arg0, %mul3A_24, %dma_start3A_280] : memref<2x10000x128xf32, #tpu.memory_space<hbm>> -> memref<1x640x128xf32, #tpu.memory_space<hbm>>
        %dma_start3A_282 = tpu.memref_squeeze %dma_start3A_281 : memref<1x640x128xf32, #tpu.memory_space<hbm>> -> memref<640x128xf32, #tpu.memory_space<hbm>>
        %dma_start3A_283 = arith.constant 0 : i32
        %dma_start3A_284 = tpu.memref_slice %arg10[%mul3A_24, %dma_start3A_283] : memref<10240x128xf32, #tpu.memory_space<vmem_shared>> -> memref<640x128xf32, #tpu.memory_space<vmem_shared>>
        tpu.enqueue_dma source(%dma_start3A_284 : memref<640x128xf32, #tpu.memory_space<vmem_shared>>) target(%dma_start3A_282 : memref<640x128xf32, #tpu.memory_space<hbm>>) target_semaphore(%run_scoped3A : memref<!tpu.dma_semaphore, #tpu.memory_space<semaphore_mem>>)
        %dma_wait3A = arith.constant 0 : i32
        %dma_wait3A_285 = tpu.memref_slice %arg4[%arg0, %mul3A_24, %dma_wait3A] : memref<2x10000x128xf32, #tpu.memory_space<hbm>> -> memref<1x640x128xf32, #tpu.memory_space<hbm>>
        %dma_wait3A_286 = tpu.memref_squeeze %dma_wait3A_285 : memref<1x640x128xf32, #tpu.memory_space<hbm>> -> memref<640x128xf32, #tpu.memory_space<hbm>>
        %dma_wait3A_287 = arith.constant 0 : i32
        %dma_wait3A_288 = tpu.memref_slice %arg10[%mul3A_24, %dma_wait3A_287] : memref<10240x128xf32, #tpu.memory_space<vmem_shared>> -> memref<640x128xf32, #tpu.memory_space<vmem_shared>>
        tpu.wait_dma2 semaphore(%run_scoped3A : memref<!tpu.dma_semaphore, #tpu.memory_space<semaphore_mem>>) src(%dma_wait3A_288 : memref<640x128xf32, #tpu.memory_space<vmem_shared>>) dst(%dma_wait3A_286 : memref<640x128xf32, #tpu.memory_space<hbm>>)
        tpu.yield
      }) : () -> ()
    } else {
    }
    %eq3A = arith.constant 15 : i32
    %eq3A_276 = arith.cmpi eq, %arg1, %eq3A : i32
    %convert_element_type3A_277 = arith.extui %eq3A_276 : i1 to i32
    %cond3A_278 = arith.constant 0 : i32
    %cond3A_279 = arith.cmpi ne, %convert_element_type3A_277, %cond3A_278 : i32
    scf.if %cond3A_279 {
      "tpu.region"() ({
        %run_scoped3A = tpu.sem_alloc : memref<!tpu.dma_semaphore, #tpu.memory_space<semaphore_mem>>
        %dma_start3A_280 = arith.constant 9600 : i32
        %dma_start3A_281 = arith.constant 0 : i32
        %dma_start3A_282 = tpu.memref_slice %arg4[%arg0, %dma_start3A_280, %dma_start3A_281] : memref<2x10000x128xf32, #tpu.memory_space<hbm>> -> memref<1x400x128xf32, #tpu.memory_space<hbm>>
        %dma_start3A_283 = tpu.memref_squeeze %dma_start3A_282 : memref<1x400x128xf32, #tpu.memory_space<hbm>> -> memref<400x128xf32, #tpu.memory_space<hbm>>
        %dma_start3A_284 = arith.constant 9600 : i32
        %dma_start3A_285 = arith.constant 0 : i32
        %dma_start3A_286 = tpu.memref_slice %arg10[%dma_start3A_284, %dma_start3A_285] : memref<10240x128xf32, #tpu.memory_space<vmem_shared>> -> memref<400x128xf32, #tpu.memory_space<vmem_shared>>
        tpu.enqueue_dma source(%dma_start3A_286 : memref<400x128xf32, #tpu.memory_space<vmem_shared>>) target(%dma_start3A_283 : memref<400x128xf32, #tpu.memory_space<hbm>>) target_semaphore(%run_scoped3A : memref<!tpu.dma_semaphore, #tpu.memory_space<semaphore_mem>>)
        %dma_wait3A = arith.constant 9600 : i32
        %dma_wait3A_287 = arith.constant 0 : i32
        %dma_wait3A_288 = tpu.memref_slice %arg4[%arg0, %dma_wait3A, %dma_wait3A_287] : memref<2x10000x128xf32, #tpu.memory_space<hbm>> -> memref<1x400x128xf32, #tpu.memory_space<hbm>>
        %dma_wait3A_289 = tpu.memref_squeeze %dma_wait3A_288 : memref<1x400x128xf32, #tpu.memory_space<hbm>> -> memref<400x128xf32, #tpu.memory_space<hbm>>
        %dma_wait3A_290 = arith.constant 9600 : i32
        %dma_wait3A_291 = arith.constant 0 : i32
        %dma_wait3A_292 = tpu.memref_slice %arg10[%dma_wait3A_290, %dma_wait3A_291] : memref<10240x128xf32, #tpu.memory_space<vmem_shared>> -> memref<400x128xf32, #tpu.memory_space<vmem_shared>>
        tpu.wait_dma2 semaphore(%run_scoped3A : memref<!tpu.dma_semaphore, #tpu.memory_space<semaphore_mem>>) src(%dma_wait3A_292 : memref<400x128xf32, #tpu.memory_space<vmem_shared>>) dst(%dma_wait3A_289 : memref<400x128xf32, #tpu.memory_space<hbm>>)
        tpu.yield
      }) : () -> ()
    } else {
    }
    return
  }
}

module attributes {stable_mosaic.version = 14 : i64} {
  func.func @_tc1_body(%arg0: i32, %arg1: memref<640x128xf32, #tpu.memory_space<vmem>>, %arg2: memref<128x128xf32, #tpu.memory_space<vmem>>, %arg3: memref<32x640xf32, #tpu.memory_space<vmem>>, %arg4: memref<640x128xf32, #tpu.memory_space<vmem>>, %arg5: memref<640x1xf32, #tpu.memory_space<vmem>>) attributes {dimension_semantics = [#tpu.dimension_semantics<arbitrary>], iteration_bounds = array<i64: 16>, scalar_prefetch = 0 : i64, scratch_operands = 0 : i64, tpu.core_type = #tpu.core_type<tc>, window_params = [{transform_indices = @transform_0, window_bounds = array<i64: 640, 128>}, {pipeline_mode = #tpu.pipeline_mode<synchronous>, transform_indices = @transform_1, window_bounds = array<i64: 128, 128>}, {transform_indices = @transform_2, window_bounds = array<i64: 32, 640>}, {transform_indices = @transform_3, window_bounds = array<i64: 640, 128>}, {transform_indices = @transform_4, window_bounds = array<i64: 640, 1>}]} {
    %get3A = arith.constant 0 : index
    %get3A_0 = arith.constant 0 : index
    %get3A_1 = vector.load %arg3[%get3A, %get3A_0] : memref<32x640xf32, #tpu.memory_space<vmem>>, vector<32x640xf32>
    %reduce_sum3A = arith.constant dense<0.000000e+00> : vector<640xf32>
    %reduce_sum3A_2 = vector.multi_reduction <add>, %get3A_1, %reduce_sum3A [0] : vector<32x640xf32> to vector<640xf32>
    %add3A = arith.constant 1.000000e+00 : f32
    %add3A_3 = vector.broadcast %add3A : f32 to vector<640xf32>
    %add3A_4 = arith.addf %add3A_3, %reduce_sum3A_2 : vector<640xf32>
    %rsqrt3A = math.rsqrt %add3A_4 : vector<640xf32>
    %broadcast_in_dim3A = vector.shape_cast %rsqrt3A : vector<640xf32> to vector<640x1xf32>
    %swap3A = arith.constant 0 : index
    %swap3A_5 = arith.constant 0 : index
    %swap3A_6 = vector.load %arg5[%swap3A, %swap3A_5] : memref<640x1xf32, #tpu.memory_space<vmem>>, vector<640x1xf32>
    tpu.vector_store %arg5[%swap3A, %swap3A_5], %broadcast_in_dim3A {strides = array<i32>} : memref<640x1xf32, #tpu.memory_space<vmem>>, vector<640x1xf32>,
    %get3A_7 = arith.constant 0 : index
    %get3A_8 = arith.constant 0 : index
    %get3A_9 = vector.load %arg1[%get3A_7, %get3A_8] : memref<640x128xf32, #tpu.memory_space<vmem>>, vector<640x128xf32>
    %get3A_10 = arith.constant 0 : index
    %get3A_11 = arith.constant 0 : index
    %get3A_12 = vector.load %arg2[%get3A_10, %get3A_11] : memref<128x128xf32, #tpu.memory_space<vmem>>, vector<128x128xf32>
    %dot_general3A = arith.constant dense<0.000000e+00> : vector<640x128xf32>
    %dot_general3A_13 = tpu.matmul %get3A_9, %get3A_12, %dot_general3A {dimension_numbers = #tpu.dot_dimension_numbers<[1], [0], [0], [1], [0, 0, 1, 1], [], []>, transpose_lhs_hint = false} : vector<640x128xf32>, vector<128x128xf32>, vector<640x128xf32> -> vector<640x128xf32>
    %broadcast_in_dim3A_14 = vector.shape_cast %rsqrt3A : vector<640xf32> to vector<640x1xf32>
    %mul3A = vector.broadcast %broadcast_in_dim3A_14 : vector<640x1xf32> to vector<640x128xf32>
    %mul3A_15 = arith.mulf %dot_general3A_13, %mul3A : vector<640x128xf32>
    %swap3A_16 = arith.constant 0 : index
    %swap3A_17 = arith.constant 0 : index
    %swap3A_18 = vector.load %arg4[%swap3A_16, %swap3A_17] : memref<640x128xf32, #tpu.memory_space<vmem>>, vector<640x128xf32>
    tpu.vector_store %arg4[%swap3A_16, %swap3A_17], %mul3A_15 {strides = array<i32>} : memref<640x128xf32, #tpu.memory_space<vmem>>, vector<640x128xf32>,
    return
  }
  func.func @transform_0(%arg0: i32) -> (i32, i32) {
    %c0_i32 = arith.constant 0 : i32
    %c0_i32_0 = arith.constant 0 : i32
    return %arg0, %c0_i32 : i32, i32
  }
  func.func @transform_1(%arg0: i32) -> (i32, i32) {
    %c0_i32 = arith.constant 0 : i32
    %c0_i32_0 = arith.constant 0 : i32
    %c0_i32_1 = arith.constant 0 : i32
    return %c0_i32, %c0_i32_0 : i32, i32
  }
  func.func @transform_2(%arg0: i32) -> (i32, i32) {
    %c0_i32 = arith.constant 0 : i32
    %c0_i32_0 = arith.constant 0 : i32
    return %c0_i32, %arg0 : i32, i32
  }
  func.func @transform_3(%arg0: i32) -> (i32, i32) {
    %c0_i32 = arith.constant 0 : i32
    %c0_i32_0 = arith.constant 0 : i32
    return %arg0, %c0_i32 : i32, i32
  }
  func.func @transform_4(%arg0: i32) -> (i32, i32) {
    %c0_i32 = arith.constant 0 : i32
    %c0_i32_0 = arith.constant 0 : i32
    return %arg0, %c0_i32 : i32, i32
  }
}

module attributes {stable_mosaic.version = 14 : i64} {
  func.func @_tc2_body(%arg0: i32, %arg1: memref<2x400x128xf32, #tpu.memory_space<vmem>>, %arg2: memref<400x128xf32, #tpu.memory_space<vmem>>, %arg3: memref<400x1xf32, #tpu.memory_space<vmem>>, %arg4: memref<128x128xf32, #tpu.memory_space<vmem>>, %arg5: memref<1x128xf32, #tpu.memory_space<vmem>>, %arg6: memref<400x128xf32, #tpu.memory_space<vmem>>, %arg7: memref<400x128xf32, #tpu.memory_space<vmem>>) attributes {dimension_semantics = [#tpu.dimension_semantics<arbitrary>], iteration_bounds = array<i64: 25>, scalar_prefetch = 0 : i64, scratch_operands = 0 : i64, tpu.core_type = #tpu.core_type<tc>, window_params = [{transform_indices = @transform_0, window_bounds = array<i64: 2, 400, 128>}, {transform_indices = @transform_1, window_bounds = array<i64: 400, 128>}, {transform_indices = @transform_2, window_bounds = array<i64: 400, 1>}, {pipeline_mode = #tpu.pipeline_mode<synchronous>, transform_indices = @transform_3, window_bounds = array<i64: 128, 128>}, {pipeline_mode = #tpu.pipeline_mode<synchronous>, transform_indices = @transform_4, window_bounds = array<i64: 1, 128>}, {transform_indices = @transform_5, window_bounds = array<i64: 400, 128>}, {transform_indices = @transform_6, window_bounds = array<i64: 400, 128>}]} {
    %get3A = arith.constant 0 : index
    %get3A_0 = arith.constant 0 : index
    %get3A_1 = vector.load %arg3[%get3A, %get3A_0] : memref<400x1xf32, #tpu.memory_space<vmem>>, vector<400x1xf32>
    %get3A_2 = arith.constant 0 : index
    %get3A_3 = arith.constant 0 : index
    %get3A_4 = arith.constant 0 : index
    %get3A_5 = vector.load %arg1[%get3A_2, %get3A_3, %get3A_4] : memref<2x400x128xf32, #tpu.memory_space<vmem>>, vector<1x400x128xf32>
    %get3A_6 = vector.shape_cast %get3A_5 : vector<1x400x128xf32> to vector<400x128xf32>
    %get3A_7 = arith.constant 1 : index
    %get3A_8 = arith.constant 0 : index
    %get3A_9 = arith.constant 0 : index
    %get3A_10 = vector.load %arg1[%get3A_7, %get3A_8, %get3A_9] : memref<2x400x128xf32, #tpu.memory_space<vmem>>, vector<1x400x128xf32>
    %get3A_11 = vector.shape_cast %get3A_10 : vector<1x400x128xf32> to vector<400x128xf32>
    %add3A = arith.addf %get3A_6, %get3A_11 : vector<400x128xf32>
    %get3A_12 = arith.constant 0 : index
    %get3A_13 = arith.constant 0 : index
    %get3A_14 = vector.load %arg2[%get3A_12, %get3A_13] : memref<400x128xf32, #tpu.memory_space<vmem>>, vector<400x128xf32>
    %add3A_15 = arith.addf %add3A, %get3A_14 : vector<400x128xf32>
    %mul3A = vector.broadcast %get3A_1 : vector<400x1xf32> to vector<400x128xf32>
    %mul3A_16 = arith.mulf %add3A_15, %mul3A : vector<400x128xf32>
    %get3A_17 = arith.constant 0 : index
    %get3A_18 = arith.constant 0 : index
    %get3A_19 = vector.load %arg5[%get3A_17, %get3A_18] : memref<1x128xf32, #tpu.memory_space<vmem>>, vector<1x128xf32>
    %add3A_20 = vector.broadcast %get3A_19 : vector<1x128xf32> to vector<400x128xf32>
    %add3A_21 = arith.addf %mul3A_16, %add3A_20 : vector<400x128xf32>
    %logistic3A = arith.negf %add3A_21 : vector<400x128xf32>
    %logistic3A_22 = math.exp %logistic3A : vector<400x128xf32>
    %logistic3A_23 = arith.constant 1.000000e+00 : f32
    %logistic3A_24 = vector.broadcast %logistic3A_23 : f32 to vector<400x128xf32>
    %logistic3A_25 = arith.addf %logistic3A_24, %logistic3A_22 : vector<400x128xf32>
    %logistic3A_26 = arith.divf %logistic3A_24, %logistic3A_25 : vector<400x128xf32>
    %swap3A = arith.constant 0 : index
    %swap3A_27 = arith.constant 0 : index
    %swap3A_28 = vector.load %arg6[%swap3A, %swap3A_27] : memref<400x128xf32, #tpu.memory_space<vmem>>, vector<400x128xf32>
    tpu.vector_store %arg6[%swap3A, %swap3A_27], %logistic3A_26 {strides = array<i32>} : memref<400x128xf32, #tpu.memory_space<vmem>>, vector<400x128xf32>,
    %get3A_29 = arith.constant 0 : index
    %get3A_30 = arith.constant 0 : index
    %get3A_31 = vector.load %arg4[%get3A_29, %get3A_30] : memref<128x128xf32, #tpu.memory_space<vmem>>, vector<128x128xf32>
    %dot_general3A = arith.constant dense<0.000000e+00> : vector<400x128xf32>
    %dot_general3A_32 = tpu.matmul %logistic3A_26, %get3A_31, %dot_general3A {dimension_numbers = #tpu.dot_dimension_numbers<[1], [0], [0], [1], [0, 0, 1, 1], [], []>, transpose_lhs_hint = false} : vector<400x128xf32>, vector<128x128xf32>, vector<400x128xf32> -> vector<400x128xf32>
    %mul3A_33 = vector.broadcast %get3A_1 : vector<400x1xf32> to vector<400x128xf32>
    %mul3A_34 = arith.mulf %dot_general3A_32, %mul3A_33 : vector<400x128xf32>
    %swap3A_35 = arith.constant 0 : index
    %swap3A_36 = arith.constant 0 : index
    %swap3A_37 = vector.load %arg7[%swap3A_35, %swap3A_36] : memref<400x128xf32, #tpu.memory_space<vmem>>, vector<400x128xf32>
    tpu.vector_store %arg7[%swap3A_35, %swap3A_36], %mul3A_34 {strides = array<i32>} : memref<400x128xf32, #tpu.memory_space<vmem>>, vector<400x128xf32>,
    return
  }
  func.func @transform_0(%arg0: i32) -> (i32, i32, i32) {
    %c0_i32 = arith.constant 0 : i32
    %c0_i32_0 = arith.constant 0 : i32
    %c0_i32_1 = arith.constant 0 : i32
    return %c0_i32, %arg0, %c0_i32_0 : i32, i32, i32
  }
  func.func @transform_1(%arg0: i32) -> (i32, i32) {
    %c0_i32 = arith.constant 0 : i32
    %c0_i32_0 = arith.constant 0 : i32
    return %arg0, %c0_i32 : i32, i32
  }
  func.func @transform_2(%arg0: i32) -> (i32, i32) {
    %c0_i32 = arith.constant 0 : i32
    %c0_i32_0 = arith.constant 0 : i32
    return %arg0, %c0_i32 : i32, i32
  }
  func.func @transform_3(%arg0: i32) -> (i32, i32) {
    %c0_i32 = arith.constant 0 : i32
    %c0_i32_0 = arith.constant 0 : i32
    %c0_i32_1 = arith.constant 0 : i32
    return %c0_i32, %c0_i32_0 : i32, i32
  }
  func.func @transform_4(%arg0: i32) -> (i32, i32) {
    %c0_i32 = arith.constant 0 : i32
    %c0_i32_0 = arith.constant 0 : i32
    %c0_i32_1 = arith.constant 0 : i32
    return %c0_i32, %c0_i32_0 : i32, i32
  }
  func.func @transform_5(%arg0: i32) -> (i32, i32) {
    %c0_i32 = arith.constant 0 : i32
    %c0_i32_0 = arith.constant 0 : i32
    return %arg0, %c0_i32 : i32, i32
  }
  func.func @transform_6(%arg0: i32) -> (i32, i32) {
    %c0_i32 = arith.constant 0 : i32
    %c0_i32_0 = arith.constant 0 : i32
    return %arg0, %c0_i32 : i32, i32
  }
}

module attributes {stable_mosaic.version = 14 : i64} {
  func.func @_tc3_body(%arg0: i32, %arg1: memref<2x400x128xf32, #tpu.memory_space<vmem>>, %arg2: memref<400x128xf32, #tpu.memory_space<vmem>>, %arg3: memref<400x1xf32, #tpu.memory_space<vmem>>, %arg4: memref<1x128xf32, #tpu.memory_space<vmem>>, %arg5: memref<10000x256xf32, #tpu.memory_space<any>>, %arg6: memref<400x128xf32, #tpu.memory_space<vmem>>) attributes {dimension_semantics = [#tpu.dimension_semantics<arbitrary>], iteration_bounds = array<i64: 25>, scalar_prefetch = 0 : i64, scratch_operands = 0 : i64, tpu.core_type = #tpu.core_type<tc>, window_params = [{transform_indices = @transform_0, window_bounds = array<i64: 2, 400, 128>}, {transform_indices = @transform_1, window_bounds = array<i64: 400, 128>}, {transform_indices = @transform_2, window_bounds = array<i64: 400, 1>}, {pipeline_mode = #tpu.pipeline_mode<synchronous>, transform_indices = @transform_3, window_bounds = array<i64: 1, 128>}, {}, {transform_indices = @transform_5, window_bounds = array<i64: 400, 128>}]} {
    %get3A = arith.constant 0 : index
    %get3A_0 = arith.constant 0 : index
    %get3A_1 = vector.load %arg3[%get3A, %get3A_0] : memref<400x1xf32, #tpu.memory_space<vmem>>, vector<400x1xf32>
    %get3A_2 = arith.constant 0 : index
    %get3A_3 = arith.constant 0 : index
    %get3A_4 = arith.constant 0 : index
    %get3A_5 = vector.load %arg1[%get3A_2, %get3A_3, %get3A_4] : memref<2x400x128xf32, #tpu.memory_space<vmem>>, vector<1x400x128xf32>
    %get3A_6 = vector.shape_cast %get3A_5 : vector<1x400x128xf32> to vector<400x128xf32>
    %get3A_7 = arith.constant 1 : index
    %get3A_8 = arith.constant 0 : index
    %get3A_9 = arith.constant 0 : index
    %get3A_10 = vector.load %arg1[%get3A_7, %get3A_8, %get3A_9] : memref<2x400x128xf32, #tpu.memory_space<vmem>>, vector<1x400x128xf32>
    %get3A_11 = vector.shape_cast %get3A_10 : vector<1x400x128xf32> to vector<400x128xf32>
    %add3A = arith.addf %get3A_6, %get3A_11 : vector<400x128xf32>
    %get3A_12 = arith.constant 0 : index
    %get3A_13 = arith.constant 0 : index
    %get3A_14 = vector.load %arg2[%get3A_12, %get3A_13] : memref<400x128xf32, #tpu.memory_space<vmem>>, vector<400x128xf32>
    %add3A_15 = arith.addf %add3A, %get3A_14 : vector<400x128xf32>
    %mul3A = vector.broadcast %get3A_1 : vector<400x1xf32> to vector<400x128xf32>
    %mul3A_16 = arith.mulf %add3A_15, %mul3A : vector<400x128xf32>
    %get3A_17 = arith.constant 0 : index
    %get3A_18 = arith.constant 0 : index
    %get3A_19 = vector.load %arg4[%get3A_17, %get3A_18] : memref<1x128xf32, #tpu.memory_space<vmem>>, vector<1x128xf32>
    %add3A_20 = vector.broadcast %get3A_19 : vector<1x128xf32> to vector<400x128xf32>
    %add3A_21 = arith.addf %mul3A_16, %add3A_20 : vector<400x128xf32>
    %max3A = arith.constant 0.000000e+00 : f32
    %max3A_22 = vector.broadcast %max3A : f32 to vector<400x128xf32>
    %max3A_23 = arith.maximumf %add3A_21, %max3A_22 : vector<400x128xf32>
    %swap3A = arith.constant 0 : index
    %swap3A_24 = arith.constant 0 : index
    %swap3A_25 = vector.load %arg6[%swap3A, %swap3A_24] : memref<400x128xf32, #tpu.memory_space<vmem>>, vector<400x128xf32>
    tpu.vector_store %arg6[%swap3A, %swap3A_24], %max3A_23 {strides = array<i32>} : memref<400x128xf32, #tpu.memory_space<vmem>>, vector<400x128xf32>,
    return
  }
  func.func @transform_0(%arg0: i32) -> (i32, i32, i32) {
    %c0_i32 = arith.constant 0 : i32
    %c0_i32_0 = arith.constant 0 : i32
    %c0_i32_1 = arith.constant 0 : i32
    return %c0_i32, %arg0, %c0_i32_0 : i32, i32, i32
  }
  func.func @transform_1(%arg0: i32) -> (i32, i32) {
    %c0_i32 = arith.constant 0 : i32
    %c0_i32_0 = arith.constant 0 : i32
    return %arg0, %c0_i32 : i32, i32
  }
  func.func @transform_2(%arg0: i32) -> (i32, i32) {
    %c0_i32 = arith.constant 0 : i32
    %c0_i32_0 = arith.constant 0 : i32
    return %arg0, %c0_i32 : i32, i32
  }
  func.func @transform_3(%arg0: i32) -> (i32, i32) {
    %c0_i32 = arith.constant 0 : i32
    %c0_i32_0 = arith.constant 0 : i32
    %c0_i32_1 = arith.constant 0 : i32
    return %c0_i32, %c0_i32_0 : i32, i32
  }
  func.func @transform_5(%arg0: i32) -> (i32, i32) {
    %c1_i32 = arith.constant 1 : i32
    %c0_i32 = arith.constant 0 : i32
    return %arg0, %c1_i32 : i32, i32
  }
}

</mosaic_0001>

<sc_bundles>
// kernel: kernel.11.cloned.1.call-start
scs
__scs_entry_jumppad:
0x0: {  	(pc) =	sbr.rel $0x88, $3  }
0x1: {  	(tag) =	ssettag $0x0;
	lr =	simm.s32 $0x1  }
0x2: {  	[smem:$0x3F9B] =	sst lr;
	_ =	strace $0xD0000000  }
0x3: {  	_ = 	snop  }
0x4: {  	_ = 	snop  }
0x5: {  	_ = 	snop  }
0x6: {  	_ = 	snop  }
0x7: {  	_ = 	snop  }
__scs_overlays_trampoline_lowered:
0x8: {  	[smem:$0x3FAA] =	sst s0  }
0x9: {  	[smem:$0x3FAB] =	sst s1  }
0xa: {  	[smem:$0x3FAC] =	sst s2  }
0xb: {  	[smem:$0x3FAD] =	sst s3  }
0xc: {  	[smem:$0x3FAE] =	sst s4  }
0xd: {  	[smem:$0x3FAF] =	sst s5  }
0xe: {  	[smem:$0x3FB0] =	sst s6  }
0xf: {  	[smem:$0x3FB1] =	sst s7  }
0x10: {  	[smem:$0x3FB2] =	sst s8  }
0x11: {  	[smem:$0x3FB3] =	sst s9;
	s0 =	simm.s32 @!p0 $0x0  }
0x12: {  	s1 =	sld [smem:$0x3F99];
	s0 =	simm.s32 @p0 $0x1  }
0x13: {  	[smem:$0x3FB4] =	sst s0;
	s0 =	simm.s32 @!p1 $0x0  }
0x14: {  	s2 =	sld [smem:$0x3F98];
	s0 =	simm.s32 @p1 $0x1  }
0x15: {  	[smem:$0x3FB5] =	sst s0;
	s0 =	simm.s32 @!p2 $0x0  }
0x16: {  	s3 =	sld [smem:$0x3FDB];
	s0 =	simm.s32 @p2 $0x1  }
0x17: {  	s4 =	simm.s32 $0x1BF5;
	[smem:$0x3FB7] =	sst s0  }
0x18: {  	s0 =	sld [smem:$0x3F9A];
	_ =	swait.ge [sflag:s4], $0x0  }
0x19: {  	s7 =	sld [smem:$0x3F9B]  }
0x1a: {  	s8 =	sadd.s32 $0xFFFFE003, lr  }
0x1b: {  	s9 =	sadd.s32 $0xFFFFFEF7, lr;
	s5 =	simm.s32 $0xFFFFFFFF;
	p2 =	slt.u32 s8, $0xFFFFF086  }
0x1c: {  	p1 =	slt.u32 s9, $0xF7A;
	s5 =	simm.s32 @!p2 $0x0  }
0x1d: {  	s5 =	simm.s32 @p1 $0x1;
	p0 =	seq.s32 s7, s2  }
0x1e: {  	s7 =	smul.u32 @!p0 $0xF7A, s2;
	p2 =	seq.s32 @!p0 s5, $0x0  }
0x1f: {  	s9 =	smul.u32 $0xF7A, s1;
	s8 =	simm.s32 @!p0 $0x1BF5;
	p2 =	por !p2, p0  }
0x20: {  	[sflag:s8] =	ssyncset.s32 @!p0 $0xFFFFF086;
	s6 =	sadd.s32 @!p0 s3, s7;
	s7 =	simm.s32 @!p0 $0x108  }
0x21: {  	s3 =	sadd.s32 s3, s9;
	s6 =	sadd.s32 @!p0 $0x88, s6;
	s7 =	simm.s32 @p2 $0x1082  }
0x22: {  	[simem:s7], [sflag:s8] =	dma.local @!p0 [hbm:s6], $0xF7A  }
0x23: {  	s9 =	sor.u32 $0xD0000000, s2;
	s6 =	simm.s32 $0x108;
	_ =	swait.ge @!p0 [sflag:s8], $0x0  }
0x24: {  	s3 =	sadd.s32 $0x88, s3;
	s6 =	simm.s32 @!p1 $0x1082;
	[sflag:s4] =	ssyncset.s32 $0xFFFFF086  }
0x25: {  	[simem:s6], [sflag:s4] =	dma.local [hbm:s3], $0xF7A  }
0x26: {  	[smem:$0x3F9B] =	sst s1;
	(tag) =	ssettag s2;
	_ =	strace s9  }
0x27: {  	s1 =	sld [smem:$0x3FAB]  }
0x28: {  	s2 =	sld [smem:$0x3FAC]  }
0x29: {  	s4 =	sld [smem:$0x3FAE]  }
0x2a: {  	p0 =	seq.s32 s5, $0x0;
	s5 =	sld [smem:$0x3FAF]  }
0x2b: {  	s6 =	sld [smem:$0x3FB0]  }
0x2c: {  	s7 =	sld [smem:$0x3FB1]  }
0x2d: {  	s3 =	simm.s32 $0x108;
	s8 =	sld [smem:$0x3FB2]  }
0x2e: {  	s3 =	simm.s32 @!p0 $0x1082;
	s9 =	sld [smem:$0x3FB3]  }
0x2f: {  	lr =	sadd.s32 s0, s3;
	s0 =	sld [smem:$0x3FAA]  }
0x30: {  	s3 =	sld [smem:$0x3FAD]  }
0x31: {  	[smem:$0x3FB6] =	sst s10  }
0x32: {  	s10 =	sld [smem:$0x3FB4];
	_ =	sdelay $0x3  }
0x33: {  	p0 =	seq.s32 s10, $0x1;
	s10 =	sld [smem:$0x3FB6];
	_ =	sdelay $0x3  }
0x34: {  	[smem:$0x3FB6] =	sst s10  }
0x35: {  	s10 =	sld [smem:$0x3FB5];
	_ =	sdelay $0x3  }
0x36: {  	p1 =	seq.s32 s10, $0x1;
	s10 =	sld [smem:$0x3FB6];
	_ =	sdelay $0x3  }
0x37: {  	[smem:$0x3FB6] =	sst s10  }
0x38: {  	s10 =	sld [smem:$0x3FB7]  }
0x39: {  	_ = 	snop;
	(pc) =	sbr.ind lr, $3  }
0x3a: {  	_ = 	snop  }
0x3b: {  	_ = 	snop  }
0x3c: {  	p2 =	seq.s32 s10, $0x1;
	s10 =	sld [smem:$0x3FB6]  }
0x3d: {  	_ =	shalt  }
0x3e: {  	_ =	shalt  }
0x3f: {  	_ =	shalt  }
0x40: {  	_ =	shalt  }
0x41: {  	_ =	shalt  }
0x42: {  	_ =	shalt  }
0x43: {  	_ =	shalt  }
0x44: {  	_ =	shalt  }
0x45: {  	_ =	shalt  }
0x46: {  	_ =	shalt  }
0x47: {  	_ =	shalt  }
0x48: {  	_ =	shalt  }
0x49: {  	_ =	shalt  }
0x4a: {  	_ =	shalt  }
0x4b: {  	_ =	shalt  }
0x4c: {  	_ =	shalt  }
0x4d: {  	_ =	shalt  }
0x4e: {  	_ =	shalt  }
0x4f: {  	_ =	shalt  }
0x50: {  	_ =	shalt  }
0x51: {  	_ =	shalt  }
0x52: {  	_ =	shalt  }
0x53: {  	_ =	shalt  }
0x54: {  	_ =	shalt  }
0x55: {  	_ =	shalt  }
0x56: {  	_ =	shalt  }
0x57: {  	_ =	shalt  }
0x58: {  	_ =	shalt  }
0x59: {  	_ =	shalt  }
0x5a: {  	_ =	shalt  }
0x5b: {  	_ =	shalt  }
0x5c: {  	_ =	shalt  }
0x5d: {  	_ =	shalt  }
0x5e: {  	_ =	shalt  }
0x5f: {  	_ =	shalt  }
0x60: {  	_ =	shalt  }
0x61: {  	_ =	shalt  }
0x62: {  	_ =	shalt  }
0x63: {  	_ =	shalt  }
0x64: {  	_ =	shalt  }
0x65: {  	_ =	shalt  }
0x66: {  	_ =	shalt  }
0x67: {  	_ =	shalt  }
0x68: {  	_ =	shalt  }
0x69: {  	_ =	shalt  }
0x6a: {  	_ =	shalt  }
0x6b: {  	_ =	shalt  }
0x6c: {  	_ =	shalt  }
0x6d: {  	_ =	shalt  }
0x6e: {  	_ =	shalt  }
0x6f: {  	_ =	shalt  }
0x70: {  	_ =	shalt  }
0x71: {  	_ =	shalt  }
0x72: {  	_ =	shalt  }
0x73: {  	_ =	shalt  }
0x74: {  	_ =	shalt  }
0x75: {  	_ =	shalt  }
0x76: {  	_ =	shalt  }
0x77: {  	_ =	shalt  }
0x78: {  	_ =	shalt  }
0x79: {  	_ =	shalt  }
0x7a: {  	_ =	shalt  }
0x7b: {  	_ =	shalt  }
0x7c: {  	_ =	shalt  }
0x7d: {  	_ =	shalt  }
0x7e: {  	_ =	shalt  }
0x7f: {  	_ =	shalt  }
0x80: {  	_ =	shalt  }
0x81: {  	_ =	shalt  }
0x82: {  	_ =	shalt  }
0x83: {  	_ =	shalt  }
0x84: {  	_ =	shalt  }
0x85: {  	_ =	shalt  }
0x86: {  	_ =	shalt  }
0x87: {  	_ =	shalt  }
.Lfunc_end0:
.L_simem_size_0:
called_computation.1_lowered:
.L_overlay_start_0:
0x88: {  	s2 =	sld [smem:$0x3FD9]  }
0x89: {  	s3 =	sld [smem:$0x3FFE];
	_ =	sdelay $0x1  }
0x8a: {  	s1 =	srdreg.scid  }
0x8b: {  	s0 =	sand.u32 $0x1, s1  }
0x8c: {  	s17 =	sshll.u32 s0, $0xA;
	s2 =	sadd.s32 s3, s2  }
0x8d: {  	s2 =	sadd.s32 s2, s17  }
0x8e: {  	[smem:$0x3FC2] =	sst s2  }
0x8f: {  	_ = 	snop  }
0x90: {  	s2 =	sld [smem:$0x3FD0];
	(tm) =	ssettm $0x1  }
0x91: {  	s18 =	sld [smem:$0x3FFB];
	_ =	sdelay $0x3  }
0x92: {  	_ =	strace s18  }
0x93: {  	s3 =	sld [smem:$0x3FFC];
	_ =	sdelay $0x3  }
0x94: {  	_ =	strace s3  }
0x95: {  	s3 =	sld [smem:$0x3FFD];
	_ =	sdelay $0x3  }
0x96: {  	_ =	strace s3  }
0x97: {  	_ =	strace $0x8FFFFFFF  }
0x98: {  	s19 =	sld [smem:$0x3FDB];
	_ =	sdelay $0x1  }
0x99: {  	s4 =	simm.s32 $_scs_section_size  }
0x9a: {  	s5 =	simm.s32 $_size__tile_overlayer_lowered;
	s6 =	simm.s32 $_tile_overlayer_lowered  }
0x9b: {  	s22 =	simm.s32 $0x1BFF;
	s21 =	sshll.u32 s6, $0x1;
	s3 =	sadd.s32 s4, s19  }
0x9c: {  	s7 =	simm.s32 $0x0;
	s20 =	sshll.u32 s5, $0x1;
	s5 =	sadd.s32 s21, s3  }
0x9d: {  	[timem:s7], [sflag:s22] =	dma.local [hbm:s5], s20  }
0x9e: {  	_ =	swait.ge [sflag:s22], s20  }
0x9f: {  	s4 =	ssub.s32 $0x0, s20;
	[sflag:s22] =	ssyncset.done $0x0  }
0xa0: {  	[sflag:s22] =	ssyncadd.s32 s4;
	_ =	sdelay $0x1  }
0xa1: {  	s23 =	simm.s32 $0x1B8B  }
0xa2: {  	_ =	swait.ge [sflag:s23], $0x1  }
0xa3: {  	[sflag:s23] =	ssyncset.done $0x0  }
0xa4: {  	s25 =	simm.s32 $0x1B8E;
	s24 =	sld [smem:$0x3FFE];
	[sflag:s23] =	ssyncadd.s32 $0xFFFFFFFF  }
0xa5: {  	s26 =	simm.s32 $execute0_lowered;
	[smem:$0x3FD2] =	sst s25  }
0xa6: {  	s5 =	sshll.u32 s26, $0x1;
	_ =	strace $0x80000049;
	[dreg:$0x1] =	wrdreg $0xFFFFFFFF  }
0xa7: {  	s28 =	simm.s32 $_size_execute0_lowered;
	s3 =	sadd.s32 s3, s5;
	[dreg:$0x0] =	wrdreg $0x0  }
0xa8: {  	s5 =	sshll.u32 s28, $0x1;
	[dreg:$0x2] =	wrdreg s3  }
0xa9: {  	[dreg:$0x3] =	wrdreg s5  }
0xaa: {  	[dreg:$0x4] =	wrdreg $0xC0  }
0xab: {  	_ =	task [dreg:s7], $0x5FFFF  }
0xac: {  	[dreg:$0x1] =	wrdreg $0xFFFFFFFF  }
0xad: {  	[dreg:$0x0] =	wrdreg $0x60  }
0xae: {  	[dreg:$0x2] =	wrdreg s2  }
0xaf: {  	[dreg:$0x3] =	wrdreg s24  }
0xb0: {  	[dreg:$0x4] =	wrdreg $0xBC000  }
0xb1: {  	[dreg:$0x5] =	wrdreg $0x9  }
0xb2: {  	_ =	task.clear_ibuf [dreg:s7], $0x6FFFF;
	_ =	strace $0x90000049  }
0xb3: {  	s29 =	simm.s32 $0x9;
	_ =	strace $0x8000004B  }
0xb4: {  	_ =	swait.ge [sflag:s29], $0x1  }
0xb5: {  	[sflag:s29] =	ssyncadd.s32 $0xFFFFFFFF  }
0xb6: {  	_ =	strace $0x9000004B  }
0xb7: {  	_ =	sfence  }
0xb8: {  	s30 =	sld [smem:$0x0];
	_ =	sdelay $0x2  }
0xb9: {  	s31 =	sshll.u32 s1, $0xD;
	s1 =	sshrl.u32 s1, $0x2  }
0xba: {  	s3 =	sand.u32 $0x4000, s31;
	s1 =	sadd.s32 s1, s30  }
0xbb: {  	s0 =	sor.u32 s3, s0;
	s1 =	sshll.u32 s1, $0x11  }
0xbc: {  	s0 =	sor.u32 s1, s0  }
0xbd: {  	s0 =	sadd.s32 $0x8F2B, s0  }
0xbe: {  	[sflag:s0] =	ssyncadd.remote.s32 $0x1  }
0xbf: {  	_ =	sfence.sel $0xFFFF  }
0xc0: {  	[dreg:$0x0] =	wrdreg $0xFFFFFFFF;
	(pc) =	sbr.abs _section_cstart, $3  }
0xc1: {  	[dreg:$0x1] =	wrdreg $0xFFFFFFFF  }
0xc2: {  	_ =	task.clear_ibuf [dreg:s7], $0x2FFFF;
	_ =	strace $0x9FFFFFFF  }
0xc3: {  	(tm) =	ssettm $0x7FFFFFFF  }
tec
execute0_lowered:
.L_overlay_start_1:
0x0: {  	(tag) =	ssettag $0x1  }
0x1: {  	s0 =	rddreg [dreg:$0x0]  }
0x2: {  	s1 =	srdreg.scid;
	s5 =	rddreg [dreg:$0x1]  }
0x3: {  	s3 =	rddreg [dreg:$0x2];
	s2 =	stileid.u32  }
0x4: {  	s4 =	simm.s32 $0x0;
	s17 =	simm.s32 $0x3;
	s18 =	simm.s32 $0x1400  }
0x5: {  	s19 =	simm.s32 $0x80;
	s20 =	simm.s32 $0x3C00;
	s21 =	simm.s32 $0x7C00  }
0x6: {  	s22 =	simm.s32 $0x1;
	s23 =	simm.s32 $0x2;
	s24 =	simm.s32 $0x1380  }
0x7: {  	s26 =	simm.s32 $0x3B00;
	s28 =	simm.s32 $0x3B80;
	s29 =	simm.s32 $0x0  }
0x8: {  	s1 =	sand.u32 $0x1, s1;
	[smem:$0x7FF] =	sst s4;
	s9 =	smul.u32 $0x50000, s2  }
0x9: {  	v0 =	vlaneseq.u32;
	s14 =	sadd.s32 $0x16200, s5;
	s12 =	smul.u32 $0x14000, s2;
	p0 =	seq.s32 s2, $0xF  }
0xa: {  	v1 =	vimm.f32 $0.0e+00;
	v2 =	vor.u32 $0x2710, v0;
	v3 =	vor.u32 $0x10, v0;
	s6 =	sshll.u32 s1, $0x4;
	_ =	strace $0x8000004A;
	s7 =	ssub.s32 $0x2, s1  }
0xb: {  	v4 =	vor.u32 $0x2720, v0;
	v5 =	vor.u32 $0x20, v0;
	v6 =	vor.u32 $0x2730, v0;
	s1 =	smul.u32 $0x138800, s1;
	s6 =	sor.u32 s2, s6;
	s8 =	sshrl.u32 s7, $0x1  }
0xc: {  	v7 =	vor.u32 $0x30, v0;
	v8 =	vor.u32 $0x2740, v0;
	v9 =	vor.u32 $0x40, v0;
	s31 =	sshrl.u32 s9, $0x2;
	s6 =	smul.u32 $0x2710, s6;
	s16 =	ssub.s32 s7, s8  }
0xd: {  	v10 =	vor.u32 $0x2750, v0;
	v11 =	vor.u32 $0x50, v0;
	v12 =	vor.u32 $0x2760, v0;
	s7 =	sadd.s32 s31, s3;
	s15 =	sadd.s32 s12, s1;
	s1 =	sshrl.u32 s1, $0x3  }
0xe: {  	v13 =	vor.u32 $0x60, v0;
	v14 =	vor.u32 $0x2770, v0;
	v15 =	vor.u32 $0x70, v0;
	s8 =	sadd.s32 $0x4000, s7;
	s9 =	sadd.s32 $0x8000, s7;
	s10 =	sadd.s32 $0xC000, s7  }
0xf: {  	v16 =	vor.u32 $0x2780, v0;
	v17 =	vor.u32 $0x80, v0;
	v18 =	vor.u32 $0x2790, v0;
	s11 =	sadd.s32 $0x10000, s7;
	s15 =	sshrl.u32 s15, $0x3;
	s1 =	sadd.s32 s14, s1  }
0x10: {  	v19 =	vor.u32 $0x90, v0;
	v20 =	vor.u32 $0x27A0, v0;
	v21 =	vor.u32 $0xA0, v0;
	s16 =	smax.u32 s16, $0x1;
	s6 =	sshrl.u32 s6, $0x3;
	s14 =	sadd.s32 s14, s15  }
0x11: {  	v22 =	vor.u32 $0x27B0, v0;
	v23 =	vor.u32 $0xB0, v0;
	v24 =	vor.u32 $0x27C0, v0;
	s15 =	sadd.s32 $0x25800, s1;
	s1 =	sadd.s32 $0x12C000, s3;
	s13 =	sadd.s32 s6, s5  }
0x12: {  	v25 =	vor.u32 $0xC0, v0;
	v26 =	vor.u32 $0x27D0, v0;
	v27 =	vor.u32 $0xD0, v0;
	s25 =	sshrl.u32 @p0 s1, $0x3;
	s30 =	sadd.s32 $0x2800, s13;
	s6 =	sadd.s32 $0xC440, s13  }
0x13: {  	v28 =	vor.u32 $0x27E0, v0;
	v29 =	vor.u32 $0xE0, v0;
	v30 =	vor.u32 $0x27F0, v0;
	s12 =	sadd.s32 $0x2A80, s13;
	s13 =	sadd.s32 $0xC6C0, s13;
	[dreg:$0x4] =	wrdreg s30  }
.LBB2_1:
0x14: {  	s1 =	rddreg [dreg:$0x4]  }
0x15: {  	[tilespmem:s4], [sflag:$0x3] =	stream.linear.gather [hbm4b:s1+s4], $0x1400, $0x38;
	[tilespmem:$0x1FC00] =	vst v63  }
0x16: {  	_ =	swait.ge [sflag:s17], $0x1400  }
0x17: {  	[sflag:s17] =	ssyncset.done $0x0  }
0x18: {  	[sflag:s17] =	ssyncadd.s32 $0xFFFFEC00  }
0x19: {  	[tilespmem:s18], [sflag:$0x3] =	stream.linear.gather [hbm4b:s6+s4], $0x1400, $0x38;
	[tilespmem:$0x1FC00] =	vst v63  }
0x1a: {  	_ =	swait.ge [sflag:s17], $0x1400  }
0x1b: {  	[sflag:s17] =	ssyncset.done $0x0  }
0x1c: {  	s30 =	simm.s32 $0x0;
	[sflag:s17] =	ssyncadd.s32 $0xFFFFEC00  }
0x1d: {  	[tilespmem:s20], [sflag:$0x1] =	stream.indirect.gather [hbm4b:s0+s19], $0x80, s4, s19, $0xb8;
	[tilespmem:$0x1FC00] =	vst v63  }
0x1e: {  	v34 =	vld [tilespmem:s30+$0x1470]  }
0x1f: {  	v35 =	vld [tilespmem:s30+$0x1400]  }
0x20: {  	v36 =	vld [tilespmem:s30+$0x1410]  }
0x21: {  	v33 =	vld [tilespmem:s30+$0x1420]  }
0x22: {  	v31 =	vld [tilespmem:s30+$0x1430]  }
0x23: {  	v32 =	vld [tilespmem:s30+$0x1440];
	[tilespmem:s30+$0x2870] =	vst v34  }
0x24: {  	[tilespmem:s30+$0x2800] =	vst v35;
	v34 =	vld [tilespmem:s30+$0x1450]  }
0x25: {  	s31 =	simm.s32 $0x80;
	s1 =	simm.s32 $0x400;
	[tilespmem:s30+$0x2810] =	vst v36;
	v35 =	vld [tilespmem:s30+$0x1460]  }
.LBB2_2:
0x26: {  	p1 =	sne.s32 s1, $0x4E00;
	v36 =	vld [tilespmem:s31+$0x1470];
	[tilespmem:s30+$0x2820] =	vst v33  }
0x27: {  	v37 =	vld [tilespmem:s31+$0x1400];
	[tilespmem:s30+$0x2830] =	vst v31  }
0x28: {  	v38 =	vld [tilespmem:s31+$0x1410];
	[tilespmem:s30+$0x2840] =	vst v32  }
.Ltmp0:
0x29: {  	v33 =	vld [tilespmem:s31+$0x1420];
	[tilespmem:s30+$0x2850] =	vst v34;
	(pc) =	sbr.rel @p1 .LBB2_2-.Ltmp0, $4  }
0x2a: {  	v31 =	vld [tilespmem:s31+$0x1430];
	[tilespmem:s30+$0x2860] =	vst v35;
	s30 =	smov.u32 s31  }
0x2b: {  	v32 =	vld [tilespmem:s30+$0x1440];
	[tilespmem:s30+$0x2870] =	vst v36  }
0x2c: {  	[tilespmem:s30+$0x2800] =	vst v37;
	v34 =	vld [tilespmem:s30+$0x1450]  }
0x2d: {  	s31 =	sshra.s32 s1, $0x2;
	s1 =	sadd.s32 $0x200, s1;
	[tilespmem:s30+$0x2810] =	vst v38;
	v35 =	vld [tilespmem:s30+$0x1460]  }
0x2e: {  	v36 =	vld [tilespmem:s31+$0x1470];
	[tilespmem:s30+$0x2820] =	vst v33  }
0x2f: {  	v33 =	vld [tilespmem:s31+$0x1400];
	[tilespmem:s30+$0x2830] =	vst v31  }
0x30: {  	v31 =	vld [tilespmem:s31+$0x1410];
	[tilespmem:s30+$0x2840] =	vst v32  }
0x31: {  	v32 =	vld [tilespmem:s31+$0x1420];
	[tilespmem:s30+$0x2850] =	vst v34  }
0x32: {  	v34 =	vld [tilespmem:s31+$0x1430];
	[tilespmem:s30+$0x2860] =	vst v35  }
0x33: {  	v35 =	vld [tilespmem:s31+$0x1440];
	[tilespmem:s31+$0x2870] =	vst v36  }
0x34: {  	v63 =	vld [tilespmem:s31+$0x1450];
	[tilespmem:s31+$0x2800] =	vst v33  }
0x35: {  	[tilespmem:s31+$0x2810] =	vst v31;
	v31 =	vld [tilespmem:s31+$0x1460]  }
0x36: {  	[tilespmem:s31+$0x2820] =	vst v32  }
0x37: {  	[tilespmem:s31+$0x2830] =	vst v34  }
0x38: {  	[tilespmem:s31+$0x2840] =	vst v35  }
0x39: {  	[tilespmem:s31+$0x2850] =	vst v63  }
0x3a: {  	s1 =	simm.s32 $0x0;
	s30 =	simm.s32 $0x200;
	[tilespmem:s31+$0x2860] =	vst v31  }
.LBB2_4:
0x3b: {  	p1 =	sne.s32 s30, $0xFE00;
	[tilespmem:s1+$0x7C70] =	vst v1  }
0x3c: {  	[tilespmem:s1+$0x7C00] =	vst v1  }
0x3d: {  	[tilespmem:s1+$0x7C10] =	vst v1  }
.Ltmp1:
0x3e: {  	[tilespmem:s1+$0x7C20] =	vst v1;
	(pc) =	sbr.rel @p1 .LBB2_4-.Ltmp1, $4  }
0x3f: {  	[tilespmem:s1+$0x7C30] =	vst v1  }
0x40: {  	[tilespmem:s1+$0x7C40] =	vst v1  }
0x41: {  	[tilespmem:s1+$0x7C50] =	vst v1  }
0x42: {  	[tilespmem:s1+$0x7C60] =	vst v1;
	s1 =	sshra.s32 s30, $0x2;
	s30 =	sadd.s32 $0x200, s30  }
0x43: {  	[tilespmem:s1+$0x7C70] =	vst v1  }
0x44: {  	[tilespmem:s1+$0x7C00] =	vst v1  }
0x45: {  	[tilespmem:s1+$0x7C10] =	vst v1  }
0x46: {  	[tilespmem:s1+$0x7C20] =	vst v1  }
0x47: {  	[tilespmem:s1+$0x7C30] =	vst v1  }
0x48: {  	[tilespmem:s1+$0x7C40] =	vst v1  }
0x49: {  	[tilespmem:s1+$0x7C50] =	vst v1  }
0x4a: {  	[tilespmem:s1+$0x7C60] =	vst v1  }
0x4b: {  	[spmem:s7] =	stream.linear.scatter [tilespmem:s21], [sflag:$0x3], $0x4000, $0x38;
	[tilespmem:$0x1FC00] =	vst v63  }
0x4c: {  	_ =	swait.ge [sflag:s17], $0x4000  }
0x4d: {  	[sflag:s17] =	ssyncset.done $0x0  }
0x4e: {  	[sflag:s17] =	ssyncadd.s32 $0xFFFFC000  }
0x4f: {  	[spmem:s8] =	stream.linear.scatter [tilespmem:s21], [sflag:$0x3], $0x4000, $0x38;
	[tilespmem:$0x1FC00] =	vst v63  }
0x50: {  	_ =	swait.ge [sflag:s17], $0x4000  }
0x51: {  	[sflag:s17] =	ssyncset.done $0x0  }
0x52: {  	[sflag:s17] =	ssyncadd.s32 $0xFFFFC000  }
0x53: {  	[spmem:s9] =	stream.linear.scatter [tilespmem:s21], [sflag:$0x3], $0x4000, $0x38;
	[tilespmem:$0x1FC00] =	vst v63  }
0x54: {  	_ =	swait.ge [sflag:s17], $0x4000  }
0x55: {  	[sflag:s17] =	ssyncset.done $0x0  }
0x56: {  	[sflag:s17] =	ssyncadd.s32 $0xFFFFC000  }
0x57: {  	[spmem:s10] =	stream.linear.scatter [tilespmem:s21], [sflag:$0x3], $0x4000, $0x38;
	[tilespmem:$0x1FC00] =	vst v63  }
0x58: {  	_ =	swait.ge [sflag:s17], $0x4000  }
0x59: {  	[sflag:s17] =	ssyncset.done $0x0  }
0x5a: {  	[sflag:s17] =	ssyncadd.s32 $0xFFFFC000  }
0x5b: {  	[spmem:s11] =	stream.linear.scatter [tilespmem:s21], [sflag:$0x3], $0x4000, $0x38;
	[tilespmem:$0x1FC00] =	vst v63  }
0x5c: {  	_ =	swait.ge [sflag:s17], $0x4000  }
0x5d: {  	[sflag:s17] =	ssyncset.done $0x0  }
0x5e: {  	[sflag:s17] =	ssyncadd.s32 $0xFFFFC000  }
0x5f: {  	s31 =	simm.s32 $0x80;
	[bflag:$0x0] =	sbarrier.arrive $0xFFFF  }
0x60: {  	[tilespmem:s21], [sflag:$0x2] =	stream.indirect.gather [hbm4b:s0+s19], $0x80, s31, s19, $0xb8;
	[tilespmem:$0x1FC00] =	vst v63  }
0x61: {  	_ =	swait.ge [sflag:s22], $0x4000  }
0x62: {  	[sflag:s22] =	ssyncset.done $0x0  }
0x63: {  	s2 =	simm.s32 $0x2800;
	[sflag:s22] =	ssyncadd.s32 $0xFFFFC000  }
0x64: {  	[spmem:s3] =	stream.indirect.scatter.add.f32 [tilespmem:s20], [sflag:$0x3], $0x80, s2, s19, $0xb8;
	[tilespmem:$0x1FC00] =	vst v63  }
0x65: {  	_ =	swait.ge [sflag:s17], $0x4000  }
0x66: {  	[sflag:s17] =	ssyncset.done $0x0  }
0x67: {  	s5 =	simm.s32 $0x100;
	[sflag:s17] =	ssyncadd.s32 $0xFFFFC000  }
0x68: {  	[tilespmem:s20], [sflag:$0x1] =	stream.indirect.gather [hbm4b:s0+s19], $0x80, s5, s19, $0xb8;
	[tilespmem:$0x1FC00] =	vst v63  }
0x69: {  	_ =	swait.ge [sflag:s23], $0x4000  }
0x6a: {  	[sflag:s23] =	ssyncset.done $0x0  }
0x6b: {  	s31 =	simm.s32 $0x2880;
	[sflag:s23] =	ssyncadd.s32 $0xFFFFC000  }
0x6c: {  	[spmem:s3] =	stream.indirect.scatter.add.f32 [tilespmem:s21], [sflag:$0x3], $0x80, s31, s19, $0xb8;
	[tilespmem:$0x1FC00] =	vst v63  }
0x6d: {  	_ =	swait.ge [sflag:s17], $0x4000  }
0x6e: {  	s1 =	simm.s32 $0x800;
	s30 =	simm.s32 $0x100;
	[sflag:s17] =	ssyncset.done $0x0  }
.LBB2_6:
0x6f: {  	s31 =	sadd.s32 $0x80, s30  }
0x70: {  	[sflag:s17] =	ssyncadd.s32 $0xFFFFC000;
	s2 =	smov.u32 s1;
	s5 =	sadd.s32 $0x400, s1  }
0x71: {  	[tilespmem:s21], [sflag:$0x2] =	stream.indirect.gather [hbm4b:s0+s19], $0x80, s31, s19, $0xb8;
	[tilespmem:$0x1FC00] =	vst v63  }
0x72: {  	p1 =	sne.s32 s1, $0x4800;
	_ =	swait.ge [sflag:s22], $0x4000  }
0x73: {  	[sflag:s22] =	ssyncset.done $0x0  }
0x74: {  	s1 =	sadd.s32 $0x2800, s30;
	[sflag:s22] =	ssyncadd.s32 $0xFFFFC000  }
0x75: {  	[spmem:s3] =	stream.indirect.scatter.add.f32 [tilespmem:s20], [sflag:$0x3], $0x80, s1, s19, $0xb8;
	[tilespmem:$0x1FC00] =	vst v63  }
0x76: {  	_ =	swait.ge [sflag:s17], $0x4000  }
0x77: {  	[sflag:s17] =	ssyncset.done $0x0  }
0x78: {  	s1 =	sadd.s32 $0x100, s30;
	[sflag:s17] =	ssyncadd.s32 $0xFFFFC000  }
0x79: {  	[tilespmem:s20], [sflag:$0x1] =	stream.indirect.gather [hbm4b:s0+s19], $0x80, s1, s19, $0xb8;
	[tilespmem:$0x1FC00] =	vst v63  }
0x7a: {  	_ =	swait.ge [sflag:s23], $0x4000  }
.Ltmp2:
0x7b: {  	[sflag:s23] =	ssyncset.done $0x0;
	(pc) =	sbr.rel @p1 .LBB2_6-.Ltmp2, $4  }
0x7c: {  	s1 =	sadd.s32 $0x2880, s30;
	[sflag:s23] =	ssyncadd.s32 $0xFFFFC000  }
0x7d: {  	[spmem:s3] =	stream.indirect.scatter.add.f32 [tilespmem:s21], [sflag:$0x3], $0x80, s1, s19, $0xb8;
	[tilespmem:$0x1FC00] =	vst v63  }
0x7e: {  	_ =	swait.ge [sflag:s17], $0x4000  }
0x7f: {  	s30 =	sshra.s32 s2, $0x2;
	s1 =	smov.u32 s5;
	[sflag:s17] =	ssyncset.done $0x0  }
0x80: {  	s1 =	sadd.s32 $0x80, s30;
	[sflag:s17] =	ssyncadd.s32 $0xFFFFC000  }
0x81: {  	[tilespmem:s21], [sflag:$0x2] =	stream.indirect.gather [hbm4b:s0+s19], $0x80, s1, s19, $0xb8;
	[tilespmem:$0x1FC00] =	vst v63  }
0x82: {  	_ =	swait.ge [sflag:s22], $0x4000  }
0x83: {  	[sflag:s22] =	ssyncset.done $0x0  }
0x84: {  	s2 =	sadd.s32 $0x2800, s30;
	[sflag:s22] =	ssyncadd.s32 $0xFFFFC000  }
0x85: {  	[spmem:s3] =	stream.indirect.scatter.add.f32 [tilespmem:s20], [sflag:$0x3], $0x80, s2, s19, $0xb8;
	[tilespmem:$0x1FC00] =	vst v63  }
0x86: {  	_ =	swait.ge [sflag:s17], $0x4000  }
0x87: {  	[sflag:s17] =	ssyncset.done $0x0  }
0x88: {  	s5 =	sadd.s32 $0x100, s30;
	[sflag:s17] =	ssyncadd.s32 $0xFFFFC000  }
0x89: {  	[tilespmem:s20], [sflag:$0x1] =	stream.indirect.gather [hbm4b:s0+s19], $0x80, s5, s19, $0xb8;
	[tilespmem:$0x1FC00] =	vst v63  }
0x8a: {  	_ =	swait.ge [sflag:s23], $0x4000  }
0x8b: {  	[sflag:s23] =	ssyncset.done $0x0  }
0x8c: {  	s2 =	sadd.s32 $0x2880, s30;
	[sflag:s23] =	ssyncadd.s32 $0xFFFFC000  }
0x8d: {  	[spmem:s3] =	stream.indirect.scatter.add.f32 [tilespmem:s21], [sflag:$0x3], $0x80, s2, s19, $0xb8;
	[tilespmem:$0x1FC00] =	vst v63  }
0x8e: {  	_ =	swait.ge [sflag:s17], $0x4000  }
0x8f: {  	[sflag:s17] =	ssyncset.done $0x0  }
0x90: {  	[sflag:s17] =	ssyncadd.s32 $0xFFFFC000  }
0x91: {  	[tilespmem:s21], [sflag:$0x2] =	stream.indirect.gather [hbm4b:s0+s19], $0x80, s24, s19, $0xb8;
	[tilespmem:$0x1FC00] =	vst v63  }
0x92: {  	_ =	swait.ge [sflag:s22], $0x4000  }
0x93: {  	[sflag:s22] =	ssyncset.done $0x0  }
0x94: {  	[sflag:s22] =	ssyncadd.s32 $0xFFFFC000  }
0x95: {  	[spmem:s3] =	stream.indirect.scatter.add.f32 [tilespmem:s20], [sflag:$0x3], $0x80, s26, s19, $0xb8;
	[tilespmem:$0x1FC00] =	vst v63  }
0x96: {  	_ =	swait.ge [sflag:s17], $0x4000  }
0x97: {  	[sflag:s17] =	ssyncset.done $0x0  }
0x98: {  	[sflag:s17] =	ssyncadd.s32 $0xFFFFC000  }
0x99: {  	_ =	swait.ge [sflag:s23], $0x4000  }
0x9a: {  	[sflag:s23] =	ssyncset.done $0x0  }
0x9b: {  	[sflag:s23] =	ssyncadd.s32 $0xFFFFC000  }
0x9c: {  	[spmem:s3] =	stream.indirect.scatter.add.f32 [tilespmem:s21], [sflag:$0x3], $0x80, s28, s19, $0xb8;
	[tilespmem:$0x1FC00] =	vst v63  }
0x9d: {  	_ =	swait.ge [sflag:s17], $0x4000  }
0x9e: {  	[sflag:s17] =	ssyncset.done $0x0  }
0x9f: {  	s5 =	simm.s32 $0x0;
	[sflag:s17] =	ssyncadd.s32 $0xFFFFC000  }
0xa0: {  	[tilespmem:s5], [sflag:$0x3] =	stream.linear.gather [hbm4b:s12+s5], $0x1310, $0x38;
	[tilespmem:$0x1FC00] =	vst v63  }
0xa1: {  	_ =	swait.ge [sflag:s17], $0x1310  }
0xa2: {  	[sflag:s17] =	ssyncset.done $0x0  }
0xa3: {  	[sflag:s17] =	ssyncadd.s32 $0xFFFFECF0  }
0xa4: {  	[tilespmem:s18], [sflag:$0x3] =	stream.linear.gather [hbm4b:s13+s5], $0x1310, $0x38;
	[tilespmem:$0x1FC00] =	vst v63  }
0xa5: {  	_ =	swait.ge [sflag:s17], $0x1310  }
0xa6: {  	[sflag:s17] =	ssyncset.done $0x0  }
0xa7: {  	[sflag:s17] =	ssyncadd.s32 $0xFFFFECF0  }
0xa8: {  	[tilespmem:$0x1310] =	vst v0  }
0xa9: {  	[tilespmem:$0x2710] =	vst v2  }
0xaa: {  	[tilespmem:$0x1320] =	vst v3  }
0xab: {  	[tilespmem:$0x2720] =	vst v4  }
0xac: {  	[tilespmem:$0x1330] =	vst v5  }
0xad: {  	[tilespmem:$0x2730] =	vst v6  }
0xae: {  	[tilespmem:$0x1340] =	vst v7  }
0xaf: {  	[tilespmem:$0x2740] =	vst v8  }
0xb0: {  	[tilespmem:$0x1350] =	vst v9  }
0xb1: {  	[tilespmem:$0x2750] =	vst v10  }
0xb2: {  	[tilespmem:$0x1360] =	vst v11  }
0xb3: {  	[tilespmem:$0x2760] =	vst v12  }
0xb4: {  	[tilespmem:$0x1370] =	vst v13  }
0xb5: {  	[tilespmem:$0x2770] =	vst v14  }
0xb6: {  	[tilespmem:$0x1380] =	vst v15  }
0xb7: {  	[tilespmem:$0x2780] =	vst v16  }
0xb8: {  	[tilespmem:$0x1390] =	vst v17  }
0xb9: {  	[tilespmem:$0x2790] =	vst v18  }
0xba: {  	[tilespmem:$0x13A0] =	vst v19  }
0xbb: {  	[tilespmem:$0x27A0] =	vst v20  }
0xbc: {  	[tilespmem:$0x13B0] =	vst v21  }
0xbd: {  	[tilespmem:$0x27B0] =	vst v22  }
0xbe: {  	[tilespmem:$0x13C0] =	vst v23  }
0xbf: {  	[tilespmem:$0x27C0] =	vst v24  }
0xc0: {  	[tilespmem:$0x13D0] =	vst v25  }
0xc1: {  	[tilespmem:$0x27D0] =	vst v26  }
0xc2: {  	[tilespmem:$0x13E0] =	vst v27  }
0xc3: {  	[tilespmem:$0x27E0] =	vst v28  }
0xc4: {  	[tilespmem:$0x13F0] =	vst v29  }
0xc5: {  	s30 =	simm.s32 $0x0;
	[tilespmem:$0x27F0] =	vst v30  }
0xc6: {  	[tilespmem:s20], [sflag:$0x1] =	stream.indirect.gather [hbm4b:s0+s19], $0x80, s5, s19, $0xb8;
	[tilespmem:$0x1FC00] =	vst v63  }
0xc7: {  	v34 =	vld [tilespmem:s30+$0x1470]  }
0xc8: {  	v35 =	vld [tilespmem:s30+$0x1400]  }
0xc9: {  	v36 =	vld [tilespmem:s30+$0x1410]  }
0xca: {  	v33 =	vld [tilespmem:s30+$0x1420]  }
0xcb: {  	v31 =	vld [tilespmem:s30+$0x1430]  }
0xcc: {  	v32 =	vld [tilespmem:s30+$0x1440];
	[tilespmem:s30+$0x2870] =	vst v34  }
0xcd: {  	[tilespmem:s30+$0x2800] =	vst v35;
	v34 =	vld [tilespmem:s30+$0x1450]  }
0xce: {  	s31 =	simm.s32 $0x80;
	s1 =	simm.s32 $0x400;
	[tilespmem:s30+$0x2810] =	vst v36;
	v35 =	vld [tilespmem:s30+$0x1460]  }
.LBB2_8:
0xcf: {  	p1 =	sne.s32 s1, $0x4E00;
	v36 =	vld [tilespmem:s31+$0x1470];
	[tilespmem:s30+$0x2820] =	vst v33  }
0xd0: {  	v37 =	vld [tilespmem:s31+$0x1400];
	[tilespmem:s30+$0x2830] =	vst v31  }
0xd1: {  	v38 =	vld [tilespmem:s31+$0x1410];
	[tilespmem:s30+$0x2840] =	vst v32  }
.Ltmp3:
0xd2: {  	v33 =	vld [tilespmem:s31+$0x1420];
	[tilespmem:s30+$0x2850] =	vst v34;
	(pc) =	sbr.rel @p1 .LBB2_8-.Ltmp3, $4  }
0xd3: {  	v31 =	vld [tilespmem:s31+$0x1430];
	[tilespmem:s30+$0x2860] =	vst v35;
	s30 =	smov.u32 s31  }
0xd4: {  	v32 =	vld [tilespmem:s30+$0x1440];
	[tilespmem:s30+$0x2870] =	vst v36  }
0xd5: {  	[tilespmem:s30+$0x2800] =	vst v37;
	v34 =	vld [tilespmem:s30+$0x1450]  }
0xd6: {  	s31 =	sshra.s32 s1, $0x2;
	s1 =	sadd.s32 $0x200, s1;
	[tilespmem:s30+$0x2810] =	vst v38;
	v35 =	vld [tilespmem:s30+$0x1460]  }
0xd7: {  	v36 =	vld [tilespmem:s31+$0x1470];
	[tilespmem:s30+$0x2820] =	vst v33  }
0xd8: {  	v33 =	vld [tilespmem:s31+$0x1400];
	[tilespmem:s30+$0x2830] =	vst v31  }
0xd9: {  	v31 =	vld [tilespmem:s31+$0x1410];
	[tilespmem:s30+$0x2840] =	vst v32  }
0xda: {  	v32 =	vld [tilespmem:s31+$0x1420];
	[tilespmem:s30+$0x2850] =	vst v34  }
0xdb: {  	v34 =	vld [tilespmem:s31+$0x1430];
	[tilespmem:s30+$0x2860] =	vst v35  }
0xdc: {  	v35 =	vld [tilespmem:s31+$0x1440];
	[tilespmem:s31+$0x2870] =	vst v36  }
0xdd: {  	v63 =	vld [tilespmem:s31+$0x1450];
	[tilespmem:s31+$0x2800] =	vst v33  }
0xde: {  	[tilespmem:s31+$0x2810] =	vst v31;
	v31 =	vld [tilespmem:s31+$0x1460]  }
0xdf: {  	[tilespmem:s31+$0x2820] =	vst v32  }
0xe0: {  	[tilespmem:s31+$0x2830] =	vst v34  }
0xe1: {  	[tilespmem:s31+$0x2840] =	vst v35  }
0xe2: {  	[tilespmem:s31+$0x2850] =	vst v63  }
0xe3: {  	s1 =	simm.s32 $0x80;
	[tilespmem:s31+$0x2860] =	vst v31  }
0xe4: {  	[tilespmem:s21], [sflag:$0x2] =	stream.indirect.gather [hbm4b:s0+s19], $0x80, s1, s19, $0xb8;
	[tilespmem:$0x1FC00] =	vst v63  }
0xe5: {  	_ =	swait.ge [sflag:s22], $0x4000  }
0xe6: {  	[sflag:s22] =	ssyncset.done $0x0  }
0xe7: {  	s2 =	simm.s32 $0x2800;
	[sflag:s22] =	ssyncadd.s32 $0xFFFFC000  }
0xe8: {  	[spmem:s3] =	stream.indirect.scatter.add.f32 [tilespmem:s20], [sflag:$0x3], $0x80, s2, s19, $0xb8;
	[tilespmem:$0x1FC00] =	vst v63  }
0xe9: {  	_ =	swait.ge [sflag:s17], $0x4000  }
0xea: {  	[sflag:s17] =	ssyncset.done $0x0  }
0xeb: {  	s5 =	simm.s32 $0x100;
	[sflag:s17] =	ssyncadd.s32 $0xFFFFC000  }
0xec: {  	[tilespmem:s20], [sflag:$0x1] =	stream.indirect.gather [hbm4b:s0+s19], $0x80, s5, s19, $0xb8;
	[tilespmem:$0x1FC00] =	vst v63  }
0xed: {  	_ =	swait.ge [sflag:s23], $0x4000  }
0xee: {  	[sflag:s23] =	ssyncset.done $0x0  }
0xef: {  	s31 =	simm.s32 $0x2880;
	[sflag:s23] =	ssyncadd.s32 $0xFFFFC000  }
0xf0: {  	[spmem:s3] =	stream.indirect.scatter.add.f32 [tilespmem:s21], [sflag:$0x3], $0x80, s31, s19, $0xb8;
	[tilespmem:$0x1FC00] =	vst v63  }
0xf1: {  	_ =	swait.ge [sflag:s17], $0x4000  }
0xf2: {  	s30 =	simm.s32 $0x100;
	s1 =	simm.s32 $0x800;
	[sflag:s17] =	ssyncset.done $0x0  }
.LBB2_10:
0xf3: {  	s2 =	sadd.s32 $0x80, s30  }
0xf4: {  	[sflag:s17] =	ssyncadd.s32 $0xFFFFC000;
	s5 =	smov.u32 s1;
	s31 =	sadd.s32 $0x400, s1  }
0xf5: {  	[tilespmem:s21], [sflag:$0x2] =	stream.indirect.gather [hbm4b:s0+s19], $0x80, s2, s19, $0xb8;
	[tilespmem:$0x1FC00] =	vst v63  }
0xf6: {  	p1 =	sne.s32 s1, $0x4800;
	_ =	swait.ge [sflag:s22], $0x4000  }
0xf7: {  	[sflag:s22] =	ssyncset.done $0x0  }
0xf8: {  	s1 =	sadd.s32 $0x2800, s30;
	[sflag:s22] =	ssyncadd.s32 $0xFFFFC000  }
0xf9: {  	[spmem:s3] =	stream.indirect.scatter.add.f32 [tilespmem:s20], [sflag:$0x3], $0x80, s1, s19, $0xb8;
	[tilespmem:$0x1FC00] =	vst v63  }
0xfa: {  	_ =	swait.ge [sflag:s17], $0x4000  }
0xfb: {  	[sflag:s17] =	ssyncset.done $0x0  }
0xfc: {  	s1 =	sadd.s32 $0x100, s30;
	[sflag:s17] =	ssyncadd.s32 $0xFFFFC000  }
0xfd: {  	[tilespmem:s20], [sflag:$0x1] =	stream.indirect.gather [hbm4b:s0+s19], $0x80, s1, s19, $0xb8;
	[tilespmem:$0x1FC00] =	vst v63  }
0xfe: {  	_ =	swait.ge [sflag:s23], $0x4000  }
.Ltmp4:
0xff: {  	[sflag:s23] =	ssyncset.done $0x0;
	(pc) =	sbr.rel @p1 .LBB2_10-.Ltmp4, $4  }
0x100: {  	s1 =	sadd.s32 $0x2880, s30;
	[sflag:s23] =	ssyncadd.s32 $0xFFFFC000  }
0x101: {  	[spmem:s3] =	stream.indirect.scatter.add.f32 [tilespmem:s21], [sflag:$0x3], $0x80, s1, s19, $0xb8;
	[tilespmem:$0x1FC00] =	vst v63  }
0x102: {  	_ =	swait.ge [sflag:s17], $0x4000  }
0x103: {  	s30 =	sshra.s32 s5, $0x2;
	s1 =	smov.u32 s31;
	[sflag:s17] =	ssyncset.done $0x0  }
0x104: {  	s1 =	sadd.s32 $0x80, s30;
	[sflag:s17] =	ssyncadd.s32 $0xFFFFC000  }
0x105: {  	[tilespmem:s21], [sflag:$0x2] =	stream.indirect.gather [hbm4b:s0+s19], $0x80, s1, s19, $0xb8;
	[tilespmem:$0x1FC00] =	vst v63  }
0x106: {  	_ =	swait.ge [sflag:s22], $0x4000  }
0x107: {  	[sflag:s22] =	ssyncset.done $0x0  }
0x108: {  	s2 =	sadd.s32 $0x2800, s30;
	[sflag:s22] =	ssyncadd.s32 $0xFFFFC000  }
0x109: {  	[spmem:s3] =	stream.indirect.scatter.add.f32 [tilespmem:s20], [sflag:$0x3], $0x80, s2, s19, $0xb8;
	[tilespmem:$0x1FC00] =	vst v63  }
0x10a: {  	_ =	swait.ge [sflag:s17], $0x4000  }
0x10b: {  	[sflag:s17] =	ssyncset.done $0x0  }
0x10c: {  	s5 =	sadd.s32 $0x100, s30;
	[sflag:s17] =	ssyncadd.s32 $0xFFFFC000  }
0x10d: {  	[tilespmem:s20], [sflag:$0x1] =	stream.indirect.gather [hbm4b:s0+s19], $0x80, s5, s19, $0xb8;
	[tilespmem:$0x1FC00] =	vst v63  }
0x10e: {  	_ =	swait.ge [sflag:s23], $0x4000  }
0x10f: {  	[sflag:s23] =	ssyncset.done $0x0  }
0x110: {  	s31 =	sadd.s32 $0x2880, s30;
	[sflag:s23] =	ssyncadd.s32 $0xFFFFC000  }
0x111: {  	[spmem:s3] =	stream.indirect.scatter.add.f32 [tilespmem:s21], [sflag:$0x3], $0x80, s31, s19, $0xb8;
	[tilespmem:$0x1FC00] =	vst v63  }
0x112: {  	_ =	swait.ge [sflag:s17], $0x4000  }
0x113: {  	[sflag:s17] =	ssyncset.done $0x0  }
0x114: {  	[sflag:s17] =	ssyncadd.s32 $0xFFFFC000  }
0x115: {  	[tilespmem:s21], [sflag:$0x2] =	stream.indirect.gather [hbm4b:s0+s19], $0x80, s24, s19, $0xb8;
	[tilespmem:$0x1FC00] =	vst v63  }
0x116: {  	_ =	swait.ge [sflag:s22], $0x4000  }
0x117: {  	[sflag:s22] =	ssyncset.done $0x0  }
0x118: {  	[sflag:s22] =	ssyncadd.s32 $0xFFFFC000  }
0x119: {  	[spmem:s3] =	stream.indirect.scatter.add.f32 [tilespmem:s20], [sflag:$0x3], $0x80, s26, s19, $0xb8;
	[tilespmem:$0x1FC00] =	vst v63  }
0x11a: {  	_ =	swait.ge [sflag:s17], $0x4000  }
0x11b: {  	[sflag:s17] =	ssyncset.done $0x0  }
0x11c: {  	[sflag:s17] =	ssyncadd.s32 $0xFFFFC000  }
0x11d: {  	_ =	swait.ge [sflag:s23], $0x4000  }
0x11e: {  	[sflag:s23] =	ssyncset.done $0x0  }
0x11f: {  	[sflag:s23] =	ssyncadd.s32 $0xFFFFC000  }
0x120: {  	[spmem:s3] =	stream.indirect.scatter.add.f32 [tilespmem:s21], [sflag:$0x3], $0x80, s28, s19, $0xb8;
	[tilespmem:$0x1FC00] =	vst v63  }
0x121: {  	_ =	swait.ge [sflag:s17], $0x4000  }
0x122: {  	[sflag:s17] =	ssyncset.done $0x0  }
0x123: {  	[sflag:s17] =	ssyncadd.s32 $0xFFFFC000  }
0x124: {  	s1 =	simm.s32 @p0 $0x1FC3;
	[bflag:$0x0] =	sbarrier.arrive $0xFFFF  }
0x125: {  	[hbm:s15], [sflag:s1] =	dma.local @p0 [spmem:s25], $0x1900  }
0x126: {  	s1 =	simm.s32 @p0 $0x3  }
0x127: {  	s29 =	sadd.s32 $0x1, s29;
	s2 =	stileid.u32;
	_ =	swait.ge @p0 [sflag:s1], $0x1900  }
0x128: {  	p1 =	sne.s32 s29, s16;
	s2 =	sshll.u32 @!p0 s2, $0x6;
	[sflag:s1] =	ssyncset.done @p0 $0x0  }
0x129: {  	[sflag:s1] =	ssyncadd.s32 @p0 $0xFFFFE700;
	s1 =	sor.u32 @!p0 $0x1C03, s2;
	s2 =	sshrl.u32 @!p0 s7, $0x3  }
0x12a: {  	[hbm:s14], [sflag:s1] =	dma.local @!p0 [spmem:s2], $0x2800  }
.Ltmp5:
0x12b: {  	_ = 	snop;
	(pc) =	sbr.rel @p1 .LBB2_1-.Ltmp5, $4  }
0x12c: {  	s1 =	simm.s32 @!p0 $0x3  }
0x12d: {  	_ =	swait.ge @!p0 [sflag:s1], $0x2800  }
0x12e: {  	[sflag:s1] =	ssyncset.done @!p0 $0x0  }
0x12f: {  	[sflag:s1] =	ssyncadd.s32 @!p0 $0xFFFFD800  }
0x130: {  	_ =	sfence.sel $0x180000  }
0x131: {  	[bflag:$0x0] =	sbarrier.arrive $0xFFFF  }
0x132: {  	_ =	strace $0x9000004A  }
0x133: {  	s0 =	stileid.u32;
	[bflag:$0x2] =	sbarrier.arrive $0xFFFF  }
0x134: {  	p0 =	sne.s32 s0, $0x0;
	s0 =	rddreg [dreg:$0x3]  }
0x135: {  	s0 =	sadd.s32 @!p0 $0x100000, s0  }
0x136: {  	[sflag:s0] =	ssyncadd.tile.s32 @!p0 $0x1;
	_ =	shalt  }
.Lfunc_end2:
_tile_overlayer_lowered:
.L_overlay_start_2:
0x137: {  	(tag) =	ssettag $0x2  }
0x138: {  	s0 =	rddreg [dreg:$0x0];
	s2 =	stileid.u32  }
0x139: {  	s1 =	rddreg [dreg:$0x1];
	p0 =	sne.s32 s2, $0x0  }
0x13a: {  	s3 =	rddreg [dreg:$0x2];
	[bflag:$0x3] =	sbarrier.arrive $0xFFFF;
	s2 =	simm.s32 @!p0 $0x1C03  }
0x13b: {  	[timem:s3], [sflag:s2] =	dma.local @!p0 [hbm:s0], s1  }
0x13c: {  	s0 =	simm.s32 @!p0 $0x3  }
0x13d: {  	_ =	swait.ge @!p0 [sflag:s0], s1  }
0x13e: {  	s1 =	ssub.s32 @!p0 $0x0, s1;
	[sflag:s0] =	ssyncset.done @!p0 $0x0  }
0x13f: {  	[sflag:s0] =	ssyncadd.s32 @!p0 s1  }
0x140: {  	[bflag:$0x3] =	sbarrier.arrive $0xFFFF  }
0x141: {  	_ =	shalt  }

// kernel: kernel.14.cloned.1.call-start
scs
__scs_entry_jumppad:
0x0: {  	(pc) =	sbr.rel $0x88, $3  }
0x1: {  	(tag) =	ssettag $0x0;
	lr =	simm.s32 $0x1  }
0x2: {  	[smem:$0x3F9B] =	sst lr;
	_ =	strace $0xD0000000  }
0x3: {  	_ = 	snop  }
0x4: {  	_ = 	snop  }
0x5: {  	_ = 	snop  }
0x6: {  	_ = 	snop  }
0x7: {  	_ = 	snop  }
__scs_overlays_trampoline_lowered:
0x8: {  	[smem:$0x3FAA] =	sst s0  }
0x9: {  	[smem:$0x3FAB] =	sst s1  }
0xa: {  	[smem:$0x3FAC] =	sst s2  }
0xb: {  	[smem:$0x3FAD] =	sst s3  }
0xc: {  	[smem:$0x3FAE] =	sst s4  }
0xd: {  	[smem:$0x3FAF] =	sst s5  }
0xe: {  	[smem:$0x3FB0] =	sst s6  }
0xf: {  	[smem:$0x3FB1] =	sst s7  }
0x10: {  	[smem:$0x3FB2] =	sst s8  }
0x11: {  	[smem:$0x3FB3] =	sst s9;
	s0 =	simm.s32 @!p0 $0x0  }
0x12: {  	s1 =	sld [smem:$0x3F99];
	s0 =	simm.s32 @p0 $0x1  }
0x13: {  	[smem:$0x3FB4] =	sst s0;
	s0 =	simm.s32 @!p1 $0x0  }
0x14: {  	s2 =	sld [smem:$0x3F98];
	s0 =	simm.s32 @p1 $0x1  }
0x15: {  	[smem:$0x3FB5] =	sst s0;
	s0 =	simm.s32 @!p2 $0x0  }
0x16: {  	s3 =	sld [smem:$0x3FDB];
	s0 =	simm.s32 @p2 $0x1  }
0x17: {  	s4 =	simm.s32 $0x1BF5;
	[smem:$0x3FB7] =	sst s0  }
0x18: {  	s0 =	sld [smem:$0x3F9A];
	_ =	swait.ge [sflag:s4], $0x0  }
0x19: {  	s7 =	sld [smem:$0x3F9B]  }
0x1a: {  	s8 =	sadd.s32 $0xFFFFE003, lr  }
0x1b: {  	s9 =	sadd.s32 $0xFFFFFEF7, lr;
	s5 =	simm.s32 $0xFFFFFFFF;
	p2 =	slt.u32 s8, $0xFFFFF086  }
0x1c: {  	p1 =	slt.u32 s9, $0xF7A;
	s5 =	simm.s32 @!p2 $0x0  }
0x1d: {  	s5 =	simm.s32 @p1 $0x1;
	p0 =	seq.s32 s7, s2  }
0x1e: {  	s7 =	smul.u32 @!p0 $0xF7A, s2;
	p2 =	seq.s32 @!p0 s5, $0x0  }
0x1f: {  	s9 =	smul.u32 $0xF7A, s1;
	s8 =	simm.s32 @!p0 $0x1BF5;
	p2 =	por !p2, p0  }
0x20: {  	[sflag:s8] =	ssyncset.s32 @!p0 $0xFFFFF086;
	s6 =	sadd.s32 @!p0 s3, s7;
	s7 =	simm.s32 @!p0 $0x108  }
0x21: {  	s3 =	sadd.s32 s3, s9;
	s6 =	sadd.s32 @!p0 $0x88, s6;
	s7 =	simm.s32 @p2 $0x1082  }
0x22: {  	[simem:s7], [sflag:s8] =	dma.local @!p0 [hbm:s6], $0xF7A  }
0x23: {  	s9 =	sor.u32 $0xD0000000, s2;
	s6 =	simm.s32 $0x108;
	_ =	swait.ge @!p0 [sflag:s8], $0x0  }
0x24: {  	s3 =	sadd.s32 $0x88, s3;
	s6 =	simm.s32 @!p1 $0x1082;
	[sflag:s4] =	ssyncset.s32 $0xFFFFF086  }
0x25: {  	[simem:s6], [sflag:s4] =	dma.local [hbm:s3], $0xF7A  }
0x26: {  	[smem:$0x3F9B] =	sst s1;
	(tag) =	ssettag s2;
	_ =	strace s9  }
0x27: {  	s1 =	sld [smem:$0x3FAB]  }
0x28: {  	s2 =	sld [smem:$0x3FAC]  }
0x29: {  	s4 =	sld [smem:$0x3FAE]  }
0x2a: {  	p0 =	seq.s32 s5, $0x0;
	s5 =	sld [smem:$0x3FAF]  }
0x2b: {  	s6 =	sld [smem:$0x3FB0]  }
0x2c: {  	s7 =	sld [smem:$0x3FB1]  }
0x2d: {  	s3 =	simm.s32 $0x108;
	s8 =	sld [smem:$0x3FB2]  }
0x2e: {  	s3 =	simm.s32 @!p0 $0x1082;
	s9 =	sld [smem:$0x3FB3]  }
0x2f: {  	lr =	sadd.s32 s0, s3;
	s0 =	sld [smem:$0x3FAA]  }
0x30: {  	s3 =	sld [smem:$0x3FAD]  }
0x31: {  	[smem:$0x3FB6] =	sst s10  }
0x32: {  	s10 =	sld [smem:$0x3FB4];
	_ =	sdelay $0x3  }
0x33: {  	p0 =	seq.s32 s10, $0x1;
	s10 =	sld [smem:$0x3FB6];
	_ =	sdelay $0x3  }
0x34: {  	[smem:$0x3FB6] =	sst s10  }
0x35: {  	s10 =	sld [smem:$0x3FB5];
	_ =	sdelay $0x3  }
0x36: {  	p1 =	seq.s32 s10, $0x1;
	s10 =	sld [smem:$0x3FB6];
	_ =	sdelay $0x3  }
0x37: {  	[smem:$0x3FB6] =	sst s10  }
0x38: {  	s10 =	sld [smem:$0x3FB7]  }
0x39: {  	_ = 	snop;
	(pc) =	sbr.ind lr, $3  }
0x3a: {  	_ = 	snop  }
0x3b: {  	_ = 	snop  }
0x3c: {  	p2 =	seq.s32 s10, $0x1;
	s10 =	sld [smem:$0x3FB6]  }
0x3d: {  	_ =	shalt  }
0x3e: {  	_ =	shalt  }
0x3f: {  	_ =	shalt  }
0x40: {  	_ =	shalt  }
0x41: {  	_ =	shalt  }
0x42: {  	_ =	shalt  }
0x43: {  	_ =	shalt  }
0x44: {  	_ =	shalt  }
0x45: {  	_ =	shalt  }
0x46: {  	_ =	shalt  }
0x47: {  	_ =	shalt  }
0x48: {  	_ =	shalt  }
0x49: {  	_ =	shalt  }
0x4a: {  	_ =	shalt  }
0x4b: {  	_ =	shalt  }
0x4c: {  	_ =	shalt  }
0x4d: {  	_ =	shalt  }
0x4e: {  	_ =	shalt  }
0x4f: {  	_ =	shalt  }
0x50: {  	_ =	shalt  }
0x51: {  	_ =	shalt  }
0x52: {  	_ =	shalt  }
0x53: {  	_ =	shalt  }
0x54: {  	_ =	shalt  }
0x55: {  	_ =	shalt  }
0x56: {  	_ =	shalt  }
0x57: {  	_ =	shalt  }
0x58: {  	_ =	shalt  }
0x59: {  	_ =	shalt  }
0x5a: {  	_ =	shalt  }
0x5b: {  	_ =	shalt  }
0x5c: {  	_ =	shalt  }
0x5d: {  	_ =	shalt  }
0x5e: {  	_ =	shalt  }
0x5f: {  	_ =	shalt  }
0x60: {  	_ =	shalt  }
0x61: {  	_ =	shalt  }
0x62: {  	_ =	shalt  }
0x63: {  	_ =	shalt  }
0x64: {  	_ =	shalt  }
0x65: {  	_ =	shalt  }
0x66: {  	_ =	shalt  }
0x67: {  	_ =	shalt  }
0x68: {  	_ =	shalt  }
0x69: {  	_ =	shalt  }
0x6a: {  	_ =	shalt  }
0x6b: {  	_ =	shalt  }
0x6c: {  	_ =	shalt  }
0x6d: {  	_ =	shalt  }
0x6e: {  	_ =	shalt  }
0x6f: {  	_ =	shalt  }
0x70: {  	_ =	shalt  }
0x71: {  	_ =	shalt  }
0x72: {  	_ =	shalt  }
0x73: {  	_ =	shalt  }
0x74: {  	_ =	shalt  }
0x75: {  	_ =	shalt  }
0x76: {  	_ =	shalt  }
0x77: {  	_ =	shalt  }
0x78: {  	_ =	shalt  }
0x79: {  	_ =	shalt  }
0x7a: {  	_ =	shalt  }
0x7b: {  	_ =	shalt  }
0x7c: {  	_ =	shalt  }
0x7d: {  	_ =	shalt  }
0x7e: {  	_ =	shalt  }
0x7f: {  	_ =	shalt  }
0x80: {  	_ =	shalt  }
0x81: {  	_ =	shalt  }
0x82: {  	_ =	shalt  }
0x83: {  	_ =	shalt  }
0x84: {  	_ =	shalt  }
0x85: {  	_ =	shalt  }
0x86: {  	_ =	shalt  }
0x87: {  	_ =	shalt  }
.Lfunc_end0:
.L_simem_size_0:
called_computation.2_lowered:
.L_overlay_start_0:
0x88: {  	s2 =	sld [smem:$0x3FD9]  }
0x89: {  	s3 =	sld [smem:$0x3FFE];
	_ =	sdelay $0x1  }
0x8a: {  	s1 =	srdreg.scid  }
0x8b: {  	s0 =	sand.u32 $0x1, s1  }
0x8c: {  	s16 =	sshll.u32 s0, $0xA;
	s2 =	sadd.s32 s3, s2  }
0x8d: {  	s2 =	sadd.s32 s2, s16  }
0x8e: {  	[smem:$0x3FC2] =	sst s2  }
0x8f: {  	_ = 	snop  }
0x90: {  	(tm) =	ssettm $0x1  }
0x91: {  	s17 =	sld [smem:$0x3FFB];
	_ =	sdelay $0x3  }
0x92: {  	_ =	strace s17  }
0x93: {  	s2 =	sld [smem:$0x3FFC];
	_ =	sdelay $0x3  }
0x94: {  	_ =	strace s2  }
0x95: {  	s2 =	sld [smem:$0x3FFD];
	_ =	sdelay $0x3  }
0x96: {  	_ =	strace s2  }
0x97: {  	_ =	strace $0x8FFFFFFF  }
0x98: {  	s18 =	sld [smem:$0x3FDB];
	_ =	sdelay $0x1  }
0x99: {  	s19 =	simm.s32 $_scs_section_size  }
0x9a: {  	s4 =	simm.s32 $_size__tile_overlayer_lowered;
	s5 =	simm.s32 $_tile_overlayer_lowered  }
0x9b: {  	s22 =	simm.s32 $0x1BFF;
	s21 =	sshll.u32 s5, $0x1;
	s2 =	sadd.s32 s19, s18  }
0x9c: {  	s6 =	simm.s32 $0x0;
	s20 =	sshll.u32 s4, $0x1;
	s4 =	sadd.s32 s21, s2  }
0x9d: {  	[timem:s6], [sflag:s22] =	dma.local [hbm:s4], s20  }
0x9e: {  	_ =	swait.ge [sflag:s22], s20  }
0x9f: {  	s3 =	ssub.s32 $0x0, s20;
	[sflag:s22] =	ssyncset.done $0x0  }
0xa0: {  	[sflag:s22] =	ssyncadd.s32 s3;
	_ =	sdelay $0x1  }
0xa1: {  	s23 =	simm.s32 $0x1B8B  }
0xa2: {  	_ =	swait.ge [sflag:s23], $0x1  }
0xa3: {  	[sflag:s23] =	ssyncset.done $0x0  }
0xa4: {  	s25 =	simm.s32 $0x1B8E;
	s24 =	sld [smem:$0x3FFE];
	[sflag:s23] =	ssyncadd.s32 $0xFFFFFFFF  }
0xa5: {  	s26 =	simm.s32 $execute0_lowered;
	[smem:$0x3FD2] =	sst s25  }
0xa6: {  	s4 =	sshll.u32 s26, $0x1;
	_ =	strace $0x8000004C;
	[dreg:$0x1] =	wrdreg $0xFFFFFFFF  }
0xa7: {  	s28 =	simm.s32 $_size_execute0_lowered;
	s2 =	sadd.s32 s2, s4;
	[dreg:$0x0] =	wrdreg $0x0  }
0xa8: {  	s4 =	sshll.u32 s28, $0x1;
	[dreg:$0x2] =	wrdreg s2  }
0xa9: {  	[dreg:$0x3] =	wrdreg s4  }
0xaa: {  	[dreg:$0x4] =	wrdreg $0xC0  }
0xab: {  	_ =	task [dreg:s6], $0x5FFFF  }
0xac: {  	[dreg:$0x1] =	wrdreg $0xFFFFFFFF  }
0xad: {  	[dreg:$0x0] =	wrdreg $0x60  }
0xae: {  	[dreg:$0x2] =	wrdreg s24  }
0xaf: {  	[dreg:$0x3] =	wrdreg $0xBC000  }
0xb0: {  	[dreg:$0x4] =	wrdreg $0x9  }
0xb1: {  	_ =	task.clear_ibuf [dreg:s6], $0x5FFFF;
	_ =	strace $0x9000004C  }
0xb2: {  	s29 =	simm.s32 $0x9;
	_ =	strace $0x8000004E  }
0xb3: {  	_ =	swait.ge [sflag:s29], $0x1  }
0xb4: {  	[sflag:s29] =	ssyncadd.s32 $0xFFFFFFFF  }
0xb5: {  	_ =	strace $0x9000004E  }
0xb6: {  	_ =	sfence  }
0xb7: {  	s30 =	sld [smem:$0x0];
	_ =	sdelay $0x2  }
0xb8: {  	s31 =	sshll.u32 s1, $0xD;
	s1 =	sshrl.u32 s1, $0x2  }
0xb9: {  	s3 =	sand.u32 $0x4000, s31;
	s1 =	sadd.s32 s1, s30  }
0xba: {  	s0 =	sor.u32 s3, s0;
	s1 =	sshll.u32 s1, $0x11  }
0xbb: {  	s0 =	sor.u32 s1, s0  }
0xbc: {  	s0 =	sadd.s32 $0x8F2B, s0  }
0xbd: {  	[sflag:s0] =	ssyncadd.remote.s32 $0x1  }
0xbe: {  	_ =	sfence.sel $0xFFFF  }
0xbf: {  	[dreg:$0x0] =	wrdreg $0xFFFFFFFF;
	(pc) =	sbr.abs _section_cstart, $3  }
0xc0: {  	[dreg:$0x1] =	wrdreg $0xFFFFFFFF  }
0xc1: {  	_ =	task.clear_ibuf [dreg:s6], $0x2FFFF;
	_ =	strace $0x9FFFFFFF  }
0xc2: {  	(tm) =	ssettm $0x7FFFFFFF  }
0xc3: {  	_ =	shalt  }
tec
execute0_lowered:
.L_overlay_start_1:
0x0: {  	(tag) =	ssettag $0x1  }
0x1: {  	s0 =	srdreg.scid;
	s5 =	rddreg [dreg:$0x0]  }
0x2: {  	s2 =	rddreg [dreg:$0x1];
	s1 =	stileid.u32;
	s3 =	simm.s32 $0x0  }
0x3: {  	s17 =	simm.s32 $0x3;
	s18 =	simm.s32 $0x1400;
	s19 =	simm.s32 $0x80  }
0x4: {  	s20 =	simm.s32 $0x3C00;
	s21 =	simm.s32 $0x7C00;
	s22 =	simm.s32 $0x1  }
0x5: {  	s23 =	simm.s32 $0x2;
	s24 =	simm.s32 $0x1380;
	s26 =	simm.s32 $0x3B00  }
0x6: {  	s28 =	simm.s32 $0x3B80;
	s29 =	simm.s32 $0x0;
	s0 =	sand.u32 $0x1, s0  }
0x7: {  	[smem:$0x7FF] =	sst s3;
	s9 =	smul.u32 $0x50000, s1;
	s14 =	sadd.s32 $0x3D400, s5  }
0x8: {  	v0 =	vlaneseq.u32;
	s12 =	smul.u32 $0x14000, s1;
	p0 =	seq.s32 s1, $0xF;
	s4 =	sshll.u32 s0, $0x4  }
0x9: {  	v1 =	vimm.f32 $0.0e+00;
	v2 =	vor.u32 $0x2710, v0;
	v3 =	vor.u32 $0x10, v0;
	_ =	strace $0x8000004D;
	s7 =	ssub.s32 $0x2, s0;
	s0 =	smul.u32 $0x138800, s0  }
0xa: {  	v4 =	vor.u32 $0x2720, v0;
	v5 =	vor.u32 $0x20, v0;
	v6 =	vor.u32 $0x2730, v0;
	s4 =	sor.u32 s1, s4;
	s8 =	sshrl.u32 s7, $0x1;
	s31 =	sshrl.u32 s9, $0x2  }
0xb: {  	v7 =	vor.u32 $0x30, v0;
	v8 =	vor.u32 $0x2740, v0;
	v9 =	vor.u32 $0x40, v0;
	s6 =	smul.u32 $0x2710, s4;
	s4 =	sadd.s32 $0x16200, s5;
	s16 =	ssub.s32 s7, s8  }
0xc: {  	v10 =	vor.u32 $0x2750, v0;
	v11 =	vor.u32 $0x50, v0;
	v12 =	vor.u32 $0x2760, v0;
	s7 =	sadd.s32 s31, s2;
	s15 =	sadd.s32 s12, s0;
	s0 =	sshrl.u32 s0, $0x3  }
0xd: {  	v13 =	vor.u32 $0x60, v0;
	v14 =	vor.u32 $0x2770, v0;
	v15 =	vor.u32 $0x70, v0;
	s8 =	sadd.s32 $0x4000, s7;
	s9 =	sadd.s32 $0x8000, s7;
	s10 =	sadd.s32 $0xC000, s7  }
0xe: {  	v16 =	vor.u32 $0x2780, v0;
	v17 =	vor.u32 $0x80, v0;
	v18 =	vor.u32 $0x2790, v0;
	s11 =	sadd.s32 $0x10000, s7;
	s15 =	sshrl.u32 s15, $0x3;
	s0 =	sadd.s32 s14, s0  }
0xf: {  	v19 =	vor.u32 $0x90, v0;
	v20 =	vor.u32 $0x27A0, v0;
	v21 =	vor.u32 $0xA0, v0;
	s16 =	smax.u32 s16, $0x1;
	s6 =	sshrl.u32 s6, $0x3;
	s14 =	sadd.s32 s14, s15  }
0x10: {  	v22 =	vor.u32 $0x27B0, v0;
	v23 =	vor.u32 $0xB0, v0;
	v24 =	vor.u32 $0x27C0, v0;
	s15 =	sadd.s32 $0x25800, s0;
	s0 =	sadd.s32 $0x12C000, s2;
	s13 =	sadd.s32 s6, s5  }
0x11: {  	v25 =	vor.u32 $0xC0, v0;
	v26 =	vor.u32 $0x27D0, v0;
	v27 =	vor.u32 $0xD0, v0;
	s25 =	sshrl.u32 @p0 s0, $0x3;
	s30 =	sadd.s32 $0x2800, s13;
	s6 =	sadd.s32 $0xC440, s13  }
0x12: {  	v28 =	vor.u32 $0x27E0, v0;
	v29 =	vor.u32 $0xE0, v0;
	v30 =	vor.u32 $0x27F0, v0;
	s12 =	sadd.s32 $0x2A80, s13;
	s13 =	sadd.s32 $0xC6C0, s13;
	[dreg:$0x3] =	wrdreg s30  }
.LBB2_1:
0x13: {  	s0 =	rddreg [dreg:$0x3]  }
0x14: {  	[tilespmem:s3], [sflag:$0x3] =	stream.linear.gather [hbm4b:s0+s3], $0x1400, $0x38;
	[tilespmem:$0x1FC00] =	vst v63  }
0x15: {  	_ =	swait.ge [sflag:s17], $0x1400  }
0x16: {  	[sflag:s17] =	ssyncset.done $0x0  }
0x17: {  	[sflag:s17] =	ssyncadd.s32 $0xFFFFEC00  }
0x18: {  	[tilespmem:s18], [sflag:$0x3] =	stream.linear.gather [hbm4b:s6+s3], $0x1400, $0x38;
	[tilespmem:$0x1FC00] =	vst v63  }
0x19: {  	_ =	swait.ge [sflag:s17], $0x1400  }
0x1a: {  	[sflag:s17] =	ssyncset.done $0x0  }
0x1b: {  	s30 =	simm.s32 $0x0;
	[sflag:s17] =	ssyncadd.s32 $0xFFFFEC00  }
0x1c: {  	[tilespmem:s20], [sflag:$0x1] =	stream.indirect.gather [hbm4b:s4+s19], $0x80, s3, s19, $0xb8;
	[tilespmem:$0x1FC00] =	vst v63  }
0x1d: {  	v34 =	vld [tilespmem:s30+$0x1470]  }
0x1e: {  	v35 =	vld [tilespmem:s30+$0x1400]  }
0x1f: {  	v36 =	vld [tilespmem:s30+$0x1410]  }
0x20: {  	v33 =	vld [tilespmem:s30+$0x1420]  }
0x21: {  	v31 =	vld [tilespmem:s30+$0x1430]  }
0x22: {  	v32 =	vld [tilespmem:s30+$0x1440];
	[tilespmem:s30+$0x2870] =	vst v34  }
0x23: {  	[tilespmem:s30+$0x2800] =	vst v35;
	v34 =	vld [tilespmem:s30+$0x1450]  }
0x24: {  	s31 =	simm.s32 $0x80;
	s0 =	simm.s32 $0x400;
	[tilespmem:s30+$0x2810] =	vst v36;
	v35 =	vld [tilespmem:s30+$0x1460]  }
.LBB2_2:
0x25: {  	p1 =	sne.s32 s0, $0x4E00;
	v36 =	vld [tilespmem:s31+$0x1470];
	[tilespmem:s30+$0x2820] =	vst v33  }
0x26: {  	v37 =	vld [tilespmem:s31+$0x1400];
	[tilespmem:s30+$0x2830] =	vst v31  }
0x27: {  	v38 =	vld [tilespmem:s31+$0x1410];
	[tilespmem:s30+$0x2840] =	vst v32  }
.Ltmp0:
0x28: {  	v33 =	vld [tilespmem:s31+$0x1420];
	[tilespmem:s30+$0x2850] =	vst v34;
	(pc) =	sbr.rel @p1 .LBB2_2-.Ltmp0, $4  }
0x29: {  	v31 =	vld [tilespmem:s31+$0x1430];
	[tilespmem:s30+$0x2860] =	vst v35;
	s30 =	smov.u32 s31  }
0x2a: {  	v32 =	vld [tilespmem:s30+$0x1440];
	[tilespmem:s30+$0x2870] =	vst v36  }
0x2b: {  	[tilespmem:s30+$0x2800] =	vst v37;
	v34 =	vld [tilespmem:s30+$0x1450]  }
0x2c: {  	s31 =	sshra.s32 s0, $0x2;
	s0 =	sadd.s32 $0x200, s0;
	[tilespmem:s30+$0x2810] =	vst v38;
	v35 =	vld [tilespmem:s30+$0x1460]  }
0x2d: {  	v36 =	vld [tilespmem:s31+$0x1470];
	[tilespmem:s30+$0x2820] =	vst v33  }
0x2e: {  	v33 =	vld [tilespmem:s31+$0x1400];
	[tilespmem:s30+$0x2830] =	vst v31  }
0x2f: {  	v31 =	vld [tilespmem:s31+$0x1410];
	[tilespmem:s30+$0x2840] =	vst v32  }
0x30: {  	v32 =	vld [tilespmem:s31+$0x1420];
	[tilespmem:s30+$0x2850] =	vst v34  }
0x31: {  	v34 =	vld [tilespmem:s31+$0x1430];
	[tilespmem:s30+$0x2860] =	vst v35  }
0x32: {  	v35 =	vld [tilespmem:s31+$0x1440];
	[tilespmem:s31+$0x2870] =	vst v36  }
0x33: {  	v63 =	vld [tilespmem:s31+$0x1450];
	[tilespmem:s31+$0x2800] =	vst v33  }
0x34: {  	[tilespmem:s31+$0x2810] =	vst v31;
	v31 =	vld [tilespmem:s31+$0x1460]  }
0x35: {  	[tilespmem:s31+$0x2820] =	vst v32  }
0x36: {  	[tilespmem:s31+$0x2830] =	vst v34  }
0x37: {  	[tilespmem:s31+$0x2840] =	vst v35  }
0x38: {  	[tilespmem:s31+$0x2850] =	vst v63  }
0x39: {  	s0 =	simm.s32 $0x0;
	s30 =	simm.s32 $0x200;
	[tilespmem:s31+$0x2860] =	vst v31  }
.LBB2_4:
0x3a: {  	p1 =	sne.s32 s30, $0xFE00;
	[tilespmem:s0+$0x7C70] =	vst v1  }
0x3b: {  	[tilespmem:s0+$0x7C00] =	vst v1  }
0x3c: {  	[tilespmem:s0+$0x7C10] =	vst v1  }
.Ltmp1:
0x3d: {  	[tilespmem:s0+$0x7C20] =	vst v1;
	(pc) =	sbr.rel @p1 .LBB2_4-.Ltmp1, $4  }
0x3e: {  	[tilespmem:s0+$0x7C30] =	vst v1  }
0x3f: {  	[tilespmem:s0+$0x7C40] =	vst v1  }
0x40: {  	[tilespmem:s0+$0x7C50] =	vst v1  }
0x41: {  	[tilespmem:s0+$0x7C60] =	vst v1;
	s0 =	sshra.s32 s30, $0x2;
	s30 =	sadd.s32 $0x200, s30  }
0x42: {  	[tilespmem:s0+$0x7C70] =	vst v1  }
0x43: {  	[tilespmem:s0+$0x7C00] =	vst v1  }
0x44: {  	[tilespmem:s0+$0x7C10] =	vst v1  }
0x45: {  	[tilespmem:s0+$0x7C20] =	vst v1  }
0x46: {  	[tilespmem:s0+$0x7C30] =	vst v1  }
0x47: {  	[tilespmem:s0+$0x7C40] =	vst v1  }
0x48: {  	[tilespmem:s0+$0x7C50] =	vst v1  }
0x49: {  	[tilespmem:s0+$0x7C60] =	vst v1  }
0x4a: {  	[spmem:s7] =	stream.linear.scatter [tilespmem:s21], [sflag:$0x3], $0x4000, $0x38;
	[tilespmem:$0x1FC00] =	vst v63  }
0x4b: {  	_ =	swait.ge [sflag:s17], $0x4000  }
0x4c: {  	[sflag:s17] =	ssyncset.done $0x0  }
0x4d: {  	[sflag:s17] =	ssyncadd.s32 $0xFFFFC000  }
0x4e: {  	[spmem:s8] =	stream.linear.scatter [tilespmem:s21], [sflag:$0x3], $0x4000, $0x38;
	[tilespmem:$0x1FC00] =	vst v63  }
0x4f: {  	_ =	swait.ge [sflag:s17], $0x4000  }
0x50: {  	[sflag:s17] =	ssyncset.done $0x0  }
0x51: {  	[sflag:s17] =	ssyncadd.s32 $0xFFFFC000  }
0x52: {  	[spmem:s9] =	stream.linear.scatter [tilespmem:s21], [sflag:$0x3], $0x4000, $0x38;
	[tilespmem:$0x1FC00] =	vst v63  }
0x53: {  	_ =	swait.ge [sflag:s17], $0x4000  }
0x54: {  	[sflag:s17] =	ssyncset.done $0x0  }
0x55: {  	[sflag:s17] =	ssyncadd.s32 $0xFFFFC000  }
0x56: {  	[spmem:s10] =	stream.linear.scatter [tilespmem:s21], [sflag:$0x3], $0x4000, $0x38;
	[tilespmem:$0x1FC00] =	vst v63  }
0x57: {  	_ =	swait.ge [sflag:s17], $0x4000  }
0x58: {  	[sflag:s17] =	ssyncset.done $0x0  }
0x59: {  	[sflag:s17] =	ssyncadd.s32 $0xFFFFC000  }
0x5a: {  	[spmem:s11] =	stream.linear.scatter [tilespmem:s21], [sflag:$0x3], $0x4000, $0x38;
	[tilespmem:$0x1FC00] =	vst v63  }
0x5b: {  	_ =	swait.ge [sflag:s17], $0x4000  }
0x5c: {  	[sflag:s17] =	ssyncset.done $0x0  }
0x5d: {  	[sflag:s17] =	ssyncadd.s32 $0xFFFFC000  }
0x5e: {  	s31 =	simm.s32 $0x80;
	[bflag:$0x0] =	sbarrier.arrive $0xFFFF  }
0x5f: {  	[tilespmem:s21], [sflag:$0x2] =	stream.indirect.gather [hbm4b:s4+s19], $0x80, s31, s19, $0xb8;
	[tilespmem:$0x1FC00] =	vst v63  }
0x60: {  	_ =	swait.ge [sflag:s22], $0x4000  }
0x61: {  	[sflag:s22] =	ssyncset.done $0x0  }
0x62: {  	s1 =	simm.s32 $0x2800;
	[sflag:s22] =	ssyncadd.s32 $0xFFFFC000  }
0x63: {  	[spmem:s2] =	stream.indirect.scatter.add.f32 [tilespmem:s20], [sflag:$0x3], $0x80, s1, s19, $0xb8;
	[tilespmem:$0x1FC00] =	vst v63  }
0x64: {  	_ =	swait.ge [sflag:s17], $0x4000  }
0x65: {  	[sflag:s17] =	ssyncset.done $0x0  }
0x66: {  	s5 =	simm.s32 $0x100;
	[sflag:s17] =	ssyncadd.s32 $0xFFFFC000  }
0x67: {  	[tilespmem:s20], [sflag:$0x1] =	stream.indirect.gather [hbm4b:s4+s19], $0x80, s5, s19, $0xb8;
	[tilespmem:$0x1FC00] =	vst v63  }
0x68: {  	_ =	swait.ge [sflag:s23], $0x4000  }
0x69: {  	[sflag:s23] =	ssyncset.done $0x0  }
0x6a: {  	s31 =	simm.s32 $0x2880;
	[sflag:s23] =	ssyncadd.s32 $0xFFFFC000  }
0x6b: {  	[spmem:s2] =	stream.indirect.scatter.add.f32 [tilespmem:s21], [sflag:$0x3], $0x80, s31, s19, $0xb8;
	[tilespmem:$0x1FC00] =	vst v63  }
0x6c: {  	_ =	swait.ge [sflag:s17], $0x4000  }
0x6d: {  	s0 =	simm.s32 $0x800;
	s30 =	simm.s32 $0x100;
	[sflag:s17] =	ssyncset.done $0x0  }
.LBB2_6:
0x6e: {  	s31 =	sadd.s32 $0x80, s30  }
0x6f: {  	[sflag:s17] =	ssyncadd.s32 $0xFFFFC000;
	s1 =	smov.u32 s0;
	s5 =	sadd.s32 $0x400, s0  }
0x70: {  	[tilespmem:s21], [sflag:$0x2] =	stream.indirect.gather [hbm4b:s4+s19], $0x80, s31, s19, $0xb8;
	[tilespmem:$0x1FC00] =	vst v63  }
0x71: {  	p1 =	sne.s32 s0, $0x4800;
	_ =	swait.ge [sflag:s22], $0x4000  }
0x72: {  	[sflag:s22] =	ssyncset.done $0x0  }
0x73: {  	s0 =	sadd.s32 $0x2800, s30;
	[sflag:s22] =	ssyncadd.s32 $0xFFFFC000  }
0x74: {  	[spmem:s2] =	stream.indirect.scatter.add.f32 [tilespmem:s20], [sflag:$0x3], $0x80, s0, s19, $0xb8;
	[tilespmem:$0x1FC00] =	vst v63  }
0x75: {  	_ =	swait.ge [sflag:s17], $0x4000  }
0x76: {  	[sflag:s17] =	ssyncset.done $0x0  }
0x77: {  	s0 =	sadd.s32 $0x100, s30;
	[sflag:s17] =	ssyncadd.s32 $0xFFFFC000  }
0x78: {  	[tilespmem:s20], [sflag:$0x1] =	stream.indirect.gather [hbm4b:s4+s19], $0x80, s0, s19, $0xb8;
	[tilespmem:$0x1FC00] =	vst v63  }
0x79: {  	_ =	swait.ge [sflag:s23], $0x4000  }
.Ltmp2:
0x7a: {  	[sflag:s23] =	ssyncset.done $0x0;
	(pc) =	sbr.rel @p1 .LBB2_6-.Ltmp2, $4  }
0x7b: {  	s0 =	sadd.s32 $0x2880, s30;
	[sflag:s23] =	ssyncadd.s32 $0xFFFFC000  }
0x7c: {  	[spmem:s2] =	stream.indirect.scatter.add.f32 [tilespmem:s21], [sflag:$0x3], $0x80, s0, s19, $0xb8;
	[tilespmem:$0x1FC00] =	vst v63  }
0x7d: {  	_ =	swait.ge [sflag:s17], $0x4000  }
0x7e: {  	s30 =	sshra.s32 s1, $0x2;
	s0 =	smov.u32 s5;
	[sflag:s17] =	ssyncset.done $0x0  }
0x7f: {  	s0 =	sadd.s32 $0x80, s30;
	[sflag:s17] =	ssyncadd.s32 $0xFFFFC000  }
0x80: {  	[tilespmem:s21], [sflag:$0x2] =	stream.indirect.gather [hbm4b:s4+s19], $0x80, s0, s19, $0xb8;
	[tilespmem:$0x1FC00] =	vst v63  }
0x81: {  	_ =	swait.ge [sflag:s22], $0x4000  }
0x82: {  	[sflag:s22] =	ssyncset.done $0x0  }
0x83: {  	s1 =	sadd.s32 $0x2800, s30;
	[sflag:s22] =	ssyncadd.s32 $0xFFFFC000  }
0x84: {  	[spmem:s2] =	stream.indirect.scatter.add.f32 [tilespmem:s20], [sflag:$0x3], $0x80, s1, s19, $0xb8;
	[tilespmem:$0x1FC00] =	vst v63  }
0x85: {  	_ =	swait.ge [sflag:s17], $0x4000  }
0x86: {  	[sflag:s17] =	ssyncset.done $0x0  }
0x87: {  	s5 =	sadd.s32 $0x100, s30;
	[sflag:s17] =	ssyncadd.s32 $0xFFFFC000  }
0x88: {  	[tilespmem:s20], [sflag:$0x1] =	stream.indirect.gather [hbm4b:s4+s19], $0x80, s5, s19, $0xb8;
	[tilespmem:$0x1FC00] =	vst v63  }
0x89: {  	_ =	swait.ge [sflag:s23], $0x4000  }
0x8a: {  	[sflag:s23] =	ssyncset.done $0x0  }
0x8b: {  	s1 =	sadd.s32 $0x2880, s30;
	[sflag:s23] =	ssyncadd.s32 $0xFFFFC000  }
0x8c: {  	[spmem:s2] =	stream.indirect.scatter.add.f32 [tilespmem:s21], [sflag:$0x3], $0x80, s1, s19, $0xb8;
	[tilespmem:$0x1FC00] =	vst v63  }
0x8d: {  	_ =	swait.ge [sflag:s17], $0x4000  }
0x8e: {  	[sflag:s17] =	ssyncset.done $0x0  }
0x8f: {  	[sflag:s17] =	ssyncadd.s32 $0xFFFFC000  }
0x90: {  	[tilespmem:s21], [sflag:$0x2] =	stream.indirect.gather [hbm4b:s4+s19], $0x80, s24, s19, $0xb8;
	[tilespmem:$0x1FC00] =	vst v63  }
0x91: {  	_ =	swait.ge [sflag:s22], $0x4000  }
0x92: {  	[sflag:s22] =	ssyncset.done $0x0  }
0x93: {  	[sflag:s22] =	ssyncadd.s32 $0xFFFFC000  }
0x94: {  	[spmem:s2] =	stream.indirect.scatter.add.f32 [tilespmem:s20], [sflag:$0x3], $0x80, s26, s19, $0xb8;
	[tilespmem:$0x1FC00] =	vst v63  }
0x95: {  	_ =	swait.ge [sflag:s17], $0x4000  }
0x96: {  	[sflag:s17] =	ssyncset.done $0x0  }
0x97: {  	[sflag:s17] =	ssyncadd.s32 $0xFFFFC000  }
0x98: {  	_ =	swait.ge [sflag:s23], $0x4000  }
0x99: {  	[sflag:s23] =	ssyncset.done $0x0  }
0x9a: {  	[sflag:s23] =	ssyncadd.s32 $0xFFFFC000  }
0x9b: {  	[spmem:s2] =	stream.indirect.scatter.add.f32 [tilespmem:s21], [sflag:$0x3], $0x80, s28, s19, $0xb8;
	[tilespmem:$0x1FC00] =	vst v63  }
0x9c: {  	_ =	swait.ge [sflag:s17], $0x4000  }
0x9d: {  	[sflag:s17] =	ssyncset.done $0x0  }
0x9e: {  	s5 =	simm.s32 $0x0;
	[sflag:s17] =	ssyncadd.s32 $0xFFFFC000  }
0x9f: {  	[tilespmem:s5], [sflag:$0x3] =	stream.linear.gather [hbm4b:s12+s5], $0x1310, $0x38;
	[tilespmem:$0x1FC00] =	vst v63  }
0xa0: {  	_ =	swait.ge [sflag:s17], $0x1310  }
0xa1: {  	[sflag:s17] =	ssyncset.done $0x0  }
0xa2: {  	[sflag:s17] =	ssyncadd.s32 $0xFFFFECF0  }
0xa3: {  	[tilespmem:s18], [sflag:$0x3] =	stream.linear.gather [hbm4b:s13+s5], $0x1310, $0x38;
	[tilespmem:$0x1FC00] =	vst v63  }
0xa4: {  	_ =	swait.ge [sflag:s17], $0x1310  }
0xa5: {  	[sflag:s17] =	ssyncset.done $0x0  }
0xa6: {  	[sflag:s17] =	ssyncadd.s32 $0xFFFFECF0  }
0xa7: {  	[tilespmem:$0x1310] =	vst v0  }
0xa8: {  	[tilespmem:$0x2710] =	vst v2  }
0xa9: {  	[tilespmem:$0x1320] =	vst v3  }
0xaa: {  	[tilespmem:$0x2720] =	vst v4  }
0xab: {  	[tilespmem:$0x1330] =	vst v5  }
0xac: {  	[tilespmem:$0x2730] =	vst v6  }
0xad: {  	[tilespmem:$0x1340] =	vst v7  }
0xae: {  	[tilespmem:$0x2740] =	vst v8  }
0xaf: {  	[tilespmem:$0x1350] =	vst v9  }
0xb0: {  	[tilespmem:$0x2750] =	vst v10  }
0xb1: {  	[tilespmem:$0x1360] =	vst v11  }
0xb2: {  	[tilespmem:$0x2760] =	vst v12  }
0xb3: {  	[tilespmem:$0x1370] =	vst v13  }
0xb4: {  	[tilespmem:$0x2770] =	vst v14  }
0xb5: {  	[tilespmem:$0x1380] =	vst v15  }
0xb6: {  	[tilespmem:$0x2780] =	vst v16  }
0xb7: {  	[tilespmem:$0x1390] =	vst v17  }
0xb8: {  	[tilespmem:$0x2790] =	vst v18  }
0xb9: {  	[tilespmem:$0x13A0] =	vst v19  }
0xba: {  	[tilespmem:$0x27A0] =	vst v20  }
0xbb: {  	[tilespmem:$0x13B0] =	vst v21  }
0xbc: {  	[tilespmem:$0x27B0] =	vst v22  }
0xbd: {  	[tilespmem:$0x13C0] =	vst v23  }
0xbe: {  	[tilespmem:$0x27C0] =	vst v24  }
0xbf: {  	[tilespmem:$0x13D0] =	vst v25  }
0xc0: {  	[tilespmem:$0x27D0] =	vst v26  }
0xc1: {  	[tilespmem:$0x13E0] =	vst v27  }
0xc2: {  	[tilespmem:$0x27E0] =	vst v28  }
0xc3: {  	[tilespmem:$0x13F0] =	vst v29  }
0xc4: {  	s30 =	simm.s32 $0x0;
	[tilespmem:$0x27F0] =	vst v30  }
0xc5: {  	[tilespmem:s20], [sflag:$0x1] =	stream.indirect.gather [hbm4b:s4+s19], $0x80, s5, s19, $0xb8;
	[tilespmem:$0x1FC00] =	vst v63  }
0xc6: {  	v34 =	vld [tilespmem:s30+$0x1470]  }
0xc7: {  	v35 =	vld [tilespmem:s30+$0x1400]  }
0xc8: {  	v36 =	vld [tilespmem:s30+$0x1410]  }
0xc9: {  	v33 =	vld [tilespmem:s30+$0x1420]  }
0xca: {  	v31 =	vld [tilespmem:s30+$0x1430]  }
0xcb: {  	v32 =	vld [tilespmem:s30+$0x1440];
	[tilespmem:s30+$0x2870] =	vst v34  }
0xcc: {  	[tilespmem:s30+$0x2800] =	vst v35;
	v34 =	vld [tilespmem:s30+$0x1450]  }
0xcd: {  	s31 =	simm.s32 $0x80;
	s0 =	simm.s32 $0x400;
	[tilespmem:s30+$0x2810] =	vst v36;
	v35 =	vld [tilespmem:s30+$0x1460]  }
.LBB2_8:
0xce: {  	p1 =	sne.s32 s0, $0x4E00;
	v36 =	vld [tilespmem:s31+$0x1470];
	[tilespmem:s30+$0x2820] =	vst v33  }
0xcf: {  	v37 =	vld [tilespmem:s31+$0x1400];
	[tilespmem:s30+$0x2830] =	vst v31  }
0xd0: {  	v38 =	vld [tilespmem:s31+$0x1410];
	[tilespmem:s30+$0x2840] =	vst v32  }
.Ltmp3:
0xd1: {  	v33 =	vld [tilespmem:s31+$0x1420];
	[tilespmem:s30+$0x2850] =	vst v34;
	(pc) =	sbr.rel @p1 .LBB2_8-.Ltmp3, $4  }
0xd2: {  	v31 =	vld [tilespmem:s31+$0x1430];
	[tilespmem:s30+$0x2860] =	vst v35;
	s30 =	smov.u32 s31  }
0xd3: {  	v32 =	vld [tilespmem:s30+$0x1440];
	[tilespmem:s30+$0x2870] =	vst v36  }
0xd4: {  	[tilespmem:s30+$0x2800] =	vst v37;
	v34 =	vld [tilespmem:s30+$0x1450]  }
0xd5: {  	s31 =	sshra.s32 s0, $0x2;
	s0 =	sadd.s32 $0x200, s0;
	[tilespmem:s30+$0x2810] =	vst v38;
	v35 =	vld [tilespmem:s30+$0x1460]  }
0xd6: {  	v36 =	vld [tilespmem:s31+$0x1470];
	[tilespmem:s30+$0x2820] =	vst v33  }
0xd7: {  	v33 =	vld [tilespmem:s31+$0x1400];
	[tilespmem:s30+$0x2830] =	vst v31  }
0xd8: {  	v31 =	vld [tilespmem:s31+$0x1410];
	[tilespmem:s30+$0x2840] =	vst v32  }
0xd9: {  	v32 =	vld [tilespmem:s31+$0x1420];
	[tilespmem:s30+$0x2850] =	vst v34  }
0xda: {  	v34 =	vld [tilespmem:s31+$0x1430];
	[tilespmem:s30+$0x2860] =	vst v35  }
0xdb: {  	v35 =	vld [tilespmem:s31+$0x1440];
	[tilespmem:s31+$0x2870] =	vst v36  }
0xdc: {  	v63 =	vld [tilespmem:s31+$0x1450];
	[tilespmem:s31+$0x2800] =	vst v33  }
0xdd: {  	[tilespmem:s31+$0x2810] =	vst v31;
	v31 =	vld [tilespmem:s31+$0x1460]  }
0xde: {  	[tilespmem:s31+$0x2820] =	vst v32  }
0xdf: {  	[tilespmem:s31+$0x2830] =	vst v34  }
0xe0: {  	[tilespmem:s31+$0x2840] =	vst v35  }
0xe1: {  	[tilespmem:s31+$0x2850] =	vst v63  }
0xe2: {  	s0 =	simm.s32 $0x80;
	[tilespmem:s31+$0x2860] =	vst v31  }
0xe3: {  	[tilespmem:s21], [sflag:$0x2] =	stream.indirect.gather [hbm4b:s4+s19], $0x80, s0, s19, $0xb8;
	[tilespmem:$0x1FC00] =	vst v63  }
0xe4: {  	_ =	swait.ge [sflag:s22], $0x4000  }
0xe5: {  	[sflag:s22] =	ssyncset.done $0x0  }
0xe6: {  	s1 =	simm.s32 $0x2800;
	[sflag:s22] =	ssyncadd.s32 $0xFFFFC000  }
0xe7: {  	[spmem:s2] =	stream.indirect.scatter.add.f32 [tilespmem:s20], [sflag:$0x3], $0x80, s1, s19, $0xb8;
	[tilespmem:$0x1FC00] =	vst v63  }
0xe8: {  	_ =	swait.ge [sflag:s17], $0x4000  }
0xe9: {  	[sflag:s17] =	ssyncset.done $0x0  }
0xea: {  	s5 =	simm.s32 $0x100;
	[sflag:s17] =	ssyncadd.s32 $0xFFFFC000  }
0xeb: {  	[tilespmem:s20], [sflag:$0x1] =	stream.indirect.gather [hbm4b:s4+s19], $0x80, s5, s19, $0xb8;
	[tilespmem:$0x1FC00] =	vst v63  }
0xec: {  	_ =	swait.ge [sflag:s23], $0x4000  }
0xed: {  	[sflag:s23] =	ssyncset.done $0x0  }
0xee: {  	s31 =	simm.s32 $0x2880;
	[sflag:s23] =	ssyncadd.s32 $0xFFFFC000  }
0xef: {  	[spmem:s2] =	stream.indirect.scatter.add.f32 [tilespmem:s21], [sflag:$0x3], $0x80, s31, s19, $0xb8;
	[tilespmem:$0x1FC00] =	vst v63  }
0xf0: {  	_ =	swait.ge [sflag:s17], $0x4000  }
0xf1: {  	s30 =	simm.s32 $0x100;
	s0 =	simm.s32 $0x800;
	[sflag:s17] =	ssyncset.done $0x0  }
.LBB2_10:
0xf2: {  	s1 =	sadd.s32 $0x80, s30  }
0xf3: {  	[sflag:s17] =	ssyncadd.s32 $0xFFFFC000;
	s5 =	smov.u32 s0;
	s31 =	sadd.s32 $0x400, s0  }
0xf4: {  	[tilespmem:s21], [sflag:$0x2] =	stream.indirect.gather [hbm4b:s4+s19], $0x80, s1, s19, $0xb8;
	[tilespmem:$0x1FC00] =	vst v63  }
0xf5: {  	p1 =	sne.s32 s0, $0x4800;
	_ =	swait.ge [sflag:s22], $0x4000  }
0xf6: {  	[sflag:s22] =	ssyncset.done $0x0  }
0xf7: {  	s0 =	sadd.s32 $0x2800, s30;
	[sflag:s22] =	ssyncadd.s32 $0xFFFFC000  }
0xf8: {  	[spmem:s2] =	stream.indirect.scatter.add.f32 [tilespmem:s20], [sflag:$0x3], $0x80, s0, s19, $0xb8;
	[tilespmem:$0x1FC00] =	vst v63  }
0xf9: {  	_ =	swait.ge [sflag:s17], $0x4000  }
0xfa: {  	[sflag:s17] =	ssyncset.done $0x0  }
0xfb: {  	s0 =	sadd.s32 $0x100, s30;
	[sflag:s17] =	ssyncadd.s32 $0xFFFFC000  }
0xfc: {  	[tilespmem:s20], [sflag:$0x1] =	stream.indirect.gather [hbm4b:s4+s19], $0x80, s0, s19, $0xb8;
	[tilespmem:$0x1FC00] =	vst v63  }
0xfd: {  	_ =	swait.ge [sflag:s23], $0x4000  }
.Ltmp4:
0xfe: {  	[sflag:s23] =	ssyncset.done $0x0;
	(pc) =	sbr.rel @p1 .LBB2_10-.Ltmp4, $4  }
0xff: {  	s0 =	sadd.s32 $0x2880, s30;
	[sflag:s23] =	ssyncadd.s32 $0xFFFFC000  }
0x100: {  	[spmem:s2] =	stream.indirect.scatter.add.f32 [tilespmem:s21], [sflag:$0x3], $0x80, s0, s19, $0xb8;
	[tilespmem:$0x1FC00] =	vst v63  }
0x101: {  	_ =	swait.ge [sflag:s17], $0x4000  }
0x102: {  	s30 =	sshra.s32 s5, $0x2;
	s0 =	smov.u32 s31;
	[sflag:s17] =	ssyncset.done $0x0  }
0x103: {  	s0 =	sadd.s32 $0x80, s30;
	[sflag:s17] =	ssyncadd.s32 $0xFFFFC000  }
0x104: {  	[tilespmem:s21], [sflag:$0x2] =	stream.indirect.gather [hbm4b:s4+s19], $0x80, s0, s19, $0xb8;
	[tilespmem:$0x1FC00] =	vst v63  }
0x105: {  	_ =	swait.ge [sflag:s22], $0x4000  }
0x106: {  	[sflag:s22] =	ssyncset.done $0x0  }
0x107: {  	s1 =	sadd.s32 $0x2800, s30;
	[sflag:s22] =	ssyncadd.s32 $0xFFFFC000  }
0x108: {  	[spmem:s2] =	stream.indirect.scatter.add.f32 [tilespmem:s20], [sflag:$0x3], $0x80, s1, s19, $0xb8;
	[tilespmem:$0x1FC00] =	vst v63  }
0x109: {  	_ =	swait.ge [sflag:s17], $0x4000  }
0x10a: {  	[sflag:s17] =	ssyncset.done $0x0  }
0x10b: {  	s5 =	sadd.s32 $0x100, s30;
	[sflag:s17] =	ssyncadd.s32 $0xFFFFC000  }
0x10c: {  	[tilespmem:s20], [sflag:$0x1] =	stream.indirect.gather [hbm4b:s4+s19], $0x80, s5, s19, $0xb8;
	[tilespmem:$0x1FC00] =	vst v63  }
0x10d: {  	_ =	swait.ge [sflag:s23], $0x4000  }
0x10e: {  	[sflag:s23] =	ssyncset.done $0x0  }
0x10f: {  	s31 =	sadd.s32 $0x2880, s30;
	[sflag:s23] =	ssyncadd.s32 $0xFFFFC000  }
0x110: {  	[spmem:s2] =	stream.indirect.scatter.add.f32 [tilespmem:s21], [sflag:$0x3], $0x80, s31, s19, $0xb8;
	[tilespmem:$0x1FC00] =	vst v63  }
0x111: {  	_ =	swait.ge [sflag:s17], $0x4000  }
0x112: {  	[sflag:s17] =	ssyncset.done $0x0  }
0x113: {  	[sflag:s17] =	ssyncadd.s32 $0xFFFFC000  }
0x114: {  	[tilespmem:s21], [sflag:$0x2] =	stream.indirect.gather [hbm4b:s4+s19], $0x80, s24, s19, $0xb8;
	[tilespmem:$0x1FC00] =	vst v63  }
0x115: {  	_ =	swait.ge [sflag:s22], $0x4000  }
0x116: {  	[sflag:s22] =	ssyncset.done $0x0  }
0x117: {  	[sflag:s22] =	ssyncadd.s32 $0xFFFFC000  }
0x118: {  	[spmem:s2] =	stream.indirect.scatter.add.f32 [tilespmem:s20], [sflag:$0x3], $0x80, s26, s19, $0xb8;
	[tilespmem:$0x1FC00] =	vst v63  }
0x119: {  	_ =	swait.ge [sflag:s17], $0x4000  }
0x11a: {  	[sflag:s17] =	ssyncset.done $0x0  }
0x11b: {  	[sflag:s17] =	ssyncadd.s32 $0xFFFFC000  }
0x11c: {  	_ =	swait.ge [sflag:s23], $0x4000  }
0x11d: {  	[sflag:s23] =	ssyncset.done $0x0  }
0x11e: {  	[sflag:s23] =	ssyncadd.s32 $0xFFFFC000  }
0x11f: {  	[spmem:s2] =	stream.indirect.scatter.add.f32 [tilespmem:s21], [sflag:$0x3], $0x80, s28, s19, $0xb8;
	[tilespmem:$0x1FC00] =	vst v63  }
0x120: {  	_ =	swait.ge [sflag:s17], $0x4000  }
0x121: {  	[sflag:s17] =	ssyncset.done $0x0  }
0x122: {  	[sflag:s17] =	ssyncadd.s32 $0xFFFFC000  }
0x123: {  	s0 =	simm.s32 @p0 $0x1FC3;
	[bflag:$0x0] =	sbarrier.arrive $0xFFFF  }
0x124: {  	[hbm:s15], [sflag:s0] =	dma.local @p0 [spmem:s25], $0x1900  }
0x125: {  	s0 =	simm.s32 @p0 $0x3  }
0x126: {  	s29 =	sadd.s32 $0x1, s29;
	s1 =	stileid.u32;
	_ =	swait.ge @p0 [sflag:s0], $0x1900  }
0x127: {  	p1 =	sne.s32 s29, s16;
	s1 =	sshll.u32 @!p0 s1, $0x6;
	[sflag:s0] =	ssyncset.done @p0 $0x0  }
0x128: {  	[sflag:s0] =	ssyncadd.s32 @p0 $0xFFFFE700;
	s0 =	sor.u32 @!p0 $0x1C03, s1;
	s1 =	sshrl.u32 @!p0 s7, $0x3  }
0x129: {  	[hbm:s14], [sflag:s0] =	dma.local @!p0 [spmem:s1], $0x2800  }
.Ltmp5:
0x12a: {  	_ = 	snop;
	(pc) =	sbr.rel @p1 .LBB2_1-.Ltmp5, $4  }
0x12b: {  	s0 =	simm.s32 @!p0 $0x3  }
0x12c: {  	_ =	swait.ge @!p0 [sflag:s0], $0x2800  }
0x12d: {  	[sflag:s0] =	ssyncset.done @!p0 $0x0  }
0x12e: {  	[sflag:s0] =	ssyncadd.s32 @!p0 $0xFFFFD800  }
0x12f: {  	_ =	sfence.sel $0x180000  }
0x130: {  	[bflag:$0x0] =	sbarrier.arrive $0xFFFF  }
0x131: {  	_ =	strace $0x9000004D  }
0x132: {  	s0 =	stileid.u32;
	[bflag:$0x2] =	sbarrier.arrive $0xFFFF  }
0x133: {  	p0 =	sne.s32 s0, $0x0;
	s0 =	rddreg [dreg:$0x2]  }
0x134: {  	s0 =	sadd.s32 @!p0 $0x100000, s0  }
0x135: {  	[sflag:s0] =	ssyncadd.tile.s32 @!p0 $0x1;
	_ =	shalt  }
.Lfunc_end2:
_tile_overlayer_lowered:
.L_overlay_start_2:
0x136: {  	(tag) =	ssettag $0x2  }
0x137: {  	s0 =	rddreg [dreg:$0x0];
	s2 =	stileid.u32  }
0x138: {  	s1 =	rddreg [dreg:$0x1];
	p0 =	sne.s32 s2, $0x0  }
0x139: {  	s3 =	rddreg [dreg:$0x2];
	[bflag:$0x3] =	sbarrier.arrive $0xFFFF;
	s2 =	simm.s32 @!p0 $0x1C03  }
0x13a: {  	[timem:s3], [sflag:s2] =	dma.local @!p0 [hbm:s0], s1  }
0x13b: {  	s0 =	simm.s32 @!p0 $0x3  }
0x13c: {  	_ =	swait.ge @!p0 [sflag:s0], s1  }
0x13d: {  	s1 =	ssub.s32 @!p0 $0x0, s1;
	[sflag:s0] =	ssyncset.done @!p0 $0x0  }
0x13e: {  	[sflag:s0] =	ssyncadd.s32 @!p0 s1  }
0x13f: {  	[bflag:$0x3] =	sbarrier.arrive $0xFFFF  }
0x140: {  	_ =	shalt  }

// kernel: kernel.8.cloned.1.call-start
scs
__scs_entry_jumppad:
0x0: {  	(pc) =	sbr.rel $0x88, $3  }
0x1: {  	(tag) =	ssettag $0x0;
	lr =	simm.s32 $0x1  }
0x2: {  	[smem:$0x3F9B] =	sst lr;
	_ =	strace $0xD0000000  }
0x3: {  	_ = 	snop  }
0x4: {  	_ = 	snop  }
0x5: {  	_ = 	snop  }
0x6: {  	_ = 	snop  }
0x7: {  	_ = 	snop  }
__scs_overlays_trampoline_lowered:
0x8: {  	[smem:$0x3FAA] =	sst s0  }
0x9: {  	[smem:$0x3FAB] =	sst s1  }
0xa: {  	[smem:$0x3FAC] =	sst s2  }
0xb: {  	[smem:$0x3FAD] =	sst s3  }
0xc: {  	[smem:$0x3FAE] =	sst s4  }
0xd: {  	[smem:$0x3FAF] =	sst s5  }
0xe: {  	[smem:$0x3FB0] =	sst s6  }
0xf: {  	[smem:$0x3FB1] =	sst s7  }
0x10: {  	[smem:$0x3FB2] =	sst s8  }
0x11: {  	[smem:$0x3FB3] =	sst s9;
	s0 =	simm.s32 @!p0 $0x0  }
0x12: {  	s1 =	sld [smem:$0x3F99];
	s0 =	simm.s32 @p0 $0x1  }
0x13: {  	[smem:$0x3FB4] =	sst s0;
	s0 =	simm.s32 @!p1 $0x0  }
0x14: {  	s2 =	sld [smem:$0x3F98];
	s0 =	simm.s32 @p1 $0x1  }
0x15: {  	[smem:$0x3FB5] =	sst s0;
	s0 =	simm.s32 @!p2 $0x0  }
0x16: {  	s3 =	sld [smem:$0x3FDB];
	s0 =	simm.s32 @p2 $0x1  }
0x17: {  	s4 =	simm.s32 $0x1BF5;
	[smem:$0x3FB7] =	sst s0  }
0x18: {  	s0 =	sld [smem:$0x3F9A];
	_ =	swait.ge [sflag:s4], $0x0  }
0x19: {  	s7 =	sld [smem:$0x3F9B]  }
0x1a: {  	s8 =	sadd.s32 $0xFFFFE003, lr  }
0x1b: {  	s9 =	sadd.s32 $0xFFFFFEF7, lr;
	s5 =	simm.s32 $0xFFFFFFFF;
	p2 =	slt.u32 s8, $0xFFFFF086  }
0x1c: {  	p1 =	slt.u32 s9, $0xF7A;
	s5 =	simm.s32 @!p2 $0x0  }
0x1d: {  	s5 =	simm.s32 @p1 $0x1;
	p0 =	seq.s32 s7, s2  }
0x1e: {  	s7 =	smul.u32 @!p0 $0xF7A, s2;
	p2 =	seq.s32 @!p0 s5, $0x0  }
0x1f: {  	s9 =	smul.u32 $0xF7A, s1;
	s8 =	simm.s32 @!p0 $0x1BF5;
	p2 =	por !p2, p0  }
0x20: {  	[sflag:s8] =	ssyncset.s32 @!p0 $0xFFFFF086;
	s6 =	sadd.s32 @!p0 s3, s7;
	s7 =	simm.s32 @!p0 $0x108  }
0x21: {  	s3 =	sadd.s32 s3, s9;
	s6 =	sadd.s32 @!p0 $0x88, s6;
	s7 =	simm.s32 @p2 $0x1082  }
0x22: {  	[simem:s7], [sflag:s8] =	dma.local @!p0 [hbm:s6], $0xF7A  }
0x23: {  	s9 =	sor.u32 $0xD0000000, s2;
	s6 =	simm.s32 $0x108;
	_ =	swait.ge @!p0 [sflag:s8], $0x0  }
0x24: {  	s3 =	sadd.s32 $0x88, s3;
	s6 =	simm.s32 @!p1 $0x1082;
	[sflag:s4] =	ssyncset.s32 $0xFFFFF086  }
0x25: {  	[simem:s6], [sflag:s4] =	dma.local [hbm:s3], $0xF7A  }
0x26: {  	[smem:$0x3F9B] =	sst s1;
	(tag) =	ssettag s2;
	_ =	strace s9  }
0x27: {  	s1 =	sld [smem:$0x3FAB]  }
0x28: {  	s2 =	sld [smem:$0x3FAC]  }
0x29: {  	s4 =	sld [smem:$0x3FAE]  }
0x2a: {  	p0 =	seq.s32 s5, $0x0;
	s5 =	sld [smem:$0x3FAF]  }
0x2b: {  	s6 =	sld [smem:$0x3FB0]  }
0x2c: {  	s7 =	sld [smem:$0x3FB1]  }
0x2d: {  	s3 =	simm.s32 $0x108;
	s8 =	sld [smem:$0x3FB2]  }
0x2e: {  	s3 =	simm.s32 @!p0 $0x1082;
	s9 =	sld [smem:$0x3FB3]  }
0x2f: {  	lr =	sadd.s32 s0, s3;
	s0 =	sld [smem:$0x3FAA]  }
0x30: {  	s3 =	sld [smem:$0x3FAD]  }
0x31: {  	[smem:$0x3FB6] =	sst s10  }
0x32: {  	s10 =	sld [smem:$0x3FB4];
	_ =	sdelay $0x3  }
0x33: {  	p0 =	seq.s32 s10, $0x1;
	s10 =	sld [smem:$0x3FB6];
	_ =	sdelay $0x3  }
0x34: {  	[smem:$0x3FB6] =	sst s10  }
0x35: {  	s10 =	sld [smem:$0x3FB5];
	_ =	sdelay $0x3  }
0x36: {  	p1 =	seq.s32 s10, $0x1;
	s10 =	sld [smem:$0x3FB6];
	_ =	sdelay $0x3  }
0x37: {  	[smem:$0x3FB6] =	sst s10  }
0x38: {  	s10 =	sld [smem:$0x3FB7]  }
0x39: {  	_ = 	snop;
	(pc) =	sbr.ind lr, $3  }
0x3a: {  	_ = 	snop  }
0x3b: {  	_ = 	snop  }
0x3c: {  	p2 =	seq.s32 s10, $0x1;
	s10 =	sld [smem:$0x3FB6]  }
0x3d: {  	_ =	shalt  }
0x3e: {  	_ =	shalt  }
0x3f: {  	_ =	shalt  }
0x40: {  	_ =	shalt  }
0x41: {  	_ =	shalt  }
0x42: {  	_ =	shalt  }
0x43: {  	_ =	shalt  }
0x44: {  	_ =	shalt  }
0x45: {  	_ =	shalt  }
0x46: {  	_ =	shalt  }
0x47: {  	_ =	shalt  }
0x48: {  	_ =	shalt  }
0x49: {  	_ =	shalt  }
0x4a: {  	_ =	shalt  }
0x4b: {  	_ =	shalt  }
0x4c: {  	_ =	shalt  }
0x4d: {  	_ =	shalt  }
0x4e: {  	_ =	shalt  }
0x4f: {  	_ =	shalt  }
0x50: {  	_ =	shalt  }
0x51: {  	_ =	shalt  }
0x52: {  	_ =	shalt  }
0x53: {  	_ =	shalt  }
0x54: {  	_ =	shalt  }
0x55: {  	_ =	shalt  }
0x56: {  	_ =	shalt  }
0x57: {  	_ =	shalt  }
0x58: {  	_ =	shalt  }
0x59: {  	_ =	shalt  }
0x5a: {  	_ =	shalt  }
0x5b: {  	_ =	shalt  }
0x5c: {  	_ =	shalt  }
0x5d: {  	_ =	shalt  }
0x5e: {  	_ =	shalt  }
0x5f: {  	_ =	shalt  }
0x60: {  	_ =	shalt  }
0x61: {  	_ =	shalt  }
0x62: {  	_ =	shalt  }
0x63: {  	_ =	shalt  }
0x64: {  	_ =	shalt  }
0x65: {  	_ =	shalt  }
0x66: {  	_ =	shalt  }
0x67: {  	_ =	shalt  }
0x68: {  	_ =	shalt  }
0x69: {  	_ =	shalt  }
0x6a: {  	_ =	shalt  }
0x6b: {  	_ =	shalt  }
0x6c: {  	_ =	shalt  }
0x6d: {  	_ =	shalt  }
0x6e: {  	_ =	shalt  }
0x6f: {  	_ =	shalt  }
0x70: {  	_ =	shalt  }
0x71: {  	_ =	shalt  }
0x72: {  	_ =	shalt  }
0x73: {  	_ =	shalt  }
0x74: {  	_ =	shalt  }
0x75: {  	_ =	shalt  }
0x76: {  	_ =	shalt  }
0x77: {  	_ =	shalt  }
0x78: {  	_ =	shalt  }
0x79: {  	_ =	shalt  }
0x7a: {  	_ =	shalt  }
0x7b: {  	_ =	shalt  }
0x7c: {  	_ =	shalt  }
0x7d: {  	_ =	shalt  }
0x7e: {  	_ =	shalt  }
0x7f: {  	_ =	shalt  }
0x80: {  	_ =	shalt  }
0x81: {  	_ =	shalt  }
0x82: {  	_ =	shalt  }
0x83: {  	_ =	shalt  }
0x84: {  	_ =	shalt  }
0x85: {  	_ =	shalt  }
0x86: {  	_ =	shalt  }
0x87: {  	_ =	shalt  }
.Lfunc_end0:
.L_simem_size_0:
called_computation_lowered:
.L_overlay_start_0:
0x88: {  	s2 =	sld [smem:$0x3FD9]  }
0x89: {  	s3 =	sld [smem:$0x3FFE];
	_ =	sdelay $0x1  }
0x8a: {  	s1 =	srdreg.scid  }
0x8b: {  	s0 =	sand.u32 $0x1, s1  }
0x8c: {  	s18 =	sshll.u32 s0, $0xA;
	s2 =	sadd.s32 s3, s2  }
0x8d: {  	s2 =	sadd.s32 s2, s18  }
0x8e: {  	[smem:$0x3FC2] =	sst s2  }
0x8f: {  	_ = 	snop  }
0x90: {  	s2 =	sld [smem:$0x3FC8]  }
0x91: {  	s19 =	sld [smem:$0x3FD0];
	(tm) =	ssettm $0x1  }
0x92: {  	s4 =	sld [smem:$0x3FFB];
	_ =	sdelay $0x3  }
0x93: {  	_ =	strace s4  }
0x94: {  	s4 =	sld [smem:$0x3FFC];
	_ =	sdelay $0x3  }
0x95: {  	_ =	strace s4  }
0x96: {  	s4 =	sld [smem:$0x3FFD];
	_ =	sdelay $0x3  }
0x97: {  	_ =	strace s4  }
0x98: {  	_ =	strace $0x8FFFFFFF  }
0x99: {  	s20 =	sld [smem:$0x3FDB];
	_ =	sdelay $0x1  }
0x9a: {  	s5 =	simm.s32 $_scs_section_size  }
0x9b: {  	s6 =	simm.s32 $_size__tile_overlayer_lowered;
	s7 =	simm.s32 $_tile_overlayer_lowered  }
0x9c: {  	s23 =	simm.s32 $0x1BFF;
	s22 =	sshll.u32 s7, $0x1;
	s4 =	sadd.s32 s5, s20  }
0x9d: {  	s8 =	simm.s32 $0x0;
	s21 =	sshll.u32 s6, $0x1;
	s6 =	sadd.s32 s22, s4  }
0x9e: {  	[timem:s8], [sflag:s23] =	dma.local [hbm:s6], s21  }
0x9f: {  	_ =	swait.ge [sflag:s23], s21  }
0xa0: {  	s5 =	ssub.s32 $0x0, s21;
	[sflag:s23] =	ssyncset.done $0x0  }
0xa1: {  	[sflag:s23] =	ssyncadd.s32 s5;
	_ =	sdelay $0x1  }
0xa2: {  	s24 =	simm.s32 $0x1B8B  }
0xa3: {  	_ =	swait.ge [sflag:s24], $0x1  }
0xa4: {  	[sflag:s24] =	ssyncset.done $0x0  }
0xa5: {  	s25 =	simm.s32 $0x1B8E;
	[sflag:s24] =	ssyncadd.s32 $0xFFFFFFFF  }
0xa6: {  	s26 =	simm.s32 $execute0_lowered;
	[smem:$0x3FD2] =	sst s25  }
0xa7: {  	s5 =	sshll.u32 s26, $0x1;
	_ =	strace $0x80000046;
	[dreg:$0x1] =	wrdreg $0xFFFFFFFF  }
0xa8: {  	s28 =	simm.s32 $_size_execute0_lowered;
	s4 =	sadd.s32 s4, s5;
	[dreg:$0x0] =	wrdreg $0x0  }
0xa9: {  	s5 =	sshll.u32 s28, $0x1;
	[dreg:$0x2] =	wrdreg s4  }
0xaa: {  	[dreg:$0x3] =	wrdreg s5  }
0xab: {  	[dreg:$0x4] =	wrdreg $0xC0  }
0xac: {  	_ =	task [dreg:s8], $0x5FFFF  }
0xad: {  	[dreg:$0x1] =	wrdreg $0xFFFFFFFF  }
0xae: {  	[dreg:$0x0] =	wrdreg $0x60  }
0xaf: {  	[dreg:$0x2] =	wrdreg s2  }
0xb0: {  	[dreg:$0x3] =	wrdreg s19  }
0xb1: {  	[dreg:$0x4] =	wrdreg $0x9  }
0xb2: {  	_ =	task.clear_ibuf [dreg:s8], $0x5FFFF;
	_ =	strace $0x90000046  }
0xb3: {  	s29 =	simm.s32 $0x9;
	_ =	strace $0x80000048  }
0xb4: {  	_ =	swait.ge [sflag:s29], $0x1  }
0xb5: {  	[sflag:s29] =	ssyncadd.s32 $0xFFFFFFFF  }
0xb6: {  	_ =	strace $0x90000048  }
0xb7: {  	_ =	sfence  }
0xb8: {  	s30 =	sld [smem:$0x0];
	_ =	sdelay $0x2  }
0xb9: {  	s31 =	sshll.u32 s1, $0xD;
	s1 =	sshrl.u32 s1, $0x2  }
0xba: {  	s3 =	sand.u32 $0x4000, s31;
	s1 =	sadd.s32 s1, s30  }
0xbb: {  	s0 =	sor.u32 s3, s0;
	s1 =	sshll.u32 s1, $0x11  }
0xbc: {  	s0 =	sor.u32 s1, s0  }
0xbd: {  	s0 =	sadd.s32 $0x8F2B, s0  }
0xbe: {  	[sflag:s0] =	ssyncadd.remote.s32 $0x1  }
0xbf: {  	_ =	sfence.sel $0xFFFF  }
0xc0: {  	[dreg:$0x0] =	wrdreg $0xFFFFFFFF;
	(pc) =	sbr.abs _section_cstart, $3  }
0xc1: {  	[dreg:$0x1] =	wrdreg $0xFFFFFFFF  }
0xc2: {  	_ =	task.clear_ibuf [dreg:s8], $0x2FFFF;
	_ =	strace $0x9FFFFFFF  }
0xc3: {  	(tm) =	ssettm $0x7FFFFFFF  }
tec
execute0_lowered:
.L_overlay_start_1:
0x0: {  	(tag) =	ssettag $0x1  }
0x1: {  	s4 =	rddreg [dreg:$0x0]  }
0x2: {  	s5 =	rddreg [dreg:$0x1]  }
0x3: {  	s1 =	srdreg.scid;
	s0 =	rddreg [dreg:$0x2]  }
0x4: {  	s2 =	simm.s32 $0x0;
	s11 =	simm.s32 $0x400;
	s12 =	simm.s32 $0x2  }
0x5: {  	s13 =	simm.s32 $0x0;
	s3 =	sand.u32 $0x1, s1;
	[smem:$0x7FF] =	sst s2  }
0x6: {  	s1 =	stileid.u32;
	s6 =	sshll.u32 s3, $0x4;
	_ =	strace $0x80000047  }
0x7: {  	s7 =	sshll.u32 s1, $0x4;
	s9 =	ssub.s32 $0x2, s3;
	s6 =	sor.u32 s1, s6  }
0x8: {  	s30 =	sshll.u32 s1, $0x7;
	s8 =	smul.u32 $0x2710, s6;
	s6 =	sshrl.u32 s6, $0x3  }
0x9: {  	s31 =	sand.u32 $0x7, s1;
	s3 =	sand.u32 $0x70, s7;
	s6 =	smul.u32 $0x14000, s6  }
0xa: {  	s10 =	sshrl.u32 s9, $0x1;
	s7 =	ssub.s32 s8, s3;
	s8 =	sand.u32 $0x380, s30  }
0xb: {  	s9 =	ssub.s32 s9, s10;
	s7 =	sshrl.u32 s7, $0x2;
	s6 =	sor.u32 s8, s6  }
0xc: {  	s10 =	simm.s32 $0x80;
	s7 =	sand.u32 $0xFFFFFE0, s7;
	s6 =	sshrl.u32 s6, $0x3  }
0xd: {  	s8 =	simm.s32 $0x1;
	s4 =	sadd.s32 s4, s7;
	s5 =	sadd.s32 s5, s6  }
0xe: {  	v0 =	vimm.f32 $0.0e+00;
	v1 =	vimm.f32 $1.000000000e+00;
	s6 =	smax.u32 s9, $0x1;
	s7 =	sshll.u32 s31, $0x5;
	s9 =	simm.s32 $0x4F00  }
.LBB2_1:
0xf: {  	[tilespmem:s2], [sflag:$0x1] =	stream.linear.gather [hbm4b:s4+s2], $0x4F00, $0x38;
	[tilespmem:$0x7700] =	vst v63  }
0x10: {  	s14 =	simm.s32 $0x40;
	s15 =	simm.s32 $0x0  }
.LBB2_2:
0x11: {  	p0 =	sne.s32 s14, $0x9FC0;
	[tilespmem:s15+$0x4F00] =	vst v0;
	s15 =	smov.u32 s14;
	s14 =	sadd.s32 $0x40, s14  }
.Ltmp0:
0x12: {  	(pc) =	sbr.rel @p0 .LBB2_2-.Ltmp0, $2  }
0x13: {  	_ =	sdelay $0x2  }
0x14: {  	s15 =	sshra.s32 s15, $0x2  }
0x15: {  	[tilespmem:s15+$0x4F00] =	vst v0  }
0x16: {  	s14 =	sadd.s32 $0x0, s3;
	_ =	swait.ge [sflag:s8], $0x4F00  }
0x17: {  	s31 =	sand.u32 $0xFF00, s7;
	s14 =	sand.u32 $0x70, s14;
	[sflag:s8] =	ssyncset.done $0x0  }
0x18: {  	s14 =	sor.u32 s14, s31;
	[sflag:s8] =	ssyncadd.s32 $0xFFFFB100  }
0x19: {  	v2 =	vld [tilespmem:s14+$0x80];
	_ =	sdelay $0x5  }
0x1a: {  	s16 =	sadd.s32 $0x10, s3;
	s15 =	simm.s32 $0x20;
	s14 =	sadd.s32 $0x20, s7  }
.LBB2_4:
0x1b: {  	p0 =	sne.s32 s15, $0x2700;
	s16 =	sand.u32 $0x70, s16;
	s17 =	sand.u32 $0xFF00, s14  }
0x1c: {  	s16 =	sor.u32 s16, s17;
	[tilespmem:v2+s9+$0x0] =	vst.idx.add.f32.msk $0xffff, v1  }
0x1d: {  	v2 =	vld [tilespmem:s16+$0x80];
	_ =	sdelay $0x1  }
.Ltmp1:
0x1e: {  	(pc) =	sbr.rel @p0 .LBB2_4-.Ltmp1, $2  }
0x1f: {  	_ =	sdelay $0x2  }
0x20: {  	s14 =	sadd.s32 $0x20, s14;
	s16 =	sadd.s32 s15, s3;
	s15 =	sadd.s32 $0x10, s15  }
0x21: {  	_ =	sdelay $0x2  }
0x22: {  	s15 =	sand.u32 $0x70, s16;
	s14 =	sand.u32 $0xFF00, s14  }
0x23: {  	[tilespmem:v2+s9+$0x0] =	vst.idx.add.f32.msk $0xffff, v1;
	s14 =	sor.u32 s15, s14  }
0x24: {  	v2 =	vld [tilespmem:s14+$0x80];
	_ =	sdelay $0x5  }
0x25: {  	s13 =	sadd.s32 $0x1, s13  }
0x26: {  	p0 =	sne.s32 s13, s6  }
.Ltmp2:
0x27: {  	[tilespmem:v2+s9+$0x0] =	vst.idx.add.f32.msk $0xffff, v1;
	(pc) =	sbr.rel @p0 .LBB2_1-.Ltmp2, $4  }
0x28: {  	[hbm4b:s5+s10] =	stream.strided.scatter [tilespmem:s9], [sflag:$0x2], $0x2800, s11, s10, $0x38;
	[tilespmem:$0x7700] =	vst v63  }
0x29: {  	_ =	swait.ge [sflag:s12], $0x2800  }
0x2a: {  	[sflag:s12] =	ssyncset.done $0x0  }
0x2b: {  	[sflag:s12] =	ssyncadd.s32 $0xFFFFD800  }
0x2c: {  	_ =	sfence.sel $0x180000  }
0x2d: {  	[bflag:$0x0] =	sbarrier.arrive $0xFFFF  }
0x2e: {  	p0 =	sne.s32 s1, $0x0;
	_ =	strace $0x90000047  }
0x2f: {  	s0 =	sadd.s32 @!p0 $0x100000, s0;
	[bflag:$0x2] =	sbarrier.arrive $0xFFFF  }
0x30: {  	[sflag:s0] =	ssyncadd.tile.s32 @!p0 $0x1;
	_ =	shalt  }
.Lfunc_end2:
_tile_overlayer_lowered:
.L_overlay_start_2:
0x31: {  	(tag) =	ssettag $0x2  }
0x32: {  	s0 =	rddreg [dreg:$0x0];
	s2 =	stileid.u32  }
0x33: {  	s1 =	rddreg [dreg:$0x1];
	p0 =	sne.s32 s2, $0x0  }
0x34: {  	s3 =	rddreg [dreg:$0x2];
	[bflag:$0x3] =	sbarrier.arrive $0xFFFF;
	s2 =	simm.s32 @!p0 $0x1C02  }
0x35: {  	[timem:s3], [sflag:s2] =	dma.local @!p0 [hbm:s0], s1  }
0x36: {  	s0 =	simm.s32 @!p0 $0x2  }
0x37: {  	_ =	swait.ge @!p0 [sflag:s0], s1  }
0x38: {  	s1 =	ssub.s32 @!p0 $0x0, s1;
	[sflag:s0] =	ssyncset.done @!p0 $0x0  }
0x39: {  	[sflag:s0] =	ssyncadd.s32 @!p0 s1  }
0x3a: {  	[bflag:$0x3] =	sbarrier.arrive $0xFFFF  }
0x3b: {  	_ =	shalt  }

</sc_bundles>
